<compile_context>
chip_gen: v7x
topology: tpu7x:2x2x1
jax: 0.10.2.dev20260603
libtpu: 0.0.44.dev20260713+nightly
codegen_flags: <defaults>
</compile_context>

<pallas_src>
import functools

import jax
import jax.numpy as jnp
from jax import lax
from jax.experimental import pallas as pl
from jax.experimental.pallas import tpu as pltpu
from jax.experimental.pallas import tpu_sc as plsc


def _sc_flatten_idx(B, HIST):
    info = plsc.get_sparse_core_info()
    nc, ns = info.num_cores, info.num_subcores
    nw = nc * ns
    assert B % nw == 0
    bpw = B // nw
    n = bpw * HIST
    offs = sorted({min(16 * k, HIST - 16) for k in range((HIST + 15) // 16)})

    mesh = plsc.VectorSubcoreMesh(core_axis_name="c", subcore_axis_name="s")

    @functools.partial(
        pl.kernel,
        mesh=mesh,
        out_type=jax.ShapeDtypeStruct((B * HIST,), jnp.int32),
        scratch_types=[
            pltpu.VMEM((bpw, HIST), jnp.int32),
            pltpu.VMEM((n,), jnp.int32),
        ],
    )
    def sc_flat(idx_hbm, out_hbm, v2, flat):
        wid = lax.axis_index("s") * nc + lax.axis_index("c")
        pltpu.sync_copy(idx_hbm.at[pl.ds(wid * bpw, bpw)], v2)

        def body(j, carry):
            for o in offs:
                flat[pl.ds(j * HIST + o, 16)] = v2[j, pl.ds(o, 16)]
            return carry

        lax.fori_loop(0, bpw, body, 0)
        pltpu.sync_copy(flat, out_hbm.at[pl.ds(wid * n, n)])

    return sc_flat


def _sc_gather_sum(B, HIST, D, ROWW):
    info = plsc.get_sparse_core_info()
    nc, ns = info.num_cores, info.num_subcores
    nw = nc * ns
    assert B % nw == 0
    bpw = B // nw

    n_vec = D // 16

    G = 1
    NBUF = 4
    GH = G * HIST
    NG = bpw // G
    U = 8
    assert bpw % (G * NBUF) == 0 and HIST % U == 0 and GH % 8 == 0
    chunks = [(o, min(128, GH - o)) for o in range(0, GH, 128)]
    assert all(o % 8 == 0 for o, _ in chunks)

    mesh = plsc.VectorSubcoreMesh(core_axis_name="c", subcore_axis_name="s")

    @functools.partial(
        pl.kernel,
        mesh=mesh,
        compiler_params=pltpu.CompilerParams(use_tc_tiling_on_sc=False),
        out_type=jax.ShapeDtypeStruct((B, D), jnp.float32),
        scratch_types=[
            pltpu.VMEM((bpw * HIST,), jnp.int32),
            pltpu.VMEM((NBUF, GH, ROWW), jnp.float32),
            pltpu.VMEM((bpw, D), jnp.float32),
        ] + [pltpu.SemaphoreType.DMA] * NBUF,
    )
    def sc_sum(idx_hbm, table_hbm, out_hbm, idx_v, rows_v, stage_v, *sems):
        wid = lax.axis_index("s") * nc + lax.axis_index("c")
        base = wid * bpw
        pltpu.sync_copy(idx_hbm.at[pl.ds(base * HIST, bpw * HIST)], idx_v)

        def _copies(g, buf):
            off = pl.multiple_of(g * GH, 8)
            return [pltpu.make_async_copy(
                        table_hbm.at[idx_v.at[pl.ds(off + o, l)]],
                        rows_v.at[buf, pl.ds(o, l)],
                        sems[buf])
                    for o, l in chunks]

        def issue(g, buf):
            for c in _copies(g, buf):
                c.start()

        def drain(g, buf):
            for c in _copies(g, buf):
                c.wait()

        zero = jnp.zeros((16,), jnp.float32)

        def accum(g, buf):
            for rr in range(G):
                def body(jj, accs, _rr=rr):
                    j0 = _rr * HIST + jj * U
                    for u in range(U):
                        accs = tuple(
                            accs[k] + rows_v[buf, j0 + u, pl.ds(16 * k, 16)]
                            for k in range(n_vec))
                    return accs

                accs = lax.fori_loop(0, HIST // U, body, (zero,) * n_vec)
                r_out = g * G + rr
                for k in range(n_vec):
                    stage_v[r_out, pl.ds(16 * k, 16)] = accs[k]

        for p in range(NBUF - 1):
            issue(p, p)

        def outer(i, carry):
            g0 = i * NBUF
            for b in range(NBUF):
                cur = g0 + b
                nxt = cur + NBUF - 1

                @pl.when(nxt < NG)
                def _(nxt=nxt, b=b):
                    issue(nxt, (b + NBUF - 1) % NBUF)

                drain(cur, b)
                accum(cur, b)
            return carry

        lax.fori_loop(0, NG // NBUF, outer, 0)
        pltpu.sync_copy(stage_v, out_hbm.at[pl.ds(base, bpw)])

    return sc_sum


def _tc_linear(sums, W, b2, scale):
    B, D = sums.shape
    OUT = W.shape[1]
    blk = 512 if B % 512 == 0 else B

    def body(s_ref, w_ref, b_ref, o_ref):
        o_ref[...] = jnp.dot(s_ref[...] * scale, w_ref[...],
                             preferred_element_type=jnp.float32) + b_ref[...]

    return pl.pallas_call(
        body,
        grid=(B // blk,),
        in_specs=[
            pl.BlockSpec((blk, D), lambda i: (i, 0)),
            pl.BlockSpec((D, OUT), lambda i: (0, 0)),
            pl.BlockSpec((1, OUT), lambda i: (0, 0)),
        ],
        out_specs=pl.BlockSpec((blk, OUT), lambda i: (i, 0)),
        out_shape=jax.ShapeDtypeStruct((B, OUT), jnp.float32),
    )(sums, W, b2)


def kernel(word_indices, embedding, W, b):
    B, HIST = word_indices.shape
    D = embedding.shape[1]
    idx_flat = _sc_flatten_idx(B, HIST)(word_indices.astype(jnp.int32))
    sums = _sc_gather_sum(B, HIST, D, D)(idx_flat, embedding)
    return _tc_linear(sums, W, b.reshape(1, -1), 1.0 / HIST)

# --- scband reference (transcript-rebuilt; emitter-appended) ---
"""Pipeline reference for scband-dan-10213432230391 (READ-ONLY COPY).

The authoritative reference and input builder live on the scoring server;
editing this copy changes nothing except your own understanding.
"""

import jax, jax.numpy as jnp
import numpy as np

VOCAB = 1000000
EMBED_DIM = 64
OUTPUT_DIM = 128
BATCH = 4096
HIST = 200


def setup_inputs(seed: int = 0) -> dict:
    key = jax.random.key(seed)
    k_idx, k_emb, k_w, k_b = jax.random.split(key, 4)
    word_indices = jax.random.randint(k_idx, (BATCH, HIST), 0, VOCAB, dtype=jnp.int64 if jax.config.jax_enable_x64 else jnp.int32)
    embedding = jax.random.normal(k_emb, (VOCAB, EMBED_DIM), dtype=jnp.float32) * 0.02
    W = jax.random.normal(k_w, (EMBED_DIM, OUTPUT_DIM), dtype=jnp.float32) * (1.0 / np.sqrt(EMBED_DIM))
    b = jnp.zeros((OUTPUT_DIM,), dtype=jnp.float32)
    return {"word_indices": word_indices, "embedding": embedding, "W": W, "b": b}


def reference(word_indices, embedding, W, b):
    # embeddings = self.embedding(word_indices)  -> gather rows
    embeddings = jnp.take(embedding, word_indices, axis=0)  # [B, L, D]
    # avg_embeddings = torch.mean(embeddings, dim=1)
    avg_embeddings = jnp.mean(embeddings, axis=1)  # [B, D]
    # output = self.linear(avg_embeddings)
    output = avg_embeddings @ W + b  # [B, OUTPUT_DIM]
    return output

if __name__ == "__main__":
    import jax
    _d = setup_inputs()
    print(jax.jit(kernel)(*tuple(_d.values())))

</pallas_src>

<mosaic_0001>
#map = affine_map<(d0, d1) -> (0, 0)>
#map1 = affine_map<(d0, d1) -> (0)>
module attributes {stable_mosaic.version = 14 : i64} {
  func.func @sc_flat(%arg0: i32, %arg1: i32, %arg2: memref<4096x200xi32, #tpu.memory_space<hbm>>, %arg3: memref<819200xi32, #tpu.memory_space<hbm>>, %arg4: memref<128x200xi32, #tpu.memory_space<vmem>>, %arg5: memref<25600xi32, #tpu.memory_space<vmem>>) attributes {dimension_semantics = [#tpu.dimension_semantics<core_parallel>, #tpu.dimension_semantics<subcore_parallel>], iteration_bounds = array<i64: 2, 16>, scalar_prefetch = 0 : i64, scratch_operands = 2 : i64, tpu.core_type = #tpu.core_type<sc_vector_subcore>, window_params = [{transform_indices = #map}, {transform_indices = #map1}]} {
    %mul3A = arith.constant 2 : i32
    %mul3A_0 = arith.muli %arg1, %mul3A : i32
    %add3A = arith.addi %mul3A_0, %arg0 : i32
    %mul3A_1 = arith.constant 128 : i32
    %mul3A_2 = arith.muli %add3A, %mul3A_1 : i32
    "tpu.region"() ({
      %run_scoped3A = tpu.sem_alloc : memref<!tpu.dma_semaphore, #tpu.memory_space<semaphore_mem>>
      %dma_start3A = arith.constant 0 : i32
      %dma_start3A_10 = tpu.memref_slice %arg2[%mul3A_2, %dma_start3A] : memref<4096x200xi32, #tpu.memory_space<hbm>> -> memref<128x200xi32, #tpu.memory_space<hbm>>
      %dma_start3A_11 = arith.constant 0 : i32
      %dma_start3A_12 = tpu.memref_slice %arg2[%mul3A_2, %dma_start3A_11] : memref<4096x200xi32, #tpu.memory_space<hbm>> -> memref<128x200xi32, #tpu.memory_space<hbm>>
      tpu.enqueue_dma source(%dma_start3A_12 : memref<128x200xi32, #tpu.memory_space<hbm>>) target(%arg4 : memref<128x200xi32, #tpu.memory_space<vmem>>) target_semaphore(%run_scoped3A : memref<!tpu.dma_semaphore, #tpu.memory_space<semaphore_mem>>)
      %dma_wait3A = arith.constant 0 : i32
      %dma_wait3A_13 = tpu.memref_slice %arg2[%mul3A_2, %dma_wait3A] : memref<4096x200xi32, #tpu.memory_space<hbm>> -> memref<128x200xi32, #tpu.memory_space<hbm>>
      %dma_wait3A_14 = arith.constant 0 : i32
      %dma_wait3A_15 = tpu.memref_slice %arg2[%mul3A_2, %dma_wait3A_14] : memref<4096x200xi32, #tpu.memory_space<hbm>> -> memref<128x200xi32, #tpu.memory_space<hbm>>
      tpu.wait_dma2 semaphore(%run_scoped3A : memref<!tpu.dma_semaphore, #tpu.memory_space<semaphore_mem>>) src(%dma_wait3A_15 : memref<128x200xi32, #tpu.memory_space<hbm>>) dst(%arg4 : memref<128x200xi32, #tpu.memory_space<vmem>>)
      tpu.yield
    }) : () -> ()
    %scan3A = arith.constant 0 : i32
    %scan3A_3 = arith.constant 0 : i32
    %scan3A_4 = arith.constant 128 : i32
    %scan3A_5 = arith.addi %scan3A_3, %scan3A_4 : i32
    %scan3A_6 = arith.constant 1 : i32
    scf.for %scan3A_10 = %scan3A_3 to %scan3A_5 step %scan3A_6  : i32 {
      %get3A = arith.index_cast %scan3A_10 : i32 to index
      %get3A_11 = arith.constant 0 : index
      %get3A_12 = tpu.vector_load %arg4[%get3A, %get3A_11] {strides = array<i32>} : memref<128x200xi32, #tpu.memory_space<vmem>>, vector<1x16xi32>,
      %get3A_13 = vector.shape_cast %get3A_12 : vector<1x16xi32> to vector<16xi32>
      %mul3A_14 = arith.constant 200 : i32
      %mul3A_15 = arith.muli %scan3A_10, %mul3A_14 : i32
      %add3A_16 = arith.constant 0 : i32
      %add3A_17 = arith.addi %mul3A_15, %add3A_16 : i32
      %swap3A = arith.index_cast %add3A_17 : i32 to index
      %swap3A_18 = tpu.vector_load %arg5[%swap3A] {strides = array<i32>} : memref<25600xi32, #tpu.memory_space<vmem>>, vector<16xi32>,
      %swap3A_19 = vector.shape_cast %swap3A_18 : vector<16xi32> to vector<16xi32>
      %swap3A_20 = vector.shape_cast %get3A_13 : vector<16xi32> to vector<16xi32>
      tpu.vector_store %arg5[%swap3A], %swap3A_20 {strides = array<i32>} : memref<25600xi32, #tpu.memory_space<vmem>>, vector<16xi32>,
      %get3A_21 = arith.index_cast %scan3A_10 : i32 to index
      %get3A_22 = arith.constant 16 : index
      %get3A_23 = tpu.vector_load %arg4[%get3A_21, %get3A_22] {strides = array<i32>} : memref<128x200xi32, #tpu.memory_space<vmem>>, vector<1x16xi32>,
      %get3A_24 = vector.shape_cast %get3A_23 : vector<1x16xi32> to vector<16xi32>
      %mul3A_25 = arith.constant 200 : i32
      %mul3A_26 = arith.muli %scan3A_10, %mul3A_25 : i32
      %add3A_27 = arith.constant 16 : i32
      %add3A_28 = arith.addi %mul3A_26, %add3A_27 : i32
      %swap3A_29 = arith.index_cast %add3A_28 : i32 to index
      %swap3A_30 = tpu.vector_load %arg5[%swap3A_29] {strides = array<i32>} : memref<25600xi32, #tpu.memory_space<vmem>>, vector<16xi32>,
      %swap3A_31 = vector.shape_cast %swap3A_30 : vector<16xi32> to vector<16xi32>
      %swap3A_32 = vector.shape_cast %get3A_24 : vector<16xi32> to vector<16xi32>
      tpu.vector_store %arg5[%swap3A_29], %swap3A_32 {strides = array<i32>} : memref<25600xi32, #tpu.memory_space<vmem>>, vector<16xi32>,
      %get3A_33 = arith.index_cast %scan3A_10 : i32 to index
      %get3A_34 = arith.constant 32 : index
      %get3A_35 = tpu.vector_load %arg4[%get3A_33, %get3A_34] {strides = array<i32>} : memref<128x200xi32, #tpu.memory_space<vmem>>, vector<1x16xi32>,
      %get3A_36 = vector.shape_cast %get3A_35 : vector<1x16xi32> to vector<16xi32>
      %mul3A_37 = arith.constant 200 : i32
      %mul3A_38 = arith.muli %scan3A_10, %mul3A_37 : i32
      %add3A_39 = arith.constant 32 : i32
      %add3A_40 = arith.addi %mul3A_38, %add3A_39 : i32
      %swap3A_41 = arith.index_cast %add3A_40 : i32 to index
      %swap3A_42 = tpu.vector_load %arg5[%swap3A_41] {strides = array<i32>} : memref<25600xi32, #tpu.memory_space<vmem>>, vector<16xi32>,
      %swap3A_43 = vector.shape_cast %swap3A_42 : vector<16xi32> to vector<16xi32>
      %swap3A_44 = vector.shape_cast %get3A_36 : vector<16xi32> to vector<16xi32>
      tpu.vector_store %arg5[%swap3A_41], %swap3A_44 {strides = array<i32>} : memref<25600xi32, #tpu.memory_space<vmem>>, vector<16xi32>,
      %get3A_45 = arith.index_cast %scan3A_10 : i32 to index
      %get3A_46 = arith.constant 48 : index
      %get3A_47 = tpu.vector_load %arg4[%get3A_45, %get3A_46] {strides = array<i32>} : memref<128x200xi32, #tpu.memory_space<vmem>>, vector<1x16xi32>,
      %get3A_48 = vector.shape_cast %get3A_47 : vector<1x16xi32> to vector<16xi32>
      %mul3A_49 = arith.constant 200 : i32
      %mul3A_50 = arith.muli %scan3A_10, %mul3A_49 : i32
      %add3A_51 = arith.constant 48 : i32
      %add3A_52 = arith.addi %mul3A_50, %add3A_51 : i32
      %swap3A_53 = arith.index_cast %add3A_52 : i32 to index
      %swap3A_54 = tpu.vector_load %arg5[%swap3A_53] {strides = array<i32>} : memref<25600xi32, #tpu.memory_space<vmem>>, vector<16xi32>,
      %swap3A_55 = vector.shape_cast %swap3A_54 : vector<16xi32> to vector<16xi32>
      %swap3A_56 = vector.shape_cast %get3A_48 : vector<16xi32> to vector<16xi32>
      tpu.vector_store %arg5[%swap3A_53], %swap3A_56 {strides = array<i32>} : memref<25600xi32, #tpu.memory_space<vmem>>, vector<16xi32>,
      %get3A_57 = arith.index_cast %scan3A_10 : i32 to index
      %get3A_58 = arith.constant 64 : index
      %get3A_59 = tpu.vector_load %arg4[%get3A_57, %get3A_58] {strides = array<i32>} : memref<128x200xi32, #tpu.memory_space<vmem>>, vector<1x16xi32>,
      %get3A_60 = vector.shape_cast %get3A_59 : vector<1x16xi32> to vector<16xi32>
      %mul3A_61 = arith.constant 200 : i32
      %mul3A_62 = arith.muli %scan3A_10, %mul3A_61 : i32
      %add3A_63 = arith.constant 64 : i32
      %add3A_64 = arith.addi %mul3A_62, %add3A_63 : i32
      %swap3A_65 = arith.index_cast %add3A_64 : i32 to index
      %swap3A_66 = tpu.vector_load %arg5[%swap3A_65] {strides = array<i32>} : memref<25600xi32, #tpu.memory_space<vmem>>, vector<16xi32>,
      %swap3A_67 = vector.shape_cast %swap3A_66 : vector<16xi32> to vector<16xi32>
      %swap3A_68 = vector.shape_cast %get3A_60 : vector<16xi32> to vector<16xi32>
      tpu.vector_store %arg5[%swap3A_65], %swap3A_68 {strides = array<i32>} : memref<25600xi32, #tpu.memory_space<vmem>>, vector<16xi32>,
      %get3A_69 = arith.index_cast %scan3A_10 : i32 to index
      %get3A_70 = arith.constant 80 : index
      %get3A_71 = tpu.vector_load %arg4[%get3A_69, %get3A_70] {strides = array<i32>} : memref<128x200xi32, #tpu.memory_space<vmem>>, vector<1x16xi32>,
      %get3A_72 = vector.shape_cast %get3A_71 : vector<1x16xi32> to vector<16xi32>
      %mul3A_73 = arith.constant 200 : i32
      %mul3A_74 = arith.muli %scan3A_10, %mul3A_73 : i32
      %add3A_75 = arith.constant 80 : i32
      %add3A_76 = arith.addi %mul3A_74, %add3A_75 : i32
      %swap3A_77 = arith.index_cast %add3A_76 : i32 to index
      %swap3A_78 = tpu.vector_load %arg5[%swap3A_77] {strides = array<i32>} : memref<25600xi32, #tpu.memory_space<vmem>>, vector<16xi32>,
      %swap3A_79 = vector.shape_cast %swap3A_78 : vector<16xi32> to vector<16xi32>
      %swap3A_80 = vector.shape_cast %get3A_72 : vector<16xi32> to vector<16xi32>
      tpu.vector_store %arg5[%swap3A_77], %swap3A_80 {strides = array<i32>} : memref<25600xi32, #tpu.memory_space<vmem>>, vector<16xi32>,
      %get3A_81 = arith.index_cast %scan3A_10 : i32 to index
      %get3A_82 = arith.constant 96 : index
      %get3A_83 = tpu.vector_load %arg4[%get3A_81, %get3A_82] {strides = array<i32>} : memref<128x200xi32, #tpu.memory_space<vmem>>, vector<1x16xi32>,
      %get3A_84 = vector.shape_cast %get3A_83 : vector<1x16xi32> to vector<16xi32>
      %mul3A_85 = arith.constant 200 : i32
      %mul3A_86 = arith.muli %scan3A_10, %mul3A_85 : i32
      %add3A_87 = arith.constant 96 : i32
      %add3A_88 = arith.addi %mul3A_86, %add3A_87 : i32
      %swap3A_89 = arith.index_cast %add3A_88 : i32 to index
      %swap3A_90 = tpu.vector_load %arg5[%swap3A_89] {strides = array<i32>} : memref<25600xi32, #tpu.memory_space<vmem>>, vector<16xi32>,
      %swap3A_91 = vector.shape_cast %swap3A_90 : vector<16xi32> to vector<16xi32>
      %swap3A_92 = vector.shape_cast %get3A_84 : vector<16xi32> to vector<16xi32>
      tpu.vector_store %arg5[%swap3A_89], %swap3A_92 {strides = array<i32>} : memref<25600xi32, #tpu.memory_space<vmem>>, vector<16xi32>,
      %get3A_93 = arith.index_cast %scan3A_10 : i32 to index
      %get3A_94 = arith.constant 112 : index
      %get3A_95 = tpu.vector_load %arg4[%get3A_93, %get3A_94] {strides = array<i32>} : memref<128x200xi32, #tpu.memory_space<vmem>>, vector<1x16xi32>,
      %get3A_96 = vector.shape_cast %get3A_95 : vector<1x16xi32> to vector<16xi32>
      %mul3A_97 = arith.constant 200 : i32
      %mul3A_98 = arith.muli %scan3A_10, %mul3A_97 : i32
      %add3A_99 = arith.constant 112 : i32
      %add3A_100 = arith.addi %mul3A_98, %add3A_99 : i32
      %swap3A_101 = arith.index_cast %add3A_100 : i32 to index
      %swap3A_102 = tpu.vector_load %arg5[%swap3A_101] {strides = array<i32>} : memref<25600xi32, #tpu.memory_space<vmem>>, vector<16xi32>,
      %swap3A_103 = vector.shape_cast %swap3A_102 : vector<16xi32> to vector<16xi32>
      %swap3A_104 = vector.shape_cast %get3A_96 : vector<16xi32> to vector<16xi32>
      tpu.vector_store %arg5[%swap3A_101], %swap3A_104 {strides = array<i32>} : memref<25600xi32, #tpu.memory_space<vmem>>, vector<16xi32>,
      %get3A_105 = arith.index_cast %scan3A_10 : i32 to index
      %get3A_106 = arith.constant 128 : index
      %get3A_107 = tpu.vector_load %arg4[%get3A_105, %get3A_106] {strides = array<i32>} : memref<128x200xi32, #tpu.memory_space<vmem>>, vector<1x16xi32>,
      %get3A_108 = vector.shape_cast %get3A_107 : vector<1x16xi32> to vector<16xi32>
      %mul3A_109 = arith.constant 200 : i32
      %mul3A_110 = arith.muli %scan3A_10, %mul3A_109 : i32
      %add3A_111 = arith.constant 128 : i32
      %add3A_112 = arith.addi %mul3A_110, %add3A_111 : i32
      %swap3A_113 = arith.index_cast %add3A_112 : i32 to index
      %swap3A_114 = tpu.vector_load %arg5[%swap3A_113] {strides = array<i32>} : memref<25600xi32, #tpu.memory_space<vmem>>, vector<16xi32>,
      %swap3A_115 = vector.shape_cast %swap3A_114 : vector<16xi32> to vector<16xi32>
      %swap3A_116 = vector.shape_cast %get3A_108 : vector<16xi32> to vector<16xi32>
      tpu.vector_store %arg5[%swap3A_113], %swap3A_116 {strides = array<i32>} : memref<25600xi32, #tpu.memory_space<vmem>>, vector<16xi32>,
      %get3A_117 = arith.index_cast %scan3A_10 : i32 to index
      %get3A_118 = arith.constant 144 : index
      %get3A_119 = tpu.vector_load %arg4[%get3A_117, %get3A_118] {strides = array<i32>} : memref<128x200xi32, #tpu.memory_space<vmem>>, vector<1x16xi32>,
      %get3A_120 = vector.shape_cast %get3A_119 : vector<1x16xi32> to vector<16xi32>
      %mul3A_121 = arith.constant 200 : i32
      %mul3A_122 = arith.muli %scan3A_10, %mul3A_121 : i32
      %add3A_123 = arith.constant 144 : i32
      %add3A_124 = arith.addi %mul3A_122, %add3A_123 : i32
      %swap3A_125 = arith.index_cast %add3A_124 : i32 to index
      %swap3A_126 = tpu.vector_load %arg5[%swap3A_125] {strides = array<i32>} : memref<25600xi32, #tpu.memory_space<vmem>>, vector<16xi32>,
      %swap3A_127 = vector.shape_cast %swap3A_126 : vector<16xi32> to vector<16xi32>
      %swap3A_128 = vector.shape_cast %get3A_120 : vector<16xi32> to vector<16xi32>
      tpu.vector_store %arg5[%swap3A_125], %swap3A_128 {strides = array<i32>} : memref<25600xi32, #tpu.memory_space<vmem>>, vector<16xi32>,
      %get3A_129 = arith.index_cast %scan3A_10 : i32 to index
      %get3A_130 = arith.constant 160 : index
      %get3A_131 = tpu.vector_load %arg4[%get3A_129, %get3A_130] {strides = array<i32>} : memref<128x200xi32, #tpu.memory_space<vmem>>, vector<1x16xi32>,
      %get3A_132 = vector.shape_cast %get3A_131 : vector<1x16xi32> to vector<16xi32>
      %mul3A_133 = arith.constant 200 : i32
      %mul3A_134 = arith.muli %scan3A_10, %mul3A_133 : i32
      %add3A_135 = arith.constant 160 : i32
      %add3A_136 = arith.addi %mul3A_134, %add3A_135 : i32
      %swap3A_137 = arith.index_cast %add3A_136 : i32 to index
      %swap3A_138 = tpu.vector_load %arg5[%swap3A_137] {strides = array<i32>} : memref<25600xi32, #tpu.memory_space<vmem>>, vector<16xi32>,
      %swap3A_139 = vector.shape_cast %swap3A_138 : vector<16xi32> to vector<16xi32>
      %swap3A_140 = vector.shape_cast %get3A_132 : vector<16xi32> to vector<16xi32>
      tpu.vector_store %arg5[%swap3A_137], %swap3A_140 {strides = array<i32>} : memref<25600xi32, #tpu.memory_space<vmem>>, vector<16xi32>,
      %get3A_141 = arith.index_cast %scan3A_10 : i32 to index
      %get3A_142 = arith.constant 176 : index
      %get3A_143 = tpu.vector_load %arg4[%get3A_141, %get3A_142] {strides = array<i32>} : memref<128x200xi32, #tpu.memory_space<vmem>>, vector<1x16xi32>,
      %get3A_144 = vector.shape_cast %get3A_143 : vector<1x16xi32> to vector<16xi32>
      %mul3A_145 = arith.constant 200 : i32
      %mul3A_146 = arith.muli %scan3A_10, %mul3A_145 : i32
      %add3A_147 = arith.constant 176 : i32
      %add3A_148 = arith.addi %mul3A_146, %add3A_147 : i32
      %swap3A_149 = arith.index_cast %add3A_148 : i32 to index
      %swap3A_150 = tpu.vector_load %arg5[%swap3A_149] {strides = array<i32>} : memref<25600xi32, #tpu.memory_space<vmem>>, vector<16xi32>,
      %swap3A_151 = vector.shape_cast %swap3A_150 : vector<16xi32> to vector<16xi32>
      %swap3A_152 = vector.shape_cast %get3A_144 : vector<16xi32> to vector<16xi32>
      tpu.vector_store %arg5[%swap3A_149], %swap3A_152 {strides = array<i32>} : memref<25600xi32, #tpu.memory_space<vmem>>, vector<16xi32>,
      %get3A_153 = arith.index_cast %scan3A_10 : i32 to index
      %get3A_154 = arith.constant 184 : index
      %get3A_155 = tpu.vector_load %arg4[%get3A_153, %get3A_154] {strides = array<i32>} : memref<128x200xi32, #tpu.memory_space<vmem>>, vector<1x16xi32>,
      %get3A_156 = vector.shape_cast %get3A_155 : vector<1x16xi32> to vector<16xi32>
      %mul3A_157 = arith.constant 200 : i32
      %mul3A_158 = arith.muli %scan3A_10, %mul3A_157 : i32
      %add3A_159 = arith.constant 184 : i32
      %add3A_160 = arith.addi %mul3A_158, %add3A_159 : i32
      %swap3A_161 = arith.index_cast %add3A_160 : i32 to index
      %swap3A_162 = tpu.vector_load %arg5[%swap3A_161] {strides = array<i32>} : memref<25600xi32, #tpu.memory_space<vmem>>, vector<16xi32>,
      %swap3A_163 = vector.shape_cast %swap3A_162 : vector<16xi32> to vector<16xi32>
      %swap3A_164 = vector.shape_cast %get3A_156 : vector<16xi32> to vector<16xi32>
      tpu.vector_store %arg5[%swap3A_161], %swap3A_164 {strides = array<i32>} : memref<25600xi32, #tpu.memory_space<vmem>>, vector<16xi32>,
    }
    %scan3A_7 = arith.constant 128 : i32
    %mul3A_8 = arith.constant 25600 : i32
    %mul3A_9 = arith.muli %add3A, %mul3A_8 : i32
    "tpu.region"() ({
      %run_scoped3A = tpu.sem_alloc : memref<!tpu.dma_semaphore, #tpu.memory_space<semaphore_mem>>
      %dma_start3A = tpu.memref_slice %arg3[%mul3A_9] : memref<819200xi32, #tpu.memory_space<hbm>> -> memref<25600xi32, #tpu.memory_space<hbm>>
      %dma_start3A_10 = tpu.memref_slice %arg3[%mul3A_9] : memref<819200xi32, #tpu.memory_space<hbm>> -> memref<25600xi32, #tpu.memory_space<hbm>>
      tpu.enqueue_dma source(%arg5 : memref<25600xi32, #tpu.memory_space<vmem>>) target(%dma_start3A_10 : memref<25600xi32, #tpu.memory_space<hbm>>) target_semaphore(%run_scoped3A : memref<!tpu.dma_semaphore, #tpu.memory_space<semaphore_mem>>)
      %dma_wait3A = tpu.memref_slice %arg3[%mul3A_9] : memref<819200xi32, #tpu.memory_space<hbm>> -> memref<25600xi32, #tpu.memory_space<hbm>>
      %dma_wait3A_11 = tpu.memref_slice %arg3[%mul3A_9] : memref<819200xi32, #tpu.memory_space<hbm>> -> memref<25600xi32, #tpu.memory_space<hbm>>
      tpu.wait_dma2 semaphore(%run_scoped3A : memref<!tpu.dma_semaphore, #tpu.memory_space<semaphore_mem>>) src(%arg5 : memref<25600xi32, #tpu.memory_space<vmem>>) dst(%dma_wait3A_11 : memref<25600xi32, #tpu.memory_space<hbm>>)
      tpu.yield
    }) : () -> ()
    return
  }
}

#map = affine_map<(d0, d1) -> (0)>
#map1 = affine_map<(d0, d1) -> (0, 0)>
module attributes {stable_mosaic.version = 14 : i64} {
  func.func @sc_sum(%arg0: i32, %arg1: i32, %arg2: memref<819200xi32, #tpu.memory_space<hbm>>, %arg3: memref<1000000x64xf32, #tpu.memory_space<hbm>>, %arg4: memref<4096x64xf32, #tpu.memory_space<hbm>>, %arg5: memref<25600xi32, #tpu.memory_space<vmem>>, %arg6: memref<4x200x64xf32, #tpu.memory_space<vmem>>, %arg7: memref<128x64xf32, #tpu.memory_space<vmem>>, %arg8: memref<!tpu.dma_semaphore, #tpu.memory_space<semaphore_mem>>, %arg9: memref<!tpu.dma_semaphore, #tpu.memory_space<semaphore_mem>>, %arg10: memref<!tpu.dma_semaphore, #tpu.memory_space<semaphore_mem>>, %arg11: memref<!tpu.dma_semaphore, #tpu.memory_space<semaphore_mem>>) attributes {dimension_semantics = [#tpu.dimension_semantics<core_parallel>, #tpu.dimension_semantics<subcore_parallel>], iteration_bounds = array<i64: 2, 16>, scalar_prefetch = 0 : i64, scratch_operands = 7 : i64, tpu.core_type = #tpu.core_type<sc_vector_subcore>, window_params = [{transform_indices = #map}, {transform_indices = #map1}, {transform_indices = #map1}]} {
    %mul3A = arith.constant 2 : i32
    %mul3A_0 = arith.muli %arg1, %mul3A : i32
    %add3A = arith.addi %mul3A_0, %arg0 : i32
    %mul3A_1 = arith.constant 128 : i32
    %mul3A_2 = arith.muli %add3A, %mul3A_1 : i32
    %mul3A_3 = arith.constant 200 : i32
    %mul3A_4 = arith.muli %mul3A_2, %mul3A_3 : i32
    "tpu.region"() ({
      %run_scoped3A = tpu.sem_alloc : memref<!tpu.dma_semaphore, #tpu.memory_space<semaphore_mem>>
      %dma_start3A_81 = tpu.memref_slice %arg2[%mul3A_4] : memref<819200xi32, #tpu.memory_space<hbm>> -> memref<25600xi32, #tpu.memory_space<hbm>>
      %dma_start3A_82 = tpu.memref_slice %arg2[%mul3A_4] : memref<819200xi32, #tpu.memory_space<hbm>> -> memref<25600xi32, #tpu.memory_space<hbm>>
      tpu.enqueue_dma source(%dma_start3A_82 : memref<25600xi32, #tpu.memory_space<hbm>>) target(%arg5 : memref<25600xi32, #tpu.memory_space<vmem>>) target_semaphore(%run_scoped3A : memref<!tpu.dma_semaphore, #tpu.memory_space<semaphore_mem>>)
      %dma_wait3A = tpu.memref_slice %arg2[%mul3A_4] : memref<819200xi32, #tpu.memory_space<hbm>> -> memref<25600xi32, #tpu.memory_space<hbm>>
      %dma_wait3A_83 = tpu.memref_slice %arg2[%mul3A_4] : memref<819200xi32, #tpu.memory_space<hbm>> -> memref<25600xi32, #tpu.memory_space<hbm>>
      tpu.wait_dma2 semaphore(%run_scoped3A : memref<!tpu.dma_semaphore, #tpu.memory_space<semaphore_mem>>) src(%dma_wait3A_83 : memref<25600xi32, #tpu.memory_space<hbm>>) dst(%arg5 : memref<25600xi32, #tpu.memory_space<vmem>>)
      tpu.yield
    }) : () -> ()
    %broadcast_in_dim3A = arith.constant 0.000000e+00 : f32
    %broadcast_in_dim3A_5 = vector.broadcast %broadcast_in_dim3A : f32 to vector<16xf32>
    %multiple_of3A = arith.constant 0 : i32
    %multiple_of3A_6 = tpu.assume_multiple %multiple_of3A, 8 : i32
    %add3A_7 = arith.constant 0 : i32
    %add3A_8 = arith.addi %multiple_of3A_6, %add3A_7 : i32
    %add3A_9 = arith.constant 128 : i32
    %add3A_10 = arith.addi %multiple_of3A_6, %add3A_9 : i32
    %dma_start3A = arith.constant 0 : i32
    %dma_start3A_11 = arith.constant 0 : i32
    %dma_start3A_12 = arith.constant 0 : i32
    %dma_start3A_13 = tpu.memref_slice %arg6[%dma_start3A, %dma_start3A_11, %dma_start3A_12] : memref<4x200x64xf32, #tpu.memory_space<vmem>> -> memref<1x128x64xf32, #tpu.memory_space<vmem>>
    %dma_start3A_14 = tpu.memref_squeeze %dma_start3A_13 : memref<1x128x64xf32, #tpu.memory_space<vmem>> -> memref<128x64xf32, #tpu.memory_space<vmem>>
    %dma_start3A_15 = tpu.memref_slice %arg5[%add3A_8] : memref<25600xi32, #tpu.memory_space<vmem>> -> memref<128xi32, #tpu.memory_space<vmem>>
    %dma_start3A_16 = arith.constant 0 : i32
    %dma_start3A_17 = arith.constant 0 : i32
    %dma_start3A_18 = tpu.memref_slice %arg3[%dma_start3A_16, %dma_start3A_17] : memref<1000000x64xf32, #tpu.memory_space<hbm>> -> memref<1000000x64xf32, #tpu.memory_space<hbm>>
    tpu.enqueue_indirect_dma source(%dma_start3A_18 : memref<1000000x64xf32, #tpu.memory_space<hbm>>) target(%dma_start3A_14 : memref<128x64xf32, #tpu.memory_space<vmem>>) offsets(%dma_start3A_15 : memref<128xi32, #tpu.memory_space<vmem>>) semaphore(%arg8 : memref<!tpu.dma_semaphore, #tpu.memory_space<semaphore_mem>>)
    %dma_start3A_19 = arith.constant 0 : i32
    %dma_start3A_20 = arith.constant 128 : i32
    %dma_start3A_21 = arith.constant 0 : i32
    %dma_start3A_22 = tpu.memref_slice %arg6[%dma_start3A_19, %dma_start3A_20, %dma_start3A_21] : memref<4x200x64xf32, #tpu.memory_space<vmem>> -> memref<1x72x64xf32, #tpu.memory_space<vmem>>
    %dma_start3A_23 = tpu.memref_squeeze %dma_start3A_22 : memref<1x72x64xf32, #tpu.memory_space<vmem>> -> memref<72x64xf32, #tpu.memory_space<vmem>>
    %dma_start3A_24 = tpu.memref_slice %arg5[%add3A_10] : memref<25600xi32, #tpu.memory_space<vmem>> -> memref<72xi32, #tpu.memory_space<vmem>>
    %dma_start3A_25 = arith.constant 0 : i32
    %dma_start3A_26 = arith.constant 0 : i32
    %dma_start3A_27 = tpu.memref_slice %arg3[%dma_start3A_25, %dma_start3A_26] : memref<1000000x64xf32, #tpu.memory_space<hbm>> -> memref<1000000x64xf32, #tpu.memory_space<hbm>>
    tpu.enqueue_indirect_dma source(%dma_start3A_27 : memref<1000000x64xf32, #tpu.memory_space<hbm>>) target(%dma_start3A_23 : memref<72x64xf32, #tpu.memory_space<vmem>>) offsets(%dma_start3A_24 : memref<72xi32, #tpu.memory_space<vmem>>) semaphore(%arg8 : memref<!tpu.dma_semaphore, #tpu.memory_space<semaphore_mem>>)
    %multiple_of3A_28 = arith.constant 200 : i32
    %multiple_of3A_29 = tpu.assume_multiple %multiple_of3A_28, 8 : i32
    %add3A_30 = arith.constant 0 : i32
    %add3A_31 = arith.addi %multiple_of3A_29, %add3A_30 : i32
    %add3A_32 = arith.constant 128 : i32
    %add3A_33 = arith.addi %multiple_of3A_29, %add3A_32 : i32
    %dma_start3A_34 = arith.constant 1 : i32
    %dma_start3A_35 = arith.constant 0 : i32
    %dma_start3A_36 = arith.constant 0 : i32
    %dma_start3A_37 = tpu.memref_slice %arg6[%dma_start3A_34, %dma_start3A_35, %dma_start3A_36] : memref<4x200x64xf32, #tpu.memory_space<vmem>> -> memref<1x128x64xf32, #tpu.memory_space<vmem>>
    %dma_start3A_38 = tpu.memref_squeeze %dma_start3A_37 : memref<1x128x64xf32, #tpu.memory_space<vmem>> -> memref<128x64xf32, #tpu.memory_space<vmem>>
    %dma_start3A_39 = tpu.memref_slice %arg5[%add3A_31] : memref<25600xi32, #tpu.memory_space<vmem>> -> memref<128xi32, #tpu.memory_space<vmem>>
    %dma_start3A_40 = arith.constant 0 : i32
    %dma_start3A_41 = arith.constant 0 : i32
    %dma_start3A_42 = tpu.memref_slice %arg3[%dma_start3A_40, %dma_start3A_41] : memref<1000000x64xf32, #tpu.memory_space<hbm>> -> memref<1000000x64xf32, #tpu.memory_space<hbm>>
    tpu.enqueue_indirect_dma source(%dma_start3A_42 : memref<1000000x64xf32, #tpu.memory_space<hbm>>) target(%dma_start3A_38 : memref<128x64xf32, #tpu.memory_space<vmem>>) offsets(%dma_start3A_39 : memref<128xi32, #tpu.memory_space<vmem>>) semaphore(%arg9 : memref<!tpu.dma_semaphore, #tpu.memory_space<semaphore_mem>>)
    %dma_start3A_43 = arith.constant 1 : i32
    %dma_start3A_44 = arith.constant 128 : i32
    %dma_start3A_45 = arith.constant 0 : i32
    %dma_start3A_46 = tpu.memref_slice %arg6[%dma_start3A_43, %dma_start3A_44, %dma_start3A_45] : memref<4x200x64xf32, #tpu.memory_space<vmem>> -> memref<1x72x64xf32, #tpu.memory_space<vmem>>
    %dma_start3A_47 = tpu.memref_squeeze %dma_start3A_46 : memref<1x72x64xf32, #tpu.memory_space<vmem>> -> memref<72x64xf32, #tpu.memory_space<vmem>>
    %dma_start3A_48 = tpu.memref_slice %arg5[%add3A_33] : memref<25600xi32, #tpu.memory_space<vmem>> -> memref<72xi32, #tpu.memory_space<vmem>>
    %dma_start3A_49 = arith.constant 0 : i32
    %dma_start3A_50 = arith.constant 0 : i32
    %dma_start3A_51 = tpu.memref_slice %arg3[%dma_start3A_49, %dma_start3A_50] : memref<1000000x64xf32, #tpu.memory_space<hbm>> -> memref<1000000x64xf32, #tpu.memory_space<hbm>>
    tpu.enqueue_indirect_dma source(%dma_start3A_51 : memref<1000000x64xf32, #tpu.memory_space<hbm>>) target(%dma_start3A_47 : memref<72x64xf32, #tpu.memory_space<vmem>>) offsets(%dma_start3A_48 : memref<72xi32, #tpu.memory_space<vmem>>) semaphore(%arg9 : memref<!tpu.dma_semaphore, #tpu.memory_space<semaphore_mem>>)
    %multiple_of3A_52 = arith.constant 400 : i32
    %multiple_of3A_53 = tpu.assume_multiple %multiple_of3A_52, 8 : i32
    %add3A_54 = arith.constant 0 : i32
    %add3A_55 = arith.addi %multiple_of3A_53, %add3A_54 : i32
    %add3A_56 = arith.constant 128 : i32
    %add3A_57 = arith.addi %multiple_of3A_53, %add3A_56 : i32
    %dma_start3A_58 = arith.constant 2 : i32
    %dma_start3A_59 = arith.constant 0 : i32
    %dma_start3A_60 = arith.constant 0 : i32
    %dma_start3A_61 = tpu.memref_slice %arg6[%dma_start3A_58, %dma_start3A_59, %dma_start3A_60] : memref<4x200x64xf32, #tpu.memory_space<vmem>> -> memref<1x128x64xf32, #tpu.memory_space<vmem>>
    %dma_start3A_62 = tpu.memref_squeeze %dma_start3A_61 : memref<1x128x64xf32, #tpu.memory_space<vmem>> -> memref<128x64xf32, #tpu.memory_space<vmem>>
    %dma_start3A_63 = tpu.memref_slice %arg5[%add3A_55] : memref<25600xi32, #tpu.memory_space<vmem>> -> memref<128xi32, #tpu.memory_space<vmem>>
    %dma_start3A_64 = arith.constant 0 : i32
    %dma_start3A_65 = arith.constant 0 : i32
    %dma_start3A_66 = tpu.memref_slice %arg3[%dma_start3A_64, %dma_start3A_65] : memref<1000000x64xf32, #tpu.memory_space<hbm>> -> memref<1000000x64xf32, #tpu.memory_space<hbm>>
    tpu.enqueue_indirect_dma source(%dma_start3A_66 : memref<1000000x64xf32, #tpu.memory_space<hbm>>) target(%dma_start3A_62 : memref<128x64xf32, #tpu.memory_space<vmem>>) offsets(%dma_start3A_63 : memref<128xi32, #tpu.memory_space<vmem>>) semaphore(%arg10 : memref<!tpu.dma_semaphore, #tpu.memory_space<semaphore_mem>>)
    %dma_start3A_67 = arith.constant 2 : i32
    %dma_start3A_68 = arith.constant 128 : i32
    %dma_start3A_69 = arith.constant 0 : i32
    %dma_start3A_70 = tpu.memref_slice %arg6[%dma_start3A_67, %dma_start3A_68, %dma_start3A_69] : memref<4x200x64xf32, #tpu.memory_space<vmem>> -> memref<1x72x64xf32, #tpu.memory_space<vmem>>
    %dma_start3A_71 = tpu.memref_squeeze %dma_start3A_70 : memref<1x72x64xf32, #tpu.memory_space<vmem>> -> memref<72x64xf32, #tpu.memory_space<vmem>>
    %dma_start3A_72 = tpu.memref_slice %arg5[%add3A_57] : memref<25600xi32, #tpu.memory_space<vmem>> -> memref<72xi32, #tpu.memory_space<vmem>>
    %dma_start3A_73 = arith.constant 0 : i32
    %dma_start3A_74 = arith.constant 0 : i32
    %dma_start3A_75 = tpu.memref_slice %arg3[%dma_start3A_73, %dma_start3A_74] : memref<1000000x64xf32, #tpu.memory_space<hbm>> -> memref<1000000x64xf32, #tpu.memory_space<hbm>>
    tpu.enqueue_indirect_dma source(%dma_start3A_75 : memref<1000000x64xf32, #tpu.memory_space<hbm>>) target(%dma_start3A_71 : memref<72x64xf32, #tpu.memory_space<vmem>>) offsets(%dma_start3A_72 : memref<72xi32, #tpu.memory_space<vmem>>) semaphore(%arg10 : memref<!tpu.dma_semaphore, #tpu.memory_space<semaphore_mem>>)
    %scan3A = arith.constant 0 : i32
    %scan3A_76 = arith.constant 0 : i32
    %scan3A_77 = arith.constant 32 : i32
    %scan3A_78 = arith.addi %scan3A_76, %scan3A_77 : i32
    %scan3A_79 = arith.constant 1 : i32
    scf.for %scan3A_81 = %scan3A_76 to %scan3A_78 step %scan3A_79  : i32 {
      %mul3A_82 = arith.constant 4 : i32
      %mul3A_83 = arith.muli %scan3A_81, %mul3A_82 : i32
      %add3A_84 = arith.constant 0 : i32
      %add3A_85 = arith.addi %mul3A_83, %add3A_84 : i32
      %add3A_86 = arith.constant 4 : i32
      %add3A_87 = arith.addi %add3A_85, %add3A_86 : i32
      %sub3A = arith.constant 1 : i32
      %sub3A_88 = arith.subi %add3A_87, %sub3A : i32
      %lt3A = arith.constant 128 : i32
      %lt3A_89 = arith.cmpi slt, %sub3A_88, %lt3A : i32
      %convert_element_type3A = arith.extui %lt3A_89 : i1 to i32
      %cond3A = arith.constant 0 : i32
      %cond3A_90 = arith.cmpi ne, %convert_element_type3A, %cond3A : i32
      scf.if %cond3A_90 {
        %mul3A_342 = arith.constant 200 : i32
        %mul3A_343 = arith.muli %sub3A_88, %mul3A_342 : i32
        %multiple_of3A_344 = tpu.assume_multiple %mul3A_343, 8 : i32
        %add3A_345 = arith.constant 0 : i32
        %add3A_346 = arith.addi %multiple_of3A_344, %add3A_345 : i32
        %add3A_347 = arith.constant 128 : i32
        %add3A_348 = arith.addi %multiple_of3A_344, %add3A_347 : i32
        %dma_start3A_349 = arith.constant 3 : i32
        %dma_start3A_350 = arith.constant 0 : i32
        %dma_start3A_351 = arith.constant 0 : i32
        %dma_start3A_352 = tpu.memref_slice %arg6[%dma_start3A_349, %dma_start3A_350, %dma_start3A_351] : memref<4x200x64xf32, #tpu.memory_space<vmem>> -> memref<1x128x64xf32, #tpu.memory_space<vmem>>
        %dma_start3A_353 = tpu.memref_squeeze %dma_start3A_352 : memref<1x128x64xf32, #tpu.memory_space<vmem>> -> memref<128x64xf32, #tpu.memory_space<vmem>>
        %dma_start3A_354 = tpu.memref_slice %arg5[%add3A_346] : memref<25600xi32, #tpu.memory_space<vmem>> -> memref<128xi32, #tpu.memory_space<vmem>>
        %dma_start3A_355 = arith.constant 0 : i32
        %dma_start3A_356 = arith.constant 0 : i32
        %dma_start3A_357 = tpu.memref_slice %arg3[%dma_start3A_355, %dma_start3A_356] : memref<1000000x64xf32, #tpu.memory_space<hbm>> -> memref<1000000x64xf32, #tpu.memory_space<hbm>>
        tpu.enqueue_indirect_dma source(%dma_start3A_357 : memref<1000000x64xf32, #tpu.memory_space<hbm>>) target(%dma_start3A_353 : memref<128x64xf32, #tpu.memory_space<vmem>>) offsets(%dma_start3A_354 : memref<128xi32, #tpu.memory_space<vmem>>) semaphore(%arg11 : memref<!tpu.dma_semaphore, #tpu.memory_space<semaphore_mem>>)
        %dma_start3A_358 = arith.constant 3 : i32
        %dma_start3A_359 = arith.constant 128 : i32
        %dma_start3A_360 = arith.constant 0 : i32
        %dma_start3A_361 = tpu.memref_slice %arg6[%dma_start3A_358, %dma_start3A_359, %dma_start3A_360] : memref<4x200x64xf32, #tpu.memory_space<vmem>> -> memref<1x72x64xf32, #tpu.memory_space<vmem>>
        %dma_start3A_362 = tpu.memref_squeeze %dma_start3A_361 : memref<1x72x64xf32, #tpu.memory_space<vmem>> -> memref<72x64xf32, #tpu.memory_space<vmem>>
        %dma_start3A_363 = tpu.memref_slice %arg5[%add3A_348] : memref<25600xi32, #tpu.memory_space<vmem>> -> memref<72xi32, #tpu.memory_space<vmem>>
        %dma_start3A_364 = arith.constant 0 : i32
        %dma_start3A_365 = arith.constant 0 : i32
        %dma_start3A_366 = tpu.memref_slice %arg3[%dma_start3A_364, %dma_start3A_365] : memref<1000000x64xf32, #tpu.memory_space<hbm>> -> memref<1000000x64xf32, #tpu.memory_space<hbm>>
        tpu.enqueue_indirect_dma source(%dma_start3A_366 : memref<1000000x64xf32, #tpu.memory_space<hbm>>) target(%dma_start3A_362 : memref<72x64xf32, #tpu.memory_space<vmem>>) offsets(%dma_start3A_363 : memref<72xi32, #tpu.memory_space<vmem>>) semaphore(%arg11 : memref<!tpu.dma_semaphore, #tpu.memory_space<semaphore_mem>>)
      } else {
      }
      %mul3A_91 = arith.constant 200 : i32
      %mul3A_92 = arith.muli %add3A_85, %mul3A_91 : i32
      %multiple_of3A_93 = tpu.assume_multiple %mul3A_92, 8 : i32
      %add3A_94 = arith.constant 0 : i32
      %add3A_95 = arith.addi %multiple_of3A_93, %add3A_94 : i32
      %add3A_96 = arith.constant 128 : i32
      %add3A_97 = arith.addi %multiple_of3A_93, %add3A_96 : i32
      %dma_wait3A = arith.constant 0 : i32
      %dma_wait3A_98 = arith.constant 0 : i32
      %dma_wait3A_99 = arith.constant 0 : i32
      %dma_wait3A_100 = tpu.memref_slice %arg6[%dma_wait3A, %dma_wait3A_98, %dma_wait3A_99] : memref<4x200x64xf32, #tpu.memory_space<vmem>> -> memref<1x128x64xf32, #tpu.memory_space<vmem>>
      %dma_wait3A_101 = tpu.memref_squeeze %dma_wait3A_100 : memref<1x128x64xf32, #tpu.memory_space<vmem>> -> memref<128x64xf32, #tpu.memory_space<vmem>>
      %dma_wait3A_102 = tpu.memref_slice %arg5[%add3A_95] : memref<25600xi32, #tpu.memory_space<vmem>> -> memref<128xi32, #tpu.memory_space<vmem>>
      %dma_wait3A_103 = arith.constant 0 : i32
      %dma_wait3A_104 = arith.constant 0 : i32
      %dma_wait3A_105 = tpu.memref_slice %arg3[%dma_wait3A_103, %dma_wait3A_104] : memref<1000000x64xf32, #tpu.memory_space<hbm>> -> memref<1000000x64xf32, #tpu.memory_space<hbm>>
      tpu.wait_indirect_dma semaphore(%arg8 : memref<!tpu.dma_semaphore, #tpu.memory_space<semaphore_mem>>) src(%dma_wait3A_105 : memref<1000000x64xf32, #tpu.memory_space<hbm>>) dst(%dma_wait3A_101 : memref<128x64xf32, #tpu.memory_space<vmem>>)
      %dma_wait3A_106 = arith.constant 0 : i32
      %dma_wait3A_107 = arith.constant 128 : i32
      %dma_wait3A_108 = arith.constant 0 : i32
      %dma_wait3A_109 = tpu.memref_slice %arg6[%dma_wait3A_106, %dma_wait3A_107, %dma_wait3A_108] : memref<4x200x64xf32, #tpu.memory_space<vmem>> -> memref<1x72x64xf32, #tpu.memory_space<vmem>>
      %dma_wait3A_110 = tpu.memref_squeeze %dma_wait3A_109 : memref<1x72x64xf32, #tpu.memory_space<vmem>> -> memref<72x64xf32, #tpu.memory_space<vmem>>
      %dma_wait3A_111 = tpu.memref_slice %arg5[%add3A_97] : memref<25600xi32, #tpu.memory_space<vmem>> -> memref<72xi32, #tpu.memory_space<vmem>>
      %dma_wait3A_112 = arith.constant 0 : i32
      %dma_wait3A_113 = arith.constant 0 : i32
      %dma_wait3A_114 = tpu.memref_slice %arg3[%dma_wait3A_112, %dma_wait3A_113] : memref<1000000x64xf32, #tpu.memory_space<hbm>> -> memref<1000000x64xf32, #tpu.memory_space<hbm>>
      tpu.wait_indirect_dma semaphore(%arg8 : memref<!tpu.dma_semaphore, #tpu.memory_space<semaphore_mem>>) src(%dma_wait3A_114 : memref<1000000x64xf32, #tpu.memory_space<hbm>>) dst(%dma_wait3A_110 : memref<72x64xf32, #tpu.memory_space<vmem>>)
      %scan3A_115 = arith.constant 0 : i32
      %scan3A_116 = arith.constant 25 : i32
      %scan3A_117 = arith.addi %scan3A_115, %scan3A_116 : i32
      %scan3A_118 = arith.constant 1 : i32
      %scan3A_119:4 = scf.for %scan3A_342 = %scan3A_115 to %scan3A_117 step %scan3A_118 iter_args(%scan3A_343 = %broadcast_in_dim3A_5, %scan3A_344 = %broadcast_in_dim3A_5, %scan3A_345 = %broadcast_in_dim3A_5, %scan3A_346 = %broadcast_in_dim3A_5) -> (vector<16xf32>, vector<16xf32>, vector<16xf32>, vector<16xf32>)  : i32 {
        %mul3A_347 = arith.constant 8 : i32
        %mul3A_348 = arith.muli %scan3A_342, %mul3A_347 : i32
        %add3A_349 = arith.constant 0 : i32
        %add3A_350 = arith.addi %add3A_349, %mul3A_348 : i32
        %add3A_351 = arith.constant 0 : i32
        %add3A_352 = arith.addi %add3A_350, %add3A_351 : i32
        %get3A = arith.constant 0 : i32
        %get3A_353 = arith.index_cast %get3A : i32 to index
        %get3A_354 = arith.index_cast %add3A_352 : i32 to index
        %get3A_355 = arith.constant 0 : index
        %get3A_356 = tpu.vector_load %arg6[%get3A_353, %get3A_354, %get3A_355] {strides = array<i32>} : memref<4x200x64xf32, #tpu.memory_space<vmem>>, vector<1x1x16xf32>,
        %get3A_357 = vector.shape_cast %get3A_356 : vector<1x1x16xf32> to vector<16xf32>
        %add3A_358 = arith.addf %scan3A_343, %get3A_357 : vector<16xf32>
        %add3A_359 = arith.constant 0 : i32
        %add3A_360 = arith.addi %add3A_350, %add3A_359 : i32
        %get3A_361 = arith.constant 0 : i32
        %get3A_362 = arith.index_cast %get3A_361 : i32 to index
        %get3A_363 = arith.index_cast %add3A_360 : i32 to index
        %get3A_364 = arith.constant 16 : index
        %get3A_365 = tpu.vector_load %arg6[%get3A_362, %get3A_363, %get3A_364] {strides = array<i32>} : memref<4x200x64xf32, #tpu.memory_space<vmem>>, vector<1x1x16xf32>,
        %get3A_366 = vector.shape_cast %get3A_365 : vector<1x1x16xf32> to vector<16xf32>
        %add3A_367 = arith.addf %scan3A_344, %get3A_366 : vector<16xf32>
        %add3A_368 = arith.constant 0 : i32
        %add3A_369 = arith.addi %add3A_350, %add3A_368 : i32
        %get3A_370 = arith.constant 0 : i32
        %get3A_371 = arith.index_cast %get3A_370 : i32 to index
        %get3A_372 = arith.index_cast %add3A_369 : i32 to index
        %get3A_373 = arith.constant 32 : index
        %get3A_374 = tpu.vector_load %arg6[%get3A_371, %get3A_372, %get3A_373] {strides = array<i32>} : memref<4x200x64xf32, #tpu.memory_space<vmem>>, vector<1x1x16xf32>,
        %get3A_375 = vector.shape_cast %get3A_374 : vector<1x1x16xf32> to vector<16xf32>
        %add3A_376 = arith.addf %scan3A_345, %get3A_375 : vector<16xf32>
        %add3A_377 = arith.constant 0 : i32
        %add3A_378 = arith.addi %add3A_350, %add3A_377 : i32
        %get3A_379 = arith.constant 0 : i32
        %get3A_380 = arith.index_cast %get3A_379 : i32 to index
        %get3A_381 = arith.index_cast %add3A_378 : i32 to index
        %get3A_382 = arith.constant 48 : index
        %get3A_383 = tpu.vector_load %arg6[%get3A_380, %get3A_381, %get3A_382] {strides = array<i32>} : memref<4x200x64xf32, #tpu.memory_space<vmem>>, vector<1x1x16xf32>,
        %get3A_384 = vector.shape_cast %get3A_383 : vector<1x1x16xf32> to vector<16xf32>
        %add3A_385 = arith.addf %scan3A_346, %get3A_384 : vector<16xf32>
        %add3A_386 = arith.constant 1 : i32
        %add3A_387 = arith.addi %add3A_350, %add3A_386 : i32
        %get3A_388 = arith.constant 0 : i32
        %get3A_389 = arith.index_cast %get3A_388 : i32 to index
        %get3A_390 = arith.index_cast %add3A_387 : i32 to index
        %get3A_391 = arith.constant 0 : index
        %get3A_392 = tpu.vector_load %arg6[%get3A_389, %get3A_390, %get3A_391] {strides = array<i32>} : memref<4x200x64xf32, #tpu.memory_space<vmem>>, vector<1x1x16xf32>,
        %get3A_393 = vector.shape_cast %get3A_392 : vector<1x1x16xf32> to vector<16xf32>
        %add3A_394 = arith.addf %add3A_358, %get3A_393 : vector<16xf32>
        %add3A_395 = arith.constant 1 : i32
        %add3A_396 = arith.addi %add3A_350, %add3A_395 : i32
        %get3A_397 = arith.constant 0 : i32
        %get3A_398 = arith.index_cast %get3A_397 : i32 to index
        %get3A_399 = arith.index_cast %add3A_396 : i32 to index
        %get3A_400 = arith.constant 16 : index
        %get3A_401 = tpu.vector_load %arg6[%get3A_398, %get3A_399, %get3A_400] {strides = array<i32>} : memref<4x200x64xf32, #tpu.memory_space<vmem>>, vector<1x1x16xf32>,
        %get3A_402 = vector.shape_cast %get3A_401 : vector<1x1x16xf32> to vector<16xf32>
        %add3A_403 = arith.addf %add3A_367, %get3A_402 : vector<16xf32>
        %add3A_404 = arith.constant 1 : i32
        %add3A_405 = arith.addi %add3A_350, %add3A_404 : i32
        %get3A_406 = arith.constant 0 : i32
        %get3A_407 = arith.index_cast %get3A_406 : i32 to index
        %get3A_408 = arith.index_cast %add3A_405 : i32 to index
        %get3A_409 = arith.constant 32 : index
        %get3A_410 = tpu.vector_load %arg6[%get3A_407, %get3A_408, %get3A_409] {strides = array<i32>} : memref<4x200x64xf32, #tpu.memory_space<vmem>>, vector<1x1x16xf32>,
        %get3A_411 = vector.shape_cast %get3A_410 : vector<1x1x16xf32> to vector<16xf32>
        %add3A_412 = arith.addf %add3A_376, %get3A_411 : vector<16xf32>
        %add3A_413 = arith.constant 1 : i32
        %add3A_414 = arith.addi %add3A_350, %add3A_413 : i32
        %get3A_415 = arith.constant 0 : i32
        %get3A_416 = arith.index_cast %get3A_415 : i32 to index
        %get3A_417 = arith.index_cast %add3A_414 : i32 to index
        %get3A_418 = arith.constant 48 : index
        %get3A_419 = tpu.vector_load %arg6[%get3A_416, %get3A_417, %get3A_418] {strides = array<i32>} : memref<4x200x64xf32, #tpu.memory_space<vmem>>, vector<1x1x16xf32>,
        %get3A_420 = vector.shape_cast %get3A_419 : vector<1x1x16xf32> to vector<16xf32>
        %add3A_421 = arith.addf %add3A_385, %get3A_420 : vector<16xf32>
        %add3A_422 = arith.constant 2 : i32
        %add3A_423 = arith.addi %add3A_350, %add3A_422 : i32
        %get3A_424 = arith.constant 0 : i32
        %get3A_425 = arith.index_cast %get3A_424 : i32 to index
        %get3A_426 = arith.index_cast %add3A_423 : i32 to index
        %get3A_427 = arith.constant 0 : index
        %get3A_428 = tpu.vector_load %arg6[%get3A_425, %get3A_426, %get3A_427] {strides = array<i32>} : memref<4x200x64xf32, #tpu.memory_space<vmem>>, vector<1x1x16xf32>,
        %get3A_429 = vector.shape_cast %get3A_428 : vector<1x1x16xf32> to vector<16xf32>
        %add3A_430 = arith.addf %add3A_394, %get3A_429 : vector<16xf32>
        %add3A_431 = arith.constant 2 : i32
        %add3A_432 = arith.addi %add3A_350, %add3A_431 : i32
        %get3A_433 = arith.constant 0 : i32
        %get3A_434 = arith.index_cast %get3A_433 : i32 to index
        %get3A_435 = arith.index_cast %add3A_432 : i32 to index
        %get3A_436 = arith.constant 16 : index
        %get3A_437 = tpu.vector_load %arg6[%get3A_434, %get3A_435, %get3A_436] {strides = array<i32>} : memref<4x200x64xf32, #tpu.memory_space<vmem>>, vector<1x1x16xf32>,
        %get3A_438 = vector.shape_cast %get3A_437 : vector<1x1x16xf32> to vector<16xf32>
        %add3A_439 = arith.addf %add3A_403, %get3A_438 : vector<16xf32>
        %add3A_440 = arith.constant 2 : i32
        %add3A_441 = arith.addi %add3A_350, %add3A_440 : i32
        %get3A_442 = arith.constant 0 : i32
        %get3A_443 = arith.index_cast %get3A_442 : i32 to index
        %get3A_444 = arith.index_cast %add3A_441 : i32 to index
        %get3A_445 = arith.constant 32 : index
        %get3A_446 = tpu.vector_load %arg6[%get3A_443, %get3A_444, %get3A_445] {strides = array<i32>} : memref<4x200x64xf32, #tpu.memory_space<vmem>>, vector<1x1x16xf32>,
        %get3A_447 = vector.shape_cast %get3A_446 : vector<1x1x16xf32> to vector<16xf32>
        %add3A_448 = arith.addf %add3A_412, %get3A_447 : vector<16xf32>
        %add3A_449 = arith.constant 2 : i32
        %add3A_450 = arith.addi %add3A_350, %add3A_449 : i32
        %get3A_451 = arith.constant 0 : i32
        %get3A_452 = arith.index_cast %get3A_451 : i32 to index
        %get3A_453 = arith.index_cast %add3A_450 : i32 to index
        %get3A_454 = arith.constant 48 : index
        %get3A_455 = tpu.vector_load %arg6[%get3A_452, %get3A_453, %get3A_454] {strides = array<i32>} : memref<4x200x64xf32, #tpu.memory_space<vmem>>, vector<1x1x16xf32>,
        %get3A_456 = vector.shape_cast %get3A_455 : vector<1x1x16xf32> to vector<16xf32>
        %add3A_457 = arith.addf %add3A_421, %get3A_456 : vector<16xf32>
        %add3A_458 = arith.constant 3 : i32
        %add3A_459 = arith.addi %add3A_350, %add3A_458 : i32
        %get3A_460 = arith.constant 0 : i32
        %get3A_461 = arith.index_cast %get3A_460 : i32 to index
        %get3A_462 = arith.index_cast %add3A_459 : i32 to index
        %get3A_463 = arith.constant 0 : index
        %get3A_464 = tpu.vector_load %arg6[%get3A_461, %get3A_462, %get3A_463] {strides = array<i32>} : memref<4x200x64xf32, #tpu.memory_space<vmem>>, vector<1x1x16xf32>,
        %get3A_465 = vector.shape_cast %get3A_464 : vector<1x1x16xf32> to vector<16xf32>
        %add3A_466 = arith.addf %add3A_430, %get3A_465 : vector<16xf32>
        %add3A_467 = arith.constant 3 : i32
        %add3A_468 = arith.addi %add3A_350, %add3A_467 : i32
        %get3A_469 = arith.constant 0 : i32
        %get3A_470 = arith.index_cast %get3A_469 : i32 to index
        %get3A_471 = arith.index_cast %add3A_468 : i32 to index
        %get3A_472 = arith.constant 16 : index
        %get3A_473 = tpu.vector_load %arg6[%get3A_470, %get3A_471, %get3A_472] {strides = array<i32>} : memref<4x200x64xf32, #tpu.memory_space<vmem>>, vector<1x1x16xf32>,
        %get3A_474 = vector.shape_cast %get3A_473 : vector<1x1x16xf32> to vector<16xf32>
        %add3A_475 = arith.addf %add3A_439, %get3A_474 : vector<16xf32>
        %add3A_476 = arith.constant 3 : i32
        %add3A_477 = arith.addi %add3A_350, %add3A_476 : i32
        %get3A_478 = arith.constant 0 : i32
        %get3A_479 = arith.index_cast %get3A_478 : i32 to index
        %get3A_480 = arith.index_cast %add3A_477 : i32 to index
        %get3A_481 = arith.constant 32 : index
        %get3A_482 = tpu.vector_load %arg6[%get3A_479, %get3A_480, %get3A_481] {strides = array<i32>} : memref<4x200x64xf32, #tpu.memory_space<vmem>>, vector<1x1x16xf32>,
        %get3A_483 = vector.shape_cast %get3A_482 : vector<1x1x16xf32> to vector<16xf32>
        %add3A_484 = arith.addf %add3A_448, %get3A_483 : vector<16xf32>
        %add3A_485 = arith.constant 3 : i32
        %add3A_486 = arith.addi %add3A_350, %add3A_485 : i32
        %get3A_487 = arith.constant 0 : i32
        %get3A_488 = arith.index_cast %get3A_487 : i32 to index
        %get3A_489 = arith.index_cast %add3A_486 : i32 to index
        %get3A_490 = arith.constant 48 : index
        %get3A_491 = tpu.vector_load %arg6[%get3A_488, %get3A_489, %get3A_490] {strides = array<i32>} : memref<4x200x64xf32, #tpu.memory_space<vmem>>, vector<1x1x16xf32>,
        %get3A_492 = vector.shape_cast %get3A_491 : vector<1x1x16xf32> to vector<16xf32>
        %add3A_493 = arith.addf %add3A_457, %get3A_492 : vector<16xf32>
        %add3A_494 = arith.constant 4 : i32
        %add3A_495 = arith.addi %add3A_350, %add3A_494 : i32
        %get3A_496 = arith.constant 0 : i32
        %get3A_497 = arith.index_cast %get3A_496 : i32 to index
        %get3A_498 = arith.index_cast %add3A_495 : i32 to index
        %get3A_499 = arith.constant 0 : index
        %get3A_500 = tpu.vector_load %arg6[%get3A_497, %get3A_498, %get3A_499] {strides = array<i32>} : memref<4x200x64xf32, #tpu.memory_space<vmem>>, vector<1x1x16xf32>,
        %get3A_501 = vector.shape_cast %get3A_500 : vector<1x1x16xf32> to vector<16xf32>
        %add3A_502 = arith.addf %add3A_466, %get3A_501 : vector<16xf32>
        %add3A_503 = arith.constant 4 : i32
        %add3A_504 = arith.addi %add3A_350, %add3A_503 : i32
        %get3A_505 = arith.constant 0 : i32
        %get3A_506 = arith.index_cast %get3A_505 : i32 to index
        %get3A_507 = arith.index_cast %add3A_504 : i32 to index
        %get3A_508 = arith.constant 16 : index
        %get3A_509 = tpu.vector_load %arg6[%get3A_506, %get3A_507, %get3A_508] {strides = array<i32>} : memref<4x200x64xf32, #tpu.memory_space<vmem>>, vector<1x1x16xf32>,
        %get3A_510 = vector.shape_cast %get3A_509 : vector<1x1x16xf32> to vector<16xf32>
        %add3A_511 = arith.addf %add3A_475, %get3A_510 : vector<16xf32>
        %add3A_512 = arith.constant 4 : i32
        %add3A_513 = arith.addi %add3A_350, %add3A_512 : i32
        %get3A_514 = arith.constant 0 : i32
        %get3A_515 = arith.index_cast %get3A_514 : i32 to index
        %get3A_516 = arith.index_cast %add3A_513 : i32 to index
        %get3A_517 = arith.constant 32 : index
        %get3A_518 = tpu.vector_load %arg6[%get3A_515, %get3A_516, %get3A_517] {strides = array<i32>} : memref<4x200x64xf32, #tpu.memory_space<vmem>>, vector<1x1x16xf32>,
        %get3A_519 = vector.shape_cast %get3A_518 : vector<1x1x16xf32> to vector<16xf32>
        %add3A_520 = arith.addf %add3A_484, %get3A_519 : vector<16xf32>
        %add3A_521 = arith.constant 4 : i32
        %add3A_522 = arith.addi %add3A_350, %add3A_521 : i32
        %get3A_523 = arith.constant 0 : i32
        %get3A_524 = arith.index_cast %get3A_523 : i32 to index
        %get3A_525 = arith.index_cast %add3A_522 : i32 to index
        %get3A_526 = arith.constant 48 : index
        %get3A_527 = tpu.vector_load %arg6[%get3A_524, %get3A_525, %get3A_526] {strides = array<i32>} : memref<4x200x64xf32, #tpu.memory_space<vmem>>, vector<1x1x16xf32>,
        %get3A_528 = vector.shape_cast %get3A_527 : vector<1x1x16xf32> to vector<16xf32>
        %add3A_529 = arith.addf %add3A_493, %get3A_528 : vector<16xf32>
        %add3A_530 = arith.constant 5 : i32
        %add3A_531 = arith.addi %add3A_350, %add3A_530 : i32
        %get3A_532 = arith.constant 0 : i32
        %get3A_533 = arith.index_cast %get3A_532 : i32 to index
        %get3A_534 = arith.index_cast %add3A_531 : i32 to index
        %get3A_535 = arith.constant 0 : index
        %get3A_536 = tpu.vector_load %arg6[%get3A_533, %get3A_534, %get3A_535] {strides = array<i32>} : memref<4x200x64xf32, #tpu.memory_space<vmem>>, vector<1x1x16xf32>,
        %get3A_537 = vector.shape_cast %get3A_536 : vector<1x1x16xf32> to vector<16xf32>
        %add3A_538 = arith.addf %add3A_502, %get3A_537 : vector<16xf32>
        %add3A_539 = arith.constant 5 : i32
        %add3A_540 = arith.addi %add3A_350, %add3A_539 : i32
        %get3A_541 = arith.constant 0 : i32
        %get3A_542 = arith.index_cast %get3A_541 : i32 to index
        %get3A_543 = arith.index_cast %add3A_540 : i32 to index
        %get3A_544 = arith.constant 16 : index
        %get3A_545 = tpu.vector_load %arg6[%get3A_542, %get3A_543, %get3A_544] {strides = array<i32>} : memref<4x200x64xf32, #tpu.memory_space<vmem>>, vector<1x1x16xf32>,
        %get3A_546 = vector.shape_cast %get3A_545 : vector<1x1x16xf32> to vector<16xf32>
        %add3A_547 = arith.addf %add3A_511, %get3A_546 : vector<16xf32>
        %add3A_548 = arith.constant 5 : i32
        %add3A_549 = arith.addi %add3A_350, %add3A_548 : i32
        %get3A_550 = arith.constant 0 : i32
        %get3A_551 = arith.index_cast %get3A_550 : i32 to index
        %get3A_552 = arith.index_cast %add3A_549 : i32 to index
        %get3A_553 = arith.constant 32 : index
        %get3A_554 = tpu.vector_load %arg6[%get3A_551, %get3A_552, %get3A_553] {strides = array<i32>} : memref<4x200x64xf32, #tpu.memory_space<vmem>>, vector<1x1x16xf32>,
        %get3A_555 = vector.shape_cast %get3A_554 : vector<1x1x16xf32> to vector<16xf32>
        %add3A_556 = arith.addf %add3A_520, %get3A_555 : vector<16xf32>
        %add3A_557 = arith.constant 5 : i32
        %add3A_558 = arith.addi %add3A_350, %add3A_557 : i32
        %get3A_559 = arith.constant 0 : i32
        %get3A_560 = arith.index_cast %get3A_559 : i32 to index
        %get3A_561 = arith.index_cast %add3A_558 : i32 to index
        %get3A_562 = arith.constant 48 : index
        %get3A_563 = tpu.vector_load %arg6[%get3A_560, %get3A_561, %get3A_562] {strides = array<i32>} : memref<4x200x64xf32, #tpu.memory_space<vmem>>, vector<1x1x16xf32>,
        %get3A_564 = vector.shape_cast %get3A_563 : vector<1x1x16xf32> to vector<16xf32>
        %add3A_565 = arith.addf %add3A_529, %get3A_564 : vector<16xf32>
        %add3A_566 = arith.constant 6 : i32
        %add3A_567 = arith.addi %add3A_350, %add3A_566 : i32
        %get3A_568 = arith.constant 0 : i32
        %get3A_569 = arith.index_cast %get3A_568 : i32 to index
        %get3A_570 = arith.index_cast %add3A_567 : i32 to index
        %get3A_571 = arith.constant 0 : index
        %get3A_572 = tpu.vector_load %arg6[%get3A_569, %get3A_570, %get3A_571] {strides = array<i32>} : memref<4x200x64xf32, #tpu.memory_space<vmem>>, vector<1x1x16xf32>,
        %get3A_573 = vector.shape_cast %get3A_572 : vector<1x1x16xf32> to vector<16xf32>
        %add3A_574 = arith.addf %add3A_538, %get3A_573 : vector<16xf32>
        %add3A_575 = arith.constant 6 : i32
        %add3A_576 = arith.addi %add3A_350, %add3A_575 : i32
        %get3A_577 = arith.constant 0 : i32
        %get3A_578 = arith.index_cast %get3A_577 : i32 to index
        %get3A_579 = arith.index_cast %add3A_576 : i32 to index
        %get3A_580 = arith.constant 16 : index
        %get3A_581 = tpu.vector_load %arg6[%get3A_578, %get3A_579, %get3A_580] {strides = array<i32>} : memref<4x200x64xf32, #tpu.memory_space<vmem>>, vector<1x1x16xf32>,
        %get3A_582 = vector.shape_cast %get3A_581 : vector<1x1x16xf32> to vector<16xf32>
        %add3A_583 = arith.addf %add3A_547, %get3A_582 : vector<16xf32>
        %add3A_584 = arith.constant 6 : i32
        %add3A_585 = arith.addi %add3A_350, %add3A_584 : i32
        %get3A_586 = arith.constant 0 : i32
        %get3A_587 = arith.index_cast %get3A_586 : i32 to index
        %get3A_588 = arith.index_cast %add3A_585 : i32 to index
        %get3A_589 = arith.constant 32 : index
        %get3A_590 = tpu.vector_load %arg6[%get3A_587, %get3A_588, %get3A_589] {strides = array<i32>} : memref<4x200x64xf32, #tpu.memory_space<vmem>>, vector<1x1x16xf32>,
        %get3A_591 = vector.shape_cast %get3A_590 : vector<1x1x16xf32> to vector<16xf32>
        %add3A_592 = arith.addf %add3A_556, %get3A_591 : vector<16xf32>
        %add3A_593 = arith.constant 6 : i32
        %add3A_594 = arith.addi %add3A_350, %add3A_593 : i32
        %get3A_595 = arith.constant 0 : i32
        %get3A_596 = arith.index_cast %get3A_595 : i32 to index
        %get3A_597 = arith.index_cast %add3A_594 : i32 to index
        %get3A_598 = arith.constant 48 : index
        %get3A_599 = tpu.vector_load %arg6[%get3A_596, %get3A_597, %get3A_598] {strides = array<i32>} : memref<4x200x64xf32, #tpu.memory_space<vmem>>, vector<1x1x16xf32>,
        %get3A_600 = vector.shape_cast %get3A_599 : vector<1x1x16xf32> to vector<16xf32>
        %add3A_601 = arith.addf %add3A_565, %get3A_600 : vector<16xf32>
        %add3A_602 = arith.constant 7 : i32
        %add3A_603 = arith.addi %add3A_350, %add3A_602 : i32
        %get3A_604 = arith.constant 0 : i32
        %get3A_605 = arith.index_cast %get3A_604 : i32 to index
        %get3A_606 = arith.index_cast %add3A_603 : i32 to index
        %get3A_607 = arith.constant 0 : index
        %get3A_608 = tpu.vector_load %arg6[%get3A_605, %get3A_606, %get3A_607] {strides = array<i32>} : memref<4x200x64xf32, #tpu.memory_space<vmem>>, vector<1x1x16xf32>,
        %get3A_609 = vector.shape_cast %get3A_608 : vector<1x1x16xf32> to vector<16xf32>
        %add3A_610 = arith.addf %add3A_574, %get3A_609 : vector<16xf32>
        %add3A_611 = arith.constant 7 : i32
        %add3A_612 = arith.addi %add3A_350, %add3A_611 : i32
        %get3A_613 = arith.constant 0 : i32
        %get3A_614 = arith.index_cast %get3A_613 : i32 to index
        %get3A_615 = arith.index_cast %add3A_612 : i32 to index
        %get3A_616 = arith.constant 16 : index
        %get3A_617 = tpu.vector_load %arg6[%get3A_614, %get3A_615, %get3A_616] {strides = array<i32>} : memref<4x200x64xf32, #tpu.memory_space<vmem>>, vector<1x1x16xf32>,
        %get3A_618 = vector.shape_cast %get3A_617 : vector<1x1x16xf32> to vector<16xf32>
        %add3A_619 = arith.addf %add3A_583, %get3A_618 : vector<16xf32>
        %add3A_620 = arith.constant 7 : i32
        %add3A_621 = arith.addi %add3A_350, %add3A_620 : i32
        %get3A_622 = arith.constant 0 : i32
        %get3A_623 = arith.index_cast %get3A_622 : i32 to index
        %get3A_624 = arith.index_cast %add3A_621 : i32 to index
        %get3A_625 = arith.constant 32 : index
        %get3A_626 = tpu.vector_load %arg6[%get3A_623, %get3A_624, %get3A_625] {strides = array<i32>} : memref<4x200x64xf32, #tpu.memory_space<vmem>>, vector<1x1x16xf32>,
        %get3A_627 = vector.shape_cast %get3A_626 : vector<1x1x16xf32> to vector<16xf32>
        %add3A_628 = arith.addf %add3A_592, %get3A_627 : vector<16xf32>
        %add3A_629 = arith.constant 7 : i32
        %add3A_630 = arith.addi %add3A_350, %add3A_629 : i32
        %get3A_631 = arith.constant 0 : i32
        %get3A_632 = arith.index_cast %get3A_631 : i32 to index
        %get3A_633 = arith.index_cast %add3A_630 : i32 to index
        %get3A_634 = arith.constant 48 : index
        %get3A_635 = tpu.vector_load %arg6[%get3A_632, %get3A_633, %get3A_634] {strides = array<i32>} : memref<4x200x64xf32, #tpu.memory_space<vmem>>, vector<1x1x16xf32>,
        %get3A_636 = vector.shape_cast %get3A_635 : vector<1x1x16xf32> to vector<16xf32>
        %add3A_637 = arith.addf %add3A_601, %get3A_636 : vector<16xf32>
        scf.yield %add3A_610, %add3A_619, %add3A_628, %add3A_637 : vector<16xf32>, vector<16xf32>, vector<16xf32>, vector<16xf32>
      }
      %scan3A_120 = arith.constant 25 : i32
      %mul3A_121 = arith.constant 1 : i32
      %mul3A_122 = arith.muli %add3A_85, %mul3A_121 : i32
      %add3A_123 = arith.constant 0 : i32
      %add3A_124 = arith.addi %mul3A_122, %add3A_123 : i32
      %swap3A = arith.index_cast %add3A_124 : i32 to index
      %swap3A_125 = arith.constant 0 : index
      %swap3A_126 = tpu.vector_load %arg7[%swap3A, %swap3A_125] {strides = array<i32>} : memref<128x64xf32, #tpu.memory_space<vmem>>, vector<1x16xf32>,
      %swap3A_127 = vector.shape_cast %swap3A_126 : vector<1x16xf32> to vector<16xf32>
      %swap3A_128 = vector.shape_cast %scan3A_119#0 : vector<16xf32> to vector<1x16xf32>
      tpu.vector_store %arg7[%swap3A, %swap3A_125], %swap3A_128 {strides = array<i32>} : memref<128x64xf32, #tpu.memory_space<vmem>>, vector<1x16xf32>,
      %swap3A_129 = arith.index_cast %add3A_124 : i32 to index
      %swap3A_130 = arith.constant 16 : index
      %swap3A_131 = tpu.vector_load %arg7[%swap3A_129, %swap3A_130] {strides = array<i32>} : memref<128x64xf32, #tpu.memory_space<vmem>>, vector<1x16xf32>,
      %swap3A_132 = vector.shape_cast %swap3A_131 : vector<1x16xf32> to vector<16xf32>
      %swap3A_133 = vector.shape_cast %scan3A_119#1 : vector<16xf32> to vector<1x16xf32>
      tpu.vector_store %arg7[%swap3A_129, %swap3A_130], %swap3A_133 {strides = array<i32>} : memref<128x64xf32, #tpu.memory_space<vmem>>, vector<1x16xf32>,
      %swap3A_134 = arith.index_cast %add3A_124 : i32 to index
      %swap3A_135 = arith.constant 32 : index
      %swap3A_136 = tpu.vector_load %arg7[%swap3A_134, %swap3A_135] {strides = array<i32>} : memref<128x64xf32, #tpu.memory_space<vmem>>, vector<1x16xf32>,
      %swap3A_137 = vector.shape_cast %swap3A_136 : vector<1x16xf32> to vector<16xf32>
      %swap3A_138 = vector.shape_cast %scan3A_119#2 : vector<16xf32> to vector<1x16xf32>
      tpu.vector_store %arg7[%swap3A_134, %swap3A_135], %swap3A_138 {strides = array<i32>} : memref<128x64xf32, #tpu.memory_space<vmem>>, vector<1x16xf32>,
      %swap3A_139 = arith.index_cast %add3A_124 : i32 to index
      %swap3A_140 = arith.constant 48 : index
      %swap3A_141 = tpu.vector_load %arg7[%swap3A_139, %swap3A_140] {strides = array<i32>} : memref<128x64xf32, #tpu.memory_space<vmem>>, vector<1x16xf32>,
      %swap3A_142 = vector.shape_cast %swap3A_141 : vector<1x16xf32> to vector<16xf32>
      %swap3A_143 = vector.shape_cast %scan3A_119#3 : vector<16xf32> to vector<1x16xf32>
      tpu.vector_store %arg7[%swap3A_139, %swap3A_140], %swap3A_143 {strides = array<i32>} : memref<128x64xf32, #tpu.memory_space<vmem>>, vector<1x16xf32>,
      %add3A_144 = arith.constant 1 : i32
      %add3A_145 = arith.addi %mul3A_83, %add3A_144 : i32
      %add3A_146 = arith.constant 4 : i32
      %add3A_147 = arith.addi %add3A_145, %add3A_146 : i32
      %sub3A_148 = arith.constant 1 : i32
      %sub3A_149 = arith.subi %add3A_147, %sub3A_148 : i32
      %lt3A_150 = arith.constant 128 : i32
      %lt3A_151 = arith.cmpi slt, %sub3A_149, %lt3A_150 : i32
      %convert_element_type3A_152 = arith.extui %lt3A_151 : i1 to i32
      %cond3A_153 = arith.constant 0 : i32
      %cond3A_154 = arith.cmpi ne, %convert_element_type3A_152, %cond3A_153 : i32
      scf.if %cond3A_154 {
        %mul3A_342 = arith.constant 200 : i32
        %mul3A_343 = arith.muli %sub3A_149, %mul3A_342 : i32
        %multiple_of3A_344 = tpu.assume_multiple %mul3A_343, 8 : i32
        %add3A_345 = arith.constant 0 : i32
        %add3A_346 = arith.addi %multiple_of3A_344, %add3A_345 : i32
        %add3A_347 = arith.constant 128 : i32
        %add3A_348 = arith.addi %multiple_of3A_344, %add3A_347 : i32
        %dma_start3A_349 = arith.constant 0 : i32
        %dma_start3A_350 = arith.constant 0 : i32
        %dma_start3A_351 = arith.constant 0 : i32
        %dma_start3A_352 = tpu.memref_slice %arg6[%dma_start3A_349, %dma_start3A_350, %dma_start3A_351] : memref<4x200x64xf32, #tpu.memory_space<vmem>> -> memref<1x128x64xf32, #tpu.memory_space<vmem>>
        %dma_start3A_353 = tpu.memref_squeeze %dma_start3A_352 : memref<1x128x64xf32, #tpu.memory_space<vmem>> -> memref<128x64xf32, #tpu.memory_space<vmem>>
        %dma_start3A_354 = tpu.memref_slice %arg5[%add3A_346] : memref<25600xi32, #tpu.memory_space<vmem>> -> memref<128xi32, #tpu.memory_space<vmem>>
        %dma_start3A_355 = arith.constant 0 : i32
        %dma_start3A_356 = arith.constant 0 : i32
        %dma_start3A_357 = tpu.memref_slice %arg3[%dma_start3A_355, %dma_start3A_356] : memref<1000000x64xf32, #tpu.memory_space<hbm>> -> memref<1000000x64xf32, #tpu.memory_space<hbm>>
        tpu.enqueue_indirect_dma source(%dma_start3A_357 : memref<1000000x64xf32, #tpu.memory_space<hbm>>) target(%dma_start3A_353 : memref<128x64xf32, #tpu.memory_space<vmem>>) offsets(%dma_start3A_354 : memref<128xi32, #tpu.memory_space<vmem>>) semaphore(%arg8 : memref<!tpu.dma_semaphore, #tpu.memory_space<semaphore_mem>>)
        %dma_start3A_358 = arith.constant 0 : i32
        %dma_start3A_359 = arith.constant 128 : i32
        %dma_start3A_360 = arith.constant 0 : i32
        %dma_start3A_361 = tpu.memref_slice %arg6[%dma_start3A_358, %dma_start3A_359, %dma_start3A_360] : memref<4x200x64xf32, #tpu.memory_space<vmem>> -> memref<1x72x64xf32, #tpu.memory_space<vmem>>
        %dma_start3A_362 = tpu.memref_squeeze %dma_start3A_361 : memref<1x72x64xf32, #tpu.memory_space<vmem>> -> memref<72x64xf32, #tpu.memory_space<vmem>>
        %dma_start3A_363 = tpu.memref_slice %arg5[%add3A_348] : memref<25600xi32, #tpu.memory_space<vmem>> -> memref<72xi32, #tpu.memory_space<vmem>>
        %dma_start3A_364 = arith.constant 0 : i32
        %dma_start3A_365 = arith.constant 0 : i32
        %dma_start3A_366 = tpu.memref_slice %arg3[%dma_start3A_364, %dma_start3A_365] : memref<1000000x64xf32, #tpu.memory_space<hbm>> -> memref<1000000x64xf32, #tpu.memory_space<hbm>>
        tpu.enqueue_indirect_dma source(%dma_start3A_366 : memref<1000000x64xf32, #tpu.memory_space<hbm>>) target(%dma_start3A_362 : memref<72x64xf32, #tpu.memory_space<vmem>>) offsets(%dma_start3A_363 : memref<72xi32, #tpu.memory_space<vmem>>) semaphore(%arg8 : memref<!tpu.dma_semaphore, #tpu.memory_space<semaphore_mem>>)
      } else {
      }
      %mul3A_155 = arith.constant 200 : i32
      %mul3A_156 = arith.muli %add3A_145, %mul3A_155 : i32
      %multiple_of3A_157 = tpu.assume_multiple %mul3A_156, 8 : i32
      %add3A_158 = arith.constant 0 : i32
      %add3A_159 = arith.addi %multiple_of3A_157, %add3A_158 : i32
      %add3A_160 = arith.constant 128 : i32
      %add3A_161 = arith.addi %multiple_of3A_157, %add3A_160 : i32
      %dma_wait3A_162 = arith.constant 1 : i32
      %dma_wait3A_163 = arith.constant 0 : i32
      %dma_wait3A_164 = arith.constant 0 : i32
      %dma_wait3A_165 = tpu.memref_slice %arg6[%dma_wait3A_162, %dma_wait3A_163, %dma_wait3A_164] : memref<4x200x64xf32, #tpu.memory_space<vmem>> -> memref<1x128x64xf32, #tpu.memory_space<vmem>>
      %dma_wait3A_166 = tpu.memref_squeeze %dma_wait3A_165 : memref<1x128x64xf32, #tpu.memory_space<vmem>> -> memref<128x64xf32, #tpu.memory_space<vmem>>
      %dma_wait3A_167 = tpu.memref_slice %arg5[%add3A_159] : memref<25600xi32, #tpu.memory_space<vmem>> -> memref<128xi32, #tpu.memory_space<vmem>>
      %dma_wait3A_168 = arith.constant 0 : i32
      %dma_wait3A_169 = arith.constant 0 : i32
      %dma_wait3A_170 = tpu.memref_slice %arg3[%dma_wait3A_168, %dma_wait3A_169] : memref<1000000x64xf32, #tpu.memory_space<hbm>> -> memref<1000000x64xf32, #tpu.memory_space<hbm>>
      tpu.wait_indirect_dma semaphore(%arg9 : memref<!tpu.dma_semaphore, #tpu.memory_space<semaphore_mem>>) src(%dma_wait3A_170 : memref<1000000x64xf32, #tpu.memory_space<hbm>>) dst(%dma_wait3A_166 : memref<128x64xf32, #tpu.memory_space<vmem>>)
      %dma_wait3A_171 = arith.constant 1 : i32
      %dma_wait3A_172 = arith.constant 128 : i32
      %dma_wait3A_173 = arith.constant 0 : i32
      %dma_wait3A_174 = tpu.memref_slice %arg6[%dma_wait3A_171, %dma_wait3A_172, %dma_wait3A_173] : memref<4x200x64xf32, #tpu.memory_space<vmem>> -> memref<1x72x64xf32, #tpu.memory_space<vmem>>
      %dma_wait3A_175 = tpu.memref_squeeze %dma_wait3A_174 : memref<1x72x64xf32, #tpu.memory_space<vmem>> -> memref<72x64xf32, #tpu.memory_space<vmem>>
      %dma_wait3A_176 = tpu.memref_slice %arg5[%add3A_161] : memref<25600xi32, #tpu.memory_space<vmem>> -> memref<72xi32, #tpu.memory_space<vmem>>
      %dma_wait3A_177 = arith.constant 0 : i32
      %dma_wait3A_178 = arith.constant 0 : i32
      %dma_wait3A_179 = tpu.memref_slice %arg3[%dma_wait3A_177, %dma_wait3A_178] : memref<1000000x64xf32, #tpu.memory_space<hbm>> -> memref<1000000x64xf32, #tpu.memory_space<hbm>>
      tpu.wait_indirect_dma semaphore(%arg9 : memref<!tpu.dma_semaphore, #tpu.memory_space<semaphore_mem>>) src(%dma_wait3A_179 : memref<1000000x64xf32, #tpu.memory_space<hbm>>) dst(%dma_wait3A_175 : memref<72x64xf32, #tpu.memory_space<vmem>>)
      %scan3A_180 = arith.constant 0 : i32
      %scan3A_181 = arith.constant 25 : i32
      %scan3A_182 = arith.addi %scan3A_180, %scan3A_181 : i32
      %scan3A_183 = arith.constant 1 : i32
      %scan3A_184:4 = scf.for %scan3A_342 = %scan3A_180 to %scan3A_182 step %scan3A_183 iter_args(%scan3A_343 = %broadcast_in_dim3A_5, %scan3A_344 = %broadcast_in_dim3A_5, %scan3A_345 = %broadcast_in_dim3A_5, %scan3A_346 = %broadcast_in_dim3A_5) -> (vector<16xf32>, vector<16xf32>, vector<16xf32>, vector<16xf32>)  : i32 {
        %mul3A_347 = arith.constant 8 : i32
        %mul3A_348 = arith.muli %scan3A_342, %mul3A_347 : i32
        %add3A_349 = arith.constant 0 : i32
        %add3A_350 = arith.addi %add3A_349, %mul3A_348 : i32
        %add3A_351 = arith.constant 0 : i32
        %add3A_352 = arith.addi %add3A_350, %add3A_351 : i32
        %get3A = arith.constant 1 : i32
        %get3A_353 = arith.index_cast %get3A : i32 to index
        %get3A_354 = arith.index_cast %add3A_352 : i32 to index
        %get3A_355 = arith.constant 0 : index
        %get3A_356 = tpu.vector_load %arg6[%get3A_353, %get3A_354, %get3A_355] {strides = array<i32>} : memref<4x200x64xf32, #tpu.memory_space<vmem>>, vector<1x1x16xf32>,
        %get3A_357 = vector.shape_cast %get3A_356 : vector<1x1x16xf32> to vector<16xf32>
        %add3A_358 = arith.addf %scan3A_343, %get3A_357 : vector<16xf32>
        %add3A_359 = arith.constant 0 : i32
        %add3A_360 = arith.addi %add3A_350, %add3A_359 : i32
        %get3A_361 = arith.constant 1 : i32
        %get3A_362 = arith.index_cast %get3A_361 : i32 to index
        %get3A_363 = arith.index_cast %add3A_360 : i32 to index
        %get3A_364 = arith.constant 16 : index
        %get3A_365 = tpu.vector_load %arg6[%get3A_362, %get3A_363, %get3A_364] {strides = array<i32>} : memref<4x200x64xf32, #tpu.memory_space<vmem>>, vector<1x1x16xf32>,
        %get3A_366 = vector.shape_cast %get3A_365 : vector<1x1x16xf32> to vector<16xf32>
        %add3A_367 = arith.addf %scan3A_344, %get3A_366 : vector<16xf32>
        %add3A_368 = arith.constant 0 : i32
        %add3A_369 = arith.addi %add3A_350, %add3A_368 : i32
        %get3A_370 = arith.constant 1 : i32
        %get3A_371 = arith.index_cast %get3A_370 : i32 to index
        %get3A_372 = arith.index_cast %add3A_369 : i32 to index
        %get3A_373 = arith.constant 32 : index
        %get3A_374 = tpu.vector_load %arg6[%get3A_371, %get3A_372, %get3A_373] {strides = array<i32>} : memref<4x200x64xf32, #tpu.memory_space<vmem>>, vector<1x1x16xf32>,
        %get3A_375 = vector.shape_cast %get3A_374 : vector<1x1x16xf32> to vector<16xf32>
        %add3A_376 = arith.addf %scan3A_345, %get3A_375 : vector<16xf32>
        %add3A_377 = arith.constant 0 : i32
        %add3A_378 = arith.addi %add3A_350, %add3A_377 : i32
        %get3A_379 = arith.constant 1 : i32
        %get3A_380 = arith.index_cast %get3A_379 : i32 to index
        %get3A_381 = arith.index_cast %add3A_378 : i32 to index
        %get3A_382 = arith.constant 48 : index
        %get3A_383 = tpu.vector_load %arg6[%get3A_380, %get3A_381, %get3A_382] {strides = array<i32>} : memref<4x200x64xf32, #tpu.memory_space<vmem>>, vector<1x1x16xf32>,
        %get3A_384 = vector.shape_cast %get3A_383 : vector<1x1x16xf32> to vector<16xf32>
        %add3A_385 = arith.addf %scan3A_346, %get3A_384 : vector<16xf32>
        %add3A_386 = arith.constant 1 : i32
        %add3A_387 = arith.addi %add3A_350, %add3A_386 : i32
        %get3A_388 = arith.constant 1 : i32
        %get3A_389 = arith.index_cast %get3A_388 : i32 to index
        %get3A_390 = arith.index_cast %add3A_387 : i32 to index
        %get3A_391 = arith.constant 0 : index
        %get3A_392 = tpu.vector_load %arg6[%get3A_389, %get3A_390, %get3A_391] {strides = array<i32>} : memref<4x200x64xf32, #tpu.memory_space<vmem>>, vector<1x1x16xf32>,
        %get3A_393 = vector.shape_cast %get3A_392 : vector<1x1x16xf32> to vector<16xf32>
        %add3A_394 = arith.addf %add3A_358, %get3A_393 : vector<16xf32>
        %add3A_395 = arith.constant 1 : i32
        %add3A_396 = arith.addi %add3A_350, %add3A_395 : i32
        %get3A_397 = arith.constant 1 : i32
        %get3A_398 = arith.index_cast %get3A_397 : i32 to index
        %get3A_399 = arith.index_cast %add3A_396 : i32 to index
        %get3A_400 = arith.constant 16 : index
        %get3A_401 = tpu.vector_load %arg6[%get3A_398, %get3A_399, %get3A_400] {strides = array<i32>} : memref<4x200x64xf32, #tpu.memory_space<vmem>>, vector<1x1x16xf32>,
        %get3A_402 = vector.shape_cast %get3A_401 : vector<1x1x16xf32> to vector<16xf32>
        %add3A_403 = arith.addf %add3A_367, %get3A_402 : vector<16xf32>
        %add3A_404 = arith.constant 1 : i32
        %add3A_405 = arith.addi %add3A_350, %add3A_404 : i32
        %get3A_406 = arith.constant 1 : i32
        %get3A_407 = arith.index_cast %get3A_406 : i32 to index
        %get3A_408 = arith.index_cast %add3A_405 : i32 to index
        %get3A_409 = arith.constant 32 : index
        %get3A_410 = tpu.vector_load %arg6[%get3A_407, %get3A_408, %get3A_409] {strides = array<i32>} : memref<4x200x64xf32, #tpu.memory_space<vmem>>, vector<1x1x16xf32>,
        %get3A_411 = vector.shape_cast %get3A_410 : vector<1x1x16xf32> to vector<16xf32>
        %add3A_412 = arith.addf %add3A_376, %get3A_411 : vector<16xf32>
        %add3A_413 = arith.constant 1 : i32
        %add3A_414 = arith.addi %add3A_350, %add3A_413 : i32
        %get3A_415 = arith.constant 1 : i32
        %get3A_416 = arith.index_cast %get3A_415 : i32 to index
        %get3A_417 = arith.index_cast %add3A_414 : i32 to index
        %get3A_418 = arith.constant 48 : index
        %get3A_419 = tpu.vector_load %arg6[%get3A_416, %get3A_417, %get3A_418] {strides = array<i32>} : memref<4x200x64xf32, #tpu.memory_space<vmem>>, vector<1x1x16xf32>,
        %get3A_420 = vector.shape_cast %get3A_419 : vector<1x1x16xf32> to vector<16xf32>
        %add3A_421 = arith.addf %add3A_385, %get3A_420 : vector<16xf32>
        %add3A_422 = arith.constant 2 : i32
        %add3A_423 = arith.addi %add3A_350, %add3A_422 : i32
        %get3A_424 = arith.constant 1 : i32
        %get3A_425 = arith.index_cast %get3A_424 : i32 to index
        %get3A_426 = arith.index_cast %add3A_423 : i32 to index
        %get3A_427 = arith.constant 0 : index
        %get3A_428 = tpu.vector_load %arg6[%get3A_425, %get3A_426, %get3A_427] {strides = array<i32>} : memref<4x200x64xf32, #tpu.memory_space<vmem>>, vector<1x1x16xf32>,
        %get3A_429 = vector.shape_cast %get3A_428 : vector<1x1x16xf32> to vector<16xf32>
        %add3A_430 = arith.addf %add3A_394, %get3A_429 : vector<16xf32>
        %add3A_431 = arith.constant 2 : i32
        %add3A_432 = arith.addi %add3A_350, %add3A_431 : i32
        %get3A_433 = arith.constant 1 : i32
        %get3A_434 = arith.index_cast %get3A_433 : i32 to index
        %get3A_435 = arith.index_cast %add3A_432 : i32 to index
        %get3A_436 = arith.constant 16 : index
        %get3A_437 = tpu.vector_load %arg6[%get3A_434, %get3A_435, %get3A_436] {strides = array<i32>} : memref<4x200x64xf32, #tpu.memory_space<vmem>>, vector<1x1x16xf32>,
        %get3A_438 = vector.shape_cast %get3A_437 : vector<1x1x16xf32> to vector<16xf32>
        %add3A_439 = arith.addf %add3A_403, %get3A_438 : vector<16xf32>
        %add3A_440 = arith.constant 2 : i32
        %add3A_441 = arith.addi %add3A_350, %add3A_440 : i32
        %get3A_442 = arith.constant 1 : i32
        %get3A_443 = arith.index_cast %get3A_442 : i32 to index
        %get3A_444 = arith.index_cast %add3A_441 : i32 to index
        %get3A_445 = arith.constant 32 : index
        %get3A_446 = tpu.vector_load %arg6[%get3A_443, %get3A_444, %get3A_445] {strides = array<i32>} : memref<4x200x64xf32, #tpu.memory_space<vmem>>, vector<1x1x16xf32>,
        %get3A_447 = vector.shape_cast %get3A_446 : vector<1x1x16xf32> to vector<16xf32>
        %add3A_448 = arith.addf %add3A_412, %get3A_447 : vector<16xf32>
        %add3A_449 = arith.constant 2 : i32
        %add3A_450 = arith.addi %add3A_350, %add3A_449 : i32
        %get3A_451 = arith.constant 1 : i32
        %get3A_452 = arith.index_cast %get3A_451 : i32 to index
        %get3A_453 = arith.index_cast %add3A_450 : i32 to index
        %get3A_454 = arith.constant 48 : index
        %get3A_455 = tpu.vector_load %arg6[%get3A_452, %get3A_453, %get3A_454] {strides = array<i32>} : memref<4x200x64xf32, #tpu.memory_space<vmem>>, vector<1x1x16xf32>,
        %get3A_456 = vector.shape_cast %get3A_455 : vector<1x1x16xf32> to vector<16xf32>
        %add3A_457 = arith.addf %add3A_421, %get3A_456 : vector<16xf32>
        %add3A_458 = arith.constant 3 : i32
        %add3A_459 = arith.addi %add3A_350, %add3A_458 : i32
        %get3A_460 = arith.constant 1 : i32
        %get3A_461 = arith.index_cast %get3A_460 : i32 to index
        %get3A_462 = arith.index_cast %add3A_459 : i32 to index
        %get3A_463 = arith.constant 0 : index
        %get3A_464 = tpu.vector_load %arg6[%get3A_461, %get3A_462, %get3A_463] {strides = array<i32>} : memref<4x200x64xf32, #tpu.memory_space<vmem>>, vector<1x1x16xf32>,
        %get3A_465 = vector.shape_cast %get3A_464 : vector<1x1x16xf32> to vector<16xf32>
        %add3A_466 = arith.addf %add3A_430, %get3A_465 : vector<16xf32>
        %add3A_467 = arith.constant 3 : i32
        %add3A_468 = arith.addi %add3A_350, %add3A_467 : i32
        %get3A_469 = arith.constant 1 : i32
        %get3A_470 = arith.index_cast %get3A_469 : i32 to index
        %get3A_471 = arith.index_cast %add3A_468 : i32 to index
        %get3A_472 = arith.constant 16 : index
        %get3A_473 = tpu.vector_load %arg6[%get3A_470, %get3A_471, %get3A_472] {strides = array<i32>} : memref<4x200x64xf32, #tpu.memory_space<vmem>>, vector<1x1x16xf32>,
        %get3A_474 = vector.shape_cast %get3A_473 : vector<1x1x16xf32> to vector<16xf32>
        %add3A_475 = arith.addf %add3A_439, %get3A_474 : vector<16xf32>
        %add3A_476 = arith.constant 3 : i32
        %add3A_477 = arith.addi %add3A_350, %add3A_476 : i32
        %get3A_478 = arith.constant 1 : i32
        %get3A_479 = arith.index_cast %get3A_478 : i32 to index
        %get3A_480 = arith.index_cast %add3A_477 : i32 to index
        %get3A_481 = arith.constant 32 : index
        %get3A_482 = tpu.vector_load %arg6[%get3A_479, %get3A_480, %get3A_481] {strides = array<i32>} : memref<4x200x64xf32, #tpu.memory_space<vmem>>, vector<1x1x16xf32>,
        %get3A_483 = vector.shape_cast %get3A_482 : vector<1x1x16xf32> to vector<16xf32>
        %add3A_484 = arith.addf %add3A_448, %get3A_483 : vector<16xf32>
        %add3A_485 = arith.constant 3 : i32
        %add3A_486 = arith.addi %add3A_350, %add3A_485 : i32
        %get3A_487 = arith.constant 1 : i32
        %get3A_488 = arith.index_cast %get3A_487 : i32 to index
        %get3A_489 = arith.index_cast %add3A_486 : i32 to index
        %get3A_490 = arith.constant 48 : index
        %get3A_491 = tpu.vector_load %arg6[%get3A_488, %get3A_489, %get3A_490] {strides = array<i32>} : memref<4x200x64xf32, #tpu.memory_space<vmem>>, vector<1x1x16xf32>,
        %get3A_492 = vector.shape_cast %get3A_491 : vector<1x1x16xf32> to vector<16xf32>
        %add3A_493 = arith.addf %add3A_457, %get3A_492 : vector<16xf32>
        %add3A_494 = arith.constant 4 : i32
        %add3A_495 = arith.addi %add3A_350, %add3A_494 : i32
        %get3A_496 = arith.constant 1 : i32
        %get3A_497 = arith.index_cast %get3A_496 : i32 to index
        %get3A_498 = arith.index_cast %add3A_495 : i32 to index
        %get3A_499 = arith.constant 0 : index
        %get3A_500 = tpu.vector_load %arg6[%get3A_497, %get3A_498, %get3A_499] {strides = array<i32>} : memref<4x200x64xf32, #tpu.memory_space<vmem>>, vector<1x1x16xf32>,
        %get3A_501 = vector.shape_cast %get3A_500 : vector<1x1x16xf32> to vector<16xf32>
        %add3A_502 = arith.addf %add3A_466, %get3A_501 : vector<16xf32>
        %add3A_503 = arith.constant 4 : i32
        %add3A_504 = arith.addi %add3A_350, %add3A_503 : i32
        %get3A_505 = arith.constant 1 : i32
        %get3A_506 = arith.index_cast %get3A_505 : i32 to index
        %get3A_507 = arith.index_cast %add3A_504 : i32 to index
        %get3A_508 = arith.constant 16 : index
        %get3A_509 = tpu.vector_load %arg6[%get3A_506, %get3A_507, %get3A_508] {strides = array<i32>} : memref<4x200x64xf32, #tpu.memory_space<vmem>>, vector<1x1x16xf32>,
        %get3A_510 = vector.shape_cast %get3A_509 : vector<1x1x16xf32> to vector<16xf32>
        %add3A_511 = arith.addf %add3A_475, %get3A_510 : vector<16xf32>
        %add3A_512 = arith.constant 4 : i32
        %add3A_513 = arith.addi %add3A_350, %add3A_512 : i32
        %get3A_514 = arith.constant 1 : i32
        %get3A_515 = arith.index_cast %get3A_514 : i32 to index
        %get3A_516 = arith.index_cast %add3A_513 : i32 to index
        %get3A_517 = arith.constant 32 : index
        %get3A_518 = tpu.vector_load %arg6[%get3A_515, %get3A_516, %get3A_517] {strides = array<i32>} : memref<4x200x64xf32, #tpu.memory_space<vmem>>, vector<1x1x16xf32>,
        %get3A_519 = vector.shape_cast %get3A_518 : vector<1x1x16xf32> to vector<16xf32>
        %add3A_520 = arith.addf %add3A_484, %get3A_519 : vector<16xf32>
        %add3A_521 = arith.constant 4 : i32
        %add3A_522 = arith.addi %add3A_350, %add3A_521 : i32
        %get3A_523 = arith.constant 1 : i32
        %get3A_524 = arith.index_cast %get3A_523 : i32 to index
        %get3A_525 = arith.index_cast %add3A_522 : i32 to index
        %get3A_526 = arith.constant 48 : index
        %get3A_527 = tpu.vector_load %arg6[%get3A_524, %get3A_525, %get3A_526] {strides = array<i32>} : memref<4x200x64xf32, #tpu.memory_space<vmem>>, vector<1x1x16xf32>,
        %get3A_528 = vector.shape_cast %get3A_527 : vector<1x1x16xf32> to vector<16xf32>
        %add3A_529 = arith.addf %add3A_493, %get3A_528 : vector<16xf32>
        %add3A_530 = arith.constant 5 : i32
        %add3A_531 = arith.addi %add3A_350, %add3A_530 : i32
        %get3A_532 = arith.constant 1 : i32
        %get3A_533 = arith.index_cast %get3A_532 : i32 to index
        %get3A_534 = arith.index_cast %add3A_531 : i32 to index
        %get3A_535 = arith.constant 0 : index
        %get3A_536 = tpu.vector_load %arg6[%get3A_533, %get3A_534, %get3A_535] {strides = array<i32>} : memref<4x200x64xf32, #tpu.memory_space<vmem>>, vector<1x1x16xf32>,
        %get3A_537 = vector.shape_cast %get3A_536 : vector<1x1x16xf32> to vector<16xf32>
        %add3A_538 = arith.addf %add3A_502, %get3A_537 : vector<16xf32>
        %add3A_539 = arith.constant 5 : i32
        %add3A_540 = arith.addi %add3A_350, %add3A_539 : i32
        %get3A_541 = arith.constant 1 : i32
        %get3A_542 = arith.index_cast %get3A_541 : i32 to index
        %get3A_543 = arith.index_cast %add3A_540 : i32 to index
        %get3A_544 = arith.constant 16 : index
        %get3A_545 = tpu.vector_load %arg6[%get3A_542, %get3A_543, %get3A_544] {strides = array<i32>} : memref<4x200x64xf32, #tpu.memory_space<vmem>>, vector<1x1x16xf32>,
        %get3A_546 = vector.shape_cast %get3A_545 : vector<1x1x16xf32> to vector<16xf32>
        %add3A_547 = arith.addf %add3A_511, %get3A_546 : vector<16xf32>
        %add3A_548 = arith.constant 5 : i32
        %add3A_549 = arith.addi %add3A_350, %add3A_548 : i32
        %get3A_550 = arith.constant 1 : i32
        %get3A_551 = arith.index_cast %get3A_550 : i32 to index
        %get3A_552 = arith.index_cast %add3A_549 : i32 to index
        %get3A_553 = arith.constant 32 : index
        %get3A_554 = tpu.vector_load %arg6[%get3A_551, %get3A_552, %get3A_553] {strides = array<i32>} : memref<4x200x64xf32, #tpu.memory_space<vmem>>, vector<1x1x16xf32>,
        %get3A_555 = vector.shape_cast %get3A_554 : vector<1x1x16xf32> to vector<16xf32>
        %add3A_556 = arith.addf %add3A_520, %get3A_555 : vector<16xf32>
        %add3A_557 = arith.constant 5 : i32
        %add3A_558 = arith.addi %add3A_350, %add3A_557 : i32
        %get3A_559 = arith.constant 1 : i32
        %get3A_560 = arith.index_cast %get3A_559 : i32 to index
        %get3A_561 = arith.index_cast %add3A_558 : i32 to index
        %get3A_562 = arith.constant 48 : index
        %get3A_563 = tpu.vector_load %arg6[%get3A_560, %get3A_561, %get3A_562] {strides = array<i32>} : memref<4x200x64xf32, #tpu.memory_space<vmem>>, vector<1x1x16xf32>,
        %get3A_564 = vector.shape_cast %get3A_563 : vector<1x1x16xf32> to vector<16xf32>
        %add3A_565 = arith.addf %add3A_529, %get3A_564 : vector<16xf32>
        %add3A_566 = arith.constant 6 : i32
        %add3A_567 = arith.addi %add3A_350, %add3A_566 : i32
        %get3A_568 = arith.constant 1 : i32
        %get3A_569 = arith.index_cast %get3A_568 : i32 to index
        %get3A_570 = arith.index_cast %add3A_567 : i32 to index
        %get3A_571 = arith.constant 0 : index
        %get3A_572 = tpu.vector_load %arg6[%get3A_569, %get3A_570, %get3A_571] {strides = array<i32>} : memref<4x200x64xf32, #tpu.memory_space<vmem>>, vector<1x1x16xf32>,
        %get3A_573 = vector.shape_cast %get3A_572 : vector<1x1x16xf32> to vector<16xf32>
        %add3A_574 = arith.addf %add3A_538, %get3A_573 : vector<16xf32>
        %add3A_575 = arith.constant 6 : i32
        %add3A_576 = arith.addi %add3A_350, %add3A_575 : i32
        %get3A_577 = arith.constant 1 : i32
        %get3A_578 = arith.index_cast %get3A_577 : i32 to index
        %get3A_579 = arith.index_cast %add3A_576 : i32 to index
        %get3A_580 = arith.constant 16 : index
        %get3A_581 = tpu.vector_load %arg6[%get3A_578, %get3A_579, %get3A_580] {strides = array<i32>} : memref<4x200x64xf32, #tpu.memory_space<vmem>>, vector<1x1x16xf32>,
        %get3A_582 = vector.shape_cast %get3A_581 : vector<1x1x16xf32> to vector<16xf32>
        %add3A_583 = arith.addf %add3A_547, %get3A_582 : vector<16xf32>
        %add3A_584 = arith.constant 6 : i32
        %add3A_585 = arith.addi %add3A_350, %add3A_584 : i32
        %get3A_586 = arith.constant 1 : i32
        %get3A_587 = arith.index_cast %get3A_586 : i32 to index
        %get3A_588 = arith.index_cast %add3A_585 : i32 to index
        %get3A_589 = arith.constant 32 : index
        %get3A_590 = tpu.vector_load %arg6[%get3A_587, %get3A_588, %get3A_589] {strides = array<i32>} : memref<4x200x64xf32, #tpu.memory_space<vmem>>, vector<1x1x16xf32>,
        %get3A_591 = vector.shape_cast %get3A_590 : vector<1x1x16xf32> to vector<16xf32>
        %add3A_592 = arith.addf %add3A_556, %get3A_591 : vector<16xf32>
        %add3A_593 = arith.constant 6 : i32
        %add3A_594 = arith.addi %add3A_350, %add3A_593 : i32
        %get3A_595 = arith.constant 1 : i32
        %get3A_596 = arith.index_cast %get3A_595 : i32 to index
        %get3A_597 = arith.index_cast %add3A_594 : i32 to index
        %get3A_598 = arith.constant 48 : index
        %get3A_599 = tpu.vector_load %arg6[%get3A_596, %get3A_597, %get3A_598] {strides = array<i32>} : memref<4x200x64xf32, #tpu.memory_space<vmem>>, vector<1x1x16xf32>,
        %get3A_600 = vector.shape_cast %get3A_599 : vector<1x1x16xf32> to vector<16xf32>
        %add3A_601 = arith.addf %add3A_565, %get3A_600 : vector<16xf32>
        %add3A_602 = arith.constant 7 : i32
        %add3A_603 = arith.addi %add3A_350, %add3A_602 : i32
        %get3A_604 = arith.constant 1 : i32
        %get3A_605 = arith.index_cast %get3A_604 : i32 to index
        %get3A_606 = arith.index_cast %add3A_603 : i32 to index
        %get3A_607 = arith.constant 0 : index
        %get3A_608 = tpu.vector_load %arg6[%get3A_605, %get3A_606, %get3A_607] {strides = array<i32>} : memref<4x200x64xf32, #tpu.memory_space<vmem>>, vector<1x1x16xf32>,
        %get3A_609 = vector.shape_cast %get3A_608 : vector<1x1x16xf32> to vector<16xf32>
        %add3A_610 = arith.addf %add3A_574, %get3A_609 : vector<16xf32>
        %add3A_611 = arith.constant 7 : i32
        %add3A_612 = arith.addi %add3A_350, %add3A_611 : i32
        %get3A_613 = arith.constant 1 : i32
        %get3A_614 = arith.index_cast %get3A_613 : i32 to index
        %get3A_615 = arith.index_cast %add3A_612 : i32 to index
        %get3A_616 = arith.constant 16 : index
        %get3A_617 = tpu.vector_load %arg6[%get3A_614, %get3A_615, %get3A_616] {strides = array<i32>} : memref<4x200x64xf32, #tpu.memory_space<vmem>>, vector<1x1x16xf32>,
        %get3A_618 = vector.shape_cast %get3A_617 : vector<1x1x16xf32> to vector<16xf32>
        %add3A_619 = arith.addf %add3A_583, %get3A_618 : vector<16xf32>
        %add3A_620 = arith.constant 7 : i32
        %add3A_621 = arith.addi %add3A_350, %add3A_620 : i32
        %get3A_622 = arith.constant 1 : i32
        %get3A_623 = arith.index_cast %get3A_622 : i32 to index
        %get3A_624 = arith.index_cast %add3A_621 : i32 to index
        %get3A_625 = arith.constant 32 : index
        %get3A_626 = tpu.vector_load %arg6[%get3A_623, %get3A_624, %get3A_625] {strides = array<i32>} : memref<4x200x64xf32, #tpu.memory_space<vmem>>, vector<1x1x16xf32>,
        %get3A_627 = vector.shape_cast %get3A_626 : vector<1x1x16xf32> to vector<16xf32>
        %add3A_628 = arith.addf %add3A_592, %get3A_627 : vector<16xf32>
        %add3A_629 = arith.constant 7 : i32
        %add3A_630 = arith.addi %add3A_350, %add3A_629 : i32
        %get3A_631 = arith.constant 1 : i32
        %get3A_632 = arith.index_cast %get3A_631 : i32 to index
        %get3A_633 = arith.index_cast %add3A_630 : i32 to index
        %get3A_634 = arith.constant 48 : index
        %get3A_635 = tpu.vector_load %arg6[%get3A_632, %get3A_633, %get3A_634] {strides = array<i32>} : memref<4x200x64xf32, #tpu.memory_space<vmem>>, vector<1x1x16xf32>,
        %get3A_636 = vector.shape_cast %get3A_635 : vector<1x1x16xf32> to vector<16xf32>
        %add3A_637 = arith.addf %add3A_601, %get3A_636 : vector<16xf32>
        scf.yield %add3A_610, %add3A_619, %add3A_628, %add3A_637 : vector<16xf32>, vector<16xf32>, vector<16xf32>, vector<16xf32>
      }
      %scan3A_185 = arith.constant 25 : i32
      %mul3A_186 = arith.constant 1 : i32
      %mul3A_187 = arith.muli %add3A_145, %mul3A_186 : i32
      %add3A_188 = arith.constant 0 : i32
      %add3A_189 = arith.addi %mul3A_187, %add3A_188 : i32
      %swap3A_190 = arith.index_cast %add3A_189 : i32 to index
      %swap3A_191 = arith.constant 0 : index
      %swap3A_192 = tpu.vector_load %arg7[%swap3A_190, %swap3A_191] {strides = array<i32>} : memref<128x64xf32, #tpu.memory_space<vmem>>, vector<1x16xf32>,
      %swap3A_193 = vector.shape_cast %swap3A_192 : vector<1x16xf32> to vector<16xf32>
      %swap3A_194 = vector.shape_cast %scan3A_184#0 : vector<16xf32> to vector<1x16xf32>
      tpu.vector_store %arg7[%swap3A_190, %swap3A_191], %swap3A_194 {strides = array<i32>} : memref<128x64xf32, #tpu.memory_space<vmem>>, vector<1x16xf32>,
      %swap3A_195 = arith.index_cast %add3A_189 : i32 to index
      %swap3A_196 = arith.constant 16 : index
      %swap3A_197 = tpu.vector_load %arg7[%swap3A_195, %swap3A_196] {strides = array<i32>} : memref<128x64xf32, #tpu.memory_space<vmem>>, vector<1x16xf32>,
      %swap3A_198 = vector.shape_cast %swap3A_197 : vector<1x16xf32> to vector<16xf32>
      %swap3A_199 = vector.shape_cast %scan3A_184#1 : vector<16xf32> to vector<1x16xf32>
      tpu.vector_store %arg7[%swap3A_195, %swap3A_196], %swap3A_199 {strides = array<i32>} : memref<128x64xf32, #tpu.memory_space<vmem>>, vector<1x16xf32>,
      %swap3A_200 = arith.index_cast %add3A_189 : i32 to index
      %swap3A_201 = arith.constant 32 : index
      %swap3A_202 = tpu.vector_load %arg7[%swap3A_200, %swap3A_201] {strides = array<i32>} : memref<128x64xf32, #tpu.memory_space<vmem>>, vector<1x16xf32>,
      %swap3A_203 = vector.shape_cast %swap3A_202 : vector<1x16xf32> to vector<16xf32>
      %swap3A_204 = vector.shape_cast %scan3A_184#2 : vector<16xf32> to vector<1x16xf32>
      tpu.vector_store %arg7[%swap3A_200, %swap3A_201], %swap3A_204 {strides = array<i32>} : memref<128x64xf32, #tpu.memory_space<vmem>>, vector<1x16xf32>,
      %swap3A_205 = arith.index_cast %add3A_189 : i32 to index
      %swap3A_206 = arith.constant 48 : index
      %swap3A_207 = tpu.vector_load %arg7[%swap3A_205, %swap3A_206] {strides = array<i32>} : memref<128x64xf32, #tpu.memory_space<vmem>>, vector<1x16xf32>,
      %swap3A_208 = vector.shape_cast %swap3A_207 : vector<1x16xf32> to vector<16xf32>
      %swap3A_209 = vector.shape_cast %scan3A_184#3 : vector<16xf32> to vector<1x16xf32>
      tpu.vector_store %arg7[%swap3A_205, %swap3A_206], %swap3A_209 {strides = array<i32>} : memref<128x64xf32, #tpu.memory_space<vmem>>, vector<1x16xf32>,
      %add3A_210 = arith.constant 2 : i32
      %add3A_211 = arith.addi %mul3A_83, %add3A_210 : i32
      %add3A_212 = arith.constant 4 : i32
      %add3A_213 = arith.addi %add3A_211, %add3A_212 : i32
      %sub3A_214 = arith.constant 1 : i32
      %sub3A_215 = arith.subi %add3A_213, %sub3A_214 : i32
      %lt3A_216 = arith.constant 128 : i32
      %lt3A_217 = arith.cmpi slt, %sub3A_215, %lt3A_216 : i32
      %convert_element_type3A_218 = arith.extui %lt3A_217 : i1 to i32
      %cond3A_219 = arith.constant 0 : i32
      %cond3A_220 = arith.cmpi ne, %convert_element_type3A_218, %cond3A_219 : i32
      scf.if %cond3A_220 {
        %mul3A_342 = arith.constant 200 : i32
        %mul3A_343 = arith.muli %sub3A_215, %mul3A_342 : i32
        %multiple_of3A_344 = tpu.assume_multiple %mul3A_343, 8 : i32
        %add3A_345 = arith.constant 0 : i32
        %add3A_346 = arith.addi %multiple_of3A_344, %add3A_345 : i32
        %add3A_347 = arith.constant 128 : i32
        %add3A_348 = arith.addi %multiple_of3A_344, %add3A_347 : i32
        %dma_start3A_349 = arith.constant 1 : i32
        %dma_start3A_350 = arith.constant 0 : i32
        %dma_start3A_351 = arith.constant 0 : i32
        %dma_start3A_352 = tpu.memref_slice %arg6[%dma_start3A_349, %dma_start3A_350, %dma_start3A_351] : memref<4x200x64xf32, #tpu.memory_space<vmem>> -> memref<1x128x64xf32, #tpu.memory_space<vmem>>
        %dma_start3A_353 = tpu.memref_squeeze %dma_start3A_352 : memref<1x128x64xf32, #tpu.memory_space<vmem>> -> memref<128x64xf32, #tpu.memory_space<vmem>>
        %dma_start3A_354 = tpu.memref_slice %arg5[%add3A_346] : memref<25600xi32, #tpu.memory_space<vmem>> -> memref<128xi32, #tpu.memory_space<vmem>>
        %dma_start3A_355 = arith.constant 0 : i32
        %dma_start3A_356 = arith.constant 0 : i32
        %dma_start3A_357 = tpu.memref_slice %arg3[%dma_start3A_355, %dma_start3A_356] : memref<1000000x64xf32, #tpu.memory_space<hbm>> -> memref<1000000x64xf32, #tpu.memory_space<hbm>>
        tpu.enqueue_indirect_dma source(%dma_start3A_357 : memref<1000000x64xf32, #tpu.memory_space<hbm>>) target(%dma_start3A_353 : memref<128x64xf32, #tpu.memory_space<vmem>>) offsets(%dma_start3A_354 : memref<128xi32, #tpu.memory_space<vmem>>) semaphore(%arg9 : memref<!tpu.dma_semaphore, #tpu.memory_space<semaphore_mem>>)
        %dma_start3A_358 = arith.constant 1 : i32
        %dma_start3A_359 = arith.constant 128 : i32
        %dma_start3A_360 = arith.constant 0 : i32
        %dma_start3A_361 = tpu.memref_slice %arg6[%dma_start3A_358, %dma_start3A_359, %dma_start3A_360] : memref<4x200x64xf32, #tpu.memory_space<vmem>> -> memref<1x72x64xf32, #tpu.memory_space<vmem>>
        %dma_start3A_362 = tpu.memref_squeeze %dma_start3A_361 : memref<1x72x64xf32, #tpu.memory_space<vmem>> -> memref<72x64xf32, #tpu.memory_space<vmem>>
        %dma_start3A_363 = tpu.memref_slice %arg5[%add3A_348] : memref<25600xi32, #tpu.memory_space<vmem>> -> memref<72xi32, #tpu.memory_space<vmem>>
        %dma_start3A_364 = arith.constant 0 : i32
        %dma_start3A_365 = arith.constant 0 : i32
        %dma_start3A_366 = tpu.memref_slice %arg3[%dma_start3A_364, %dma_start3A_365] : memref<1000000x64xf32, #tpu.memory_space<hbm>> -> memref<1000000x64xf32, #tpu.memory_space<hbm>>
        tpu.enqueue_indirect_dma source(%dma_start3A_366 : memref<1000000x64xf32, #tpu.memory_space<hbm>>) target(%dma_start3A_362 : memref<72x64xf32, #tpu.memory_space<vmem>>) offsets(%dma_start3A_363 : memref<72xi32, #tpu.memory_space<vmem>>) semaphore(%arg9 : memref<!tpu.dma_semaphore, #tpu.memory_space<semaphore_mem>>)
      } else {
      }
      %mul3A_221 = arith.constant 200 : i32
      %mul3A_222 = arith.muli %add3A_211, %mul3A_221 : i32
      %multiple_of3A_223 = tpu.assume_multiple %mul3A_222, 8 : i32
      %add3A_224 = arith.constant 0 : i32
      %add3A_225 = arith.addi %multiple_of3A_223, %add3A_224 : i32
      %add3A_226 = arith.constant 128 : i32
      %add3A_227 = arith.addi %multiple_of3A_223, %add3A_226 : i32
      %dma_wait3A_228 = arith.constant 2 : i32
      %dma_wait3A_229 = arith.constant 0 : i32
      %dma_wait3A_230 = arith.constant 0 : i32
      %dma_wait3A_231 = tpu.memref_slice %arg6[%dma_wait3A_228, %dma_wait3A_229, %dma_wait3A_230] : memref<4x200x64xf32, #tpu.memory_space<vmem>> -> memref<1x128x64xf32, #tpu.memory_space<vmem>>
      %dma_wait3A_232 = tpu.memref_squeeze %dma_wait3A_231 : memref<1x128x64xf32, #tpu.memory_space<vmem>> -> memref<128x64xf32, #tpu.memory_space<vmem>>
      %dma_wait3A_233 = tpu.memref_slice %arg5[%add3A_225] : memref<25600xi32, #tpu.memory_space<vmem>> -> memref<128xi32, #tpu.memory_space<vmem>>
      %dma_wait3A_234 = arith.constant 0 : i32
      %dma_wait3A_235 = arith.constant 0 : i32
      %dma_wait3A_236 = tpu.memref_slice %arg3[%dma_wait3A_234, %dma_wait3A_235] : memref<1000000x64xf32, #tpu.memory_space<hbm>> -> memref<1000000x64xf32, #tpu.memory_space<hbm>>
      tpu.wait_indirect_dma semaphore(%arg10 : memref<!tpu.dma_semaphore, #tpu.memory_space<semaphore_mem>>) src(%dma_wait3A_236 : memref<1000000x64xf32, #tpu.memory_space<hbm>>) dst(%dma_wait3A_232 : memref<128x64xf32, #tpu.memory_space<vmem>>)
      %dma_wait3A_237 = arith.constant 2 : i32
      %dma_wait3A_238 = arith.constant 128 : i32
      %dma_wait3A_239 = arith.constant 0 : i32
      %dma_wait3A_240 = tpu.memref_slice %arg6[%dma_wait3A_237, %dma_wait3A_238, %dma_wait3A_239] : memref<4x200x64xf32, #tpu.memory_space<vmem>> -> memref<1x72x64xf32, #tpu.memory_space<vmem>>
      %dma_wait3A_241 = tpu.memref_squeeze %dma_wait3A_240 : memref<1x72x64xf32, #tpu.memory_space<vmem>> -> memref<72x64xf32, #tpu.memory_space<vmem>>
      %dma_wait3A_242 = tpu.memref_slice %arg5[%add3A_227] : memref<25600xi32, #tpu.memory_space<vmem>> -> memref<72xi32, #tpu.memory_space<vmem>>
      %dma_wait3A_243 = arith.constant 0 : i32
      %dma_wait3A_244 = arith.constant 0 : i32
      %dma_wait3A_245 = tpu.memref_slice %arg3[%dma_wait3A_243, %dma_wait3A_244] : memref<1000000x64xf32, #tpu.memory_space<hbm>> -> memref<1000000x64xf32, #tpu.memory_space<hbm>>
      tpu.wait_indirect_dma semaphore(%arg10 : memref<!tpu.dma_semaphore, #tpu.memory_space<semaphore_mem>>) src(%dma_wait3A_245 : memref<1000000x64xf32, #tpu.memory_space<hbm>>) dst(%dma_wait3A_241 : memref<72x64xf32, #tpu.memory_space<vmem>>)
      %scan3A_246 = arith.constant 0 : i32
      %scan3A_247 = arith.constant 25 : i32
      %scan3A_248 = arith.addi %scan3A_246, %scan3A_247 : i32
      %scan3A_249 = arith.constant 1 : i32
      %scan3A_250:4 = scf.for %scan3A_342 = %scan3A_246 to %scan3A_248 step %scan3A_249 iter_args(%scan3A_343 = %broadcast_in_dim3A_5, %scan3A_344 = %broadcast_in_dim3A_5, %scan3A_345 = %broadcast_in_dim3A_5, %scan3A_346 = %broadcast_in_dim3A_5) -> (vector<16xf32>, vector<16xf32>, vector<16xf32>, vector<16xf32>)  : i32 {
        %mul3A_347 = arith.constant 8 : i32
        %mul3A_348 = arith.muli %scan3A_342, %mul3A_347 : i32
        %add3A_349 = arith.constant 0 : i32
        %add3A_350 = arith.addi %add3A_349, %mul3A_348 : i32
        %add3A_351 = arith.constant 0 : i32
        %add3A_352 = arith.addi %add3A_350, %add3A_351 : i32
        %get3A = arith.constant 2 : i32
        %get3A_353 = arith.index_cast %get3A : i32 to index
        %get3A_354 = arith.index_cast %add3A_352 : i32 to index
        %get3A_355 = arith.constant 0 : index
        %get3A_356 = tpu.vector_load %arg6[%get3A_353, %get3A_354, %get3A_355] {strides = array<i32>} : memref<4x200x64xf32, #tpu.memory_space<vmem>>, vector<1x1x16xf32>,
        %get3A_357 = vector.shape_cast %get3A_356 : vector<1x1x16xf32> to vector<16xf32>
        %add3A_358 = arith.addf %scan3A_343, %get3A_357 : vector<16xf32>
        %add3A_359 = arith.constant 0 : i32
        %add3A_360 = arith.addi %add3A_350, %add3A_359 : i32
        %get3A_361 = arith.constant 2 : i32
        %get3A_362 = arith.index_cast %get3A_361 : i32 to index
        %get3A_363 = arith.index_cast %add3A_360 : i32 to index
        %get3A_364 = arith.constant 16 : index
        %get3A_365 = tpu.vector_load %arg6[%get3A_362, %get3A_363, %get3A_364] {strides = array<i32>} : memref<4x200x64xf32, #tpu.memory_space<vmem>>, vector<1x1x16xf32>,
        %get3A_366 = vector.shape_cast %get3A_365 : vector<1x1x16xf32> to vector<16xf32>
        %add3A_367 = arith.addf %scan3A_344, %get3A_366 : vector<16xf32>
        %add3A_368 = arith.constant 0 : i32
        %add3A_369 = arith.addi %add3A_350, %add3A_368 : i32
        %get3A_370 = arith.constant 2 : i32
        %get3A_371 = arith.index_cast %get3A_370 : i32 to index
        %get3A_372 = arith.index_cast %add3A_369 : i32 to index
        %get3A_373 = arith.constant 32 : index
        %get3A_374 = tpu.vector_load %arg6[%get3A_371, %get3A_372, %get3A_373] {strides = array<i32>} : memref<4x200x64xf32, #tpu.memory_space<vmem>>, vector<1x1x16xf32>,
        %get3A_375 = vector.shape_cast %get3A_374 : vector<1x1x16xf32> to vector<16xf32>
        %add3A_376 = arith.addf %scan3A_345, %get3A_375 : vector<16xf32>
        %add3A_377 = arith.constant 0 : i32
        %add3A_378 = arith.addi %add3A_350, %add3A_377 : i32
        %get3A_379 = arith.constant 2 : i32
        %get3A_380 = arith.index_cast %get3A_379 : i32 to index
        %get3A_381 = arith.index_cast %add3A_378 : i32 to index
        %get3A_382 = arith.constant 48 : index
        %get3A_383 = tpu.vector_load %arg6[%get3A_380, %get3A_381, %get3A_382] {strides = array<i32>} : memref<4x200x64xf32, #tpu.memory_space<vmem>>, vector<1x1x16xf32>,
        %get3A_384 = vector.shape_cast %get3A_383 : vector<1x1x16xf32> to vector<16xf32>
        %add3A_385 = arith.addf %scan3A_346, %get3A_384 : vector<16xf32>
        %add3A_386 = arith.constant 1 : i32
        %add3A_387 = arith.addi %add3A_350, %add3A_386 : i32
        %get3A_388 = arith.constant 2 : i32
        %get3A_389 = arith.index_cast %get3A_388 : i32 to index
        %get3A_390 = arith.index_cast %add3A_387 : i32 to index
        %get3A_391 = arith.constant 0 : index
        %get3A_392 = tpu.vector_load %arg6[%get3A_389, %get3A_390, %get3A_391] {strides = array<i32>} : memref<4x200x64xf32, #tpu.memory_space<vmem>>, vector<1x1x16xf32>,
        %get3A_393 = vector.shape_cast %get3A_392 : vector<1x1x16xf32> to vector<16xf32>
        %add3A_394 = arith.addf %add3A_358, %get3A_393 : vector<16xf32>
        %add3A_395 = arith.constant 1 : i32
        %add3A_396 = arith.addi %add3A_350, %add3A_395 : i32
        %get3A_397 = arith.constant 2 : i32
        %get3A_398 = arith.index_cast %get3A_397 : i32 to index
        %get3A_399 = arith.index_cast %add3A_396 : i32 to index
        %get3A_400 = arith.constant 16 : index
        %get3A_401 = tpu.vector_load %arg6[%get3A_398, %get3A_399, %get3A_400] {strides = array<i32>} : memref<4x200x64xf32, #tpu.memory_space<vmem>>, vector<1x1x16xf32>,
        %get3A_402 = vector.shape_cast %get3A_401 : vector<1x1x16xf32> to vector<16xf32>
        %add3A_403 = arith.addf %add3A_367, %get3A_402 : vector<16xf32>
        %add3A_404 = arith.constant 1 : i32
        %add3A_405 = arith.addi %add3A_350, %add3A_404 : i32
        %get3A_406 = arith.constant 2 : i32
        %get3A_407 = arith.index_cast %get3A_406 : i32 to index
        %get3A_408 = arith.index_cast %add3A_405 : i32 to index
        %get3A_409 = arith.constant 32 : index
        %get3A_410 = tpu.vector_load %arg6[%get3A_407, %get3A_408, %get3A_409] {strides = array<i32>} : memref<4x200x64xf32, #tpu.memory_space<vmem>>, vector<1x1x16xf32>,
        %get3A_411 = vector.shape_cast %get3A_410 : vector<1x1x16xf32> to vector<16xf32>
        %add3A_412 = arith.addf %add3A_376, %get3A_411 : vector<16xf32>
        %add3A_413 = arith.constant 1 : i32
        %add3A_414 = arith.addi %add3A_350, %add3A_413 : i32
        %get3A_415 = arith.constant 2 : i32
        %get3A_416 = arith.index_cast %get3A_415 : i32 to index
        %get3A_417 = arith.index_cast %add3A_414 : i32 to index
        %get3A_418 = arith.constant 48 : index
        %get3A_419 = tpu.vector_load %arg6[%get3A_416, %get3A_417, %get3A_418] {strides = array<i32>} : memref<4x200x64xf32, #tpu.memory_space<vmem>>, vector<1x1x16xf32>,
        %get3A_420 = vector.shape_cast %get3A_419 : vector<1x1x16xf32> to vector<16xf32>
        %add3A_421 = arith.addf %add3A_385, %get3A_420 : vector<16xf32>
        %add3A_422 = arith.constant 2 : i32
        %add3A_423 = arith.addi %add3A_350, %add3A_422 : i32
        %get3A_424 = arith.constant 2 : i32
        %get3A_425 = arith.index_cast %get3A_424 : i32 to index
        %get3A_426 = arith.index_cast %add3A_423 : i32 to index
        %get3A_427 = arith.constant 0 : index
        %get3A_428 = tpu.vector_load %arg6[%get3A_425, %get3A_426, %get3A_427] {strides = array<i32>} : memref<4x200x64xf32, #tpu.memory_space<vmem>>, vector<1x1x16xf32>,
        %get3A_429 = vector.shape_cast %get3A_428 : vector<1x1x16xf32> to vector<16xf32>
        %add3A_430 = arith.addf %add3A_394, %get3A_429 : vector<16xf32>
        %add3A_431 = arith.constant 2 : i32
        %add3A_432 = arith.addi %add3A_350, %add3A_431 : i32
        %get3A_433 = arith.constant 2 : i32
        %get3A_434 = arith.index_cast %get3A_433 : i32 to index
        %get3A_435 = arith.index_cast %add3A_432 : i32 to index
        %get3A_436 = arith.constant 16 : index
        %get3A_437 = tpu.vector_load %arg6[%get3A_434, %get3A_435, %get3A_436] {strides = array<i32>} : memref<4x200x64xf32, #tpu.memory_space<vmem>>, vector<1x1x16xf32>,
        %get3A_438 = vector.shape_cast %get3A_437 : vector<1x1x16xf32> to vector<16xf32>
        %add3A_439 = arith.addf %add3A_403, %get3A_438 : vector<16xf32>
        %add3A_440 = arith.constant 2 : i32
        %add3A_441 = arith.addi %add3A_350, %add3A_440 : i32
        %get3A_442 = arith.constant 2 : i32
        %get3A_443 = arith.index_cast %get3A_442 : i32 to index
        %get3A_444 = arith.index_cast %add3A_441 : i32 to index
        %get3A_445 = arith.constant 32 : index
        %get3A_446 = tpu.vector_load %arg6[%get3A_443, %get3A_444, %get3A_445] {strides = array<i32>} : memref<4x200x64xf32, #tpu.memory_space<vmem>>, vector<1x1x16xf32>,
        %get3A_447 = vector.shape_cast %get3A_446 : vector<1x1x16xf32> to vector<16xf32>
        %add3A_448 = arith.addf %add3A_412, %get3A_447 : vector<16xf32>
        %add3A_449 = arith.constant 2 : i32
        %add3A_450 = arith.addi %add3A_350, %add3A_449 : i32
        %get3A_451 = arith.constant 2 : i32
        %get3A_452 = arith.index_cast %get3A_451 : i32 to index
        %get3A_453 = arith.index_cast %add3A_450 : i32 to index
        %get3A_454 = arith.constant 48 : index
        %get3A_455 = tpu.vector_load %arg6[%get3A_452, %get3A_453, %get3A_454] {strides = array<i32>} : memref<4x200x64xf32, #tpu.memory_space<vmem>>, vector<1x1x16xf32>,
        %get3A_456 = vector.shape_cast %get3A_455 : vector<1x1x16xf32> to vector<16xf32>
        %add3A_457 = arith.addf %add3A_421, %get3A_456 : vector<16xf32>
        %add3A_458 = arith.constant 3 : i32
        %add3A_459 = arith.addi %add3A_350, %add3A_458 : i32
        %get3A_460 = arith.constant 2 : i32
        %get3A_461 = arith.index_cast %get3A_460 : i32 to index
        %get3A_462 = arith.index_cast %add3A_459 : i32 to index
        %get3A_463 = arith.constant 0 : index
        %get3A_464 = tpu.vector_load %arg6[%get3A_461, %get3A_462, %get3A_463] {strides = array<i32>} : memref<4x200x64xf32, #tpu.memory_space<vmem>>, vector<1x1x16xf32>,
        %get3A_465 = vector.shape_cast %get3A_464 : vector<1x1x16xf32> to vector<16xf32>
        %add3A_466 = arith.addf %add3A_430, %get3A_465 : vector<16xf32>
        %add3A_467 = arith.constant 3 : i32
        %add3A_468 = arith.addi %add3A_350, %add3A_467 : i32
        %get3A_469 = arith.constant 2 : i32
        %get3A_470 = arith.index_cast %get3A_469 : i32 to index
        %get3A_471 = arith.index_cast %add3A_468 : i32 to index
        %get3A_472 = arith.constant 16 : index
        %get3A_473 = tpu.vector_load %arg6[%get3A_470, %get3A_471, %get3A_472] {strides = array<i32>} : memref<4x200x64xf32, #tpu.memory_space<vmem>>, vector<1x1x16xf32>,
        %get3A_474 = vector.shape_cast %get3A_473 : vector<1x1x16xf32> to vector<16xf32>
        %add3A_475 = arith.addf %add3A_439, %get3A_474 : vector<16xf32>
        %add3A_476 = arith.constant 3 : i32
        %add3A_477 = arith.addi %add3A_350, %add3A_476 : i32
        %get3A_478 = arith.constant 2 : i32
        %get3A_479 = arith.index_cast %get3A_478 : i32 to index
        %get3A_480 = arith.index_cast %add3A_477 : i32 to index
        %get3A_481 = arith.constant 32 : index
        %get3A_482 = tpu.vector_load %arg6[%get3A_479, %get3A_480, %get3A_481] {strides = array<i32>} : memref<4x200x64xf32, #tpu.memory_space<vmem>>, vector<1x1x16xf32>,
        %get3A_483 = vector.shape_cast %get3A_482 : vector<1x1x16xf32> to vector<16xf32>
        %add3A_484 = arith.addf %add3A_448, %get3A_483 : vector<16xf32>
        %add3A_485 = arith.constant 3 : i32
        %add3A_486 = arith.addi %add3A_350, %add3A_485 : i32
        %get3A_487 = arith.constant 2 : i32
        %get3A_488 = arith.index_cast %get3A_487 : i32 to index
        %get3A_489 = arith.index_cast %add3A_486 : i32 to index
        %get3A_490 = arith.constant 48 : index
        %get3A_491 = tpu.vector_load %arg6[%get3A_488, %get3A_489, %get3A_490] {strides = array<i32>} : memref<4x200x64xf32, #tpu.memory_space<vmem>>, vector<1x1x16xf32>,
        %get3A_492 = vector.shape_cast %get3A_491 : vector<1x1x16xf32> to vector<16xf32>
        %add3A_493 = arith.addf %add3A_457, %get3A_492 : vector<16xf32>
        %add3A_494 = arith.constant 4 : i32
        %add3A_495 = arith.addi %add3A_350, %add3A_494 : i32
        %get3A_496 = arith.constant 2 : i32
        %get3A_497 = arith.index_cast %get3A_496 : i32 to index
        %get3A_498 = arith.index_cast %add3A_495 : i32 to index
        %get3A_499 = arith.constant 0 : index
        %get3A_500 = tpu.vector_load %arg6[%get3A_497, %get3A_498, %get3A_499] {strides = array<i32>} : memref<4x200x64xf32, #tpu.memory_space<vmem>>, vector<1x1x16xf32>,
        %get3A_501 = vector.shape_cast %get3A_500 : vector<1x1x16xf32> to vector<16xf32>
        %add3A_502 = arith.addf %add3A_466, %get3A_501 : vector<16xf32>
        %add3A_503 = arith.constant 4 : i32
        %add3A_504 = arith.addi %add3A_350, %add3A_503 : i32
        %get3A_505 = arith.constant 2 : i32
        %get3A_506 = arith.index_cast %get3A_505 : i32 to index
        %get3A_507 = arith.index_cast %add3A_504 : i32 to index
        %get3A_508 = arith.constant 16 : index
        %get3A_509 = tpu.vector_load %arg6[%get3A_506, %get3A_507, %get3A_508] {strides = array<i32>} : memref<4x200x64xf32, #tpu.memory_space<vmem>>, vector<1x1x16xf32>,
        %get3A_510 = vector.shape_cast %get3A_509 : vector<1x1x16xf32> to vector<16xf32>
        %add3A_511 = arith.addf %add3A_475, %get3A_510 : vector<16xf32>
        %add3A_512 = arith.constant 4 : i32
        %add3A_513 = arith.addi %add3A_350, %add3A_512 : i32
        %get3A_514 = arith.constant 2 : i32
        %get3A_515 = arith.index_cast %get3A_514 : i32 to index
        %get3A_516 = arith.index_cast %add3A_513 : i32 to index
        %get3A_517 = arith.constant 32 : index
        %get3A_518 = tpu.vector_load %arg6[%get3A_515, %get3A_516, %get3A_517] {strides = array<i32>} : memref<4x200x64xf32, #tpu.memory_space<vmem>>, vector<1x1x16xf32>,
        %get3A_519 = vector.shape_cast %get3A_518 : vector<1x1x16xf32> to vector<16xf32>
        %add3A_520 = arith.addf %add3A_484, %get3A_519 : vector<16xf32>
        %add3A_521 = arith.constant 4 : i32
        %add3A_522 = arith.addi %add3A_350, %add3A_521 : i32
        %get3A_523 = arith.constant 2 : i32
        %get3A_524 = arith.index_cast %get3A_523 : i32 to index
        %get3A_525 = arith.index_cast %add3A_522 : i32 to index
        %get3A_526 = arith.constant 48 : index
        %get3A_527 = tpu.vector_load %arg6[%get3A_524, %get3A_525, %get3A_526] {strides = array<i32>} : memref<4x200x64xf32, #tpu.memory_space<vmem>>, vector<1x1x16xf32>,
        %get3A_528 = vector.shape_cast %get3A_527 : vector<1x1x16xf32> to vector<16xf32>
        %add3A_529 = arith.addf %add3A_493, %get3A_528 : vector<16xf32>
        %add3A_530 = arith.constant 5 : i32
        %add3A_531 = arith.addi %add3A_350, %add3A_530 : i32
        %get3A_532 = arith.constant 2 : i32
        %get3A_533 = arith.index_cast %get3A_532 : i32 to index
        %get3A_534 = arith.index_cast %add3A_531 : i32 to index
        %get3A_535 = arith.constant 0 : index
        %get3A_536 = tpu.vector_load %arg6[%get3A_533, %get3A_534, %get3A_535] {strides = array<i32>} : memref<4x200x64xf32, #tpu.memory_space<vmem>>, vector<1x1x16xf32>,
        %get3A_537 = vector.shape_cast %get3A_536 : vector<1x1x16xf32> to vector<16xf32>
        %add3A_538 = arith.addf %add3A_502, %get3A_537 : vector<16xf32>
        %add3A_539 = arith.constant 5 : i32
        %add3A_540 = arith.addi %add3A_350, %add3A_539 : i32
        %get3A_541 = arith.constant 2 : i32
        %get3A_542 = arith.index_cast %get3A_541 : i32 to index
        %get3A_543 = arith.index_cast %add3A_540 : i32 to index
        %get3A_544 = arith.constant 16 : index
        %get3A_545 = tpu.vector_load %arg6[%get3A_542, %get3A_543, %get3A_544] {strides = array<i32>} : memref<4x200x64xf32, #tpu.memory_space<vmem>>, vector<1x1x16xf32>,
        %get3A_546 = vector.shape_cast %get3A_545 : vector<1x1x16xf32> to vector<16xf32>
        %add3A_547 = arith.addf %add3A_511, %get3A_546 : vector<16xf32>
        %add3A_548 = arith.constant 5 : i32
        %add3A_549 = arith.addi %add3A_350, %add3A_548 : i32
        %get3A_550 = arith.constant 2 : i32
        %get3A_551 = arith.index_cast %get3A_550 : i32 to index
        %get3A_552 = arith.index_cast %add3A_549 : i32 to index
        %get3A_553 = arith.constant 32 : index
        %get3A_554 = tpu.vector_load %arg6[%get3A_551, %get3A_552, %get3A_553] {strides = array<i32>} : memref<4x200x64xf32, #tpu.memory_space<vmem>>, vector<1x1x16xf32>,
        %get3A_555 = vector.shape_cast %get3A_554 : vector<1x1x16xf32> to vector<16xf32>
        %add3A_556 = arith.addf %add3A_520, %get3A_555 : vector<16xf32>
        %add3A_557 = arith.constant 5 : i32
        %add3A_558 = arith.addi %add3A_350, %add3A_557 : i32
        %get3A_559 = arith.constant 2 : i32
        %get3A_560 = arith.index_cast %get3A_559 : i32 to index
        %get3A_561 = arith.index_cast %add3A_558 : i32 to index
        %get3A_562 = arith.constant 48 : index
        %get3A_563 = tpu.vector_load %arg6[%get3A_560, %get3A_561, %get3A_562] {strides = array<i32>} : memref<4x200x64xf32, #tpu.memory_space<vmem>>, vector<1x1x16xf32>,
        %get3A_564 = vector.shape_cast %get3A_563 : vector<1x1x16xf32> to vector<16xf32>
        %add3A_565 = arith.addf %add3A_529, %get3A_564 : vector<16xf32>
        %add3A_566 = arith.constant 6 : i32
        %add3A_567 = arith.addi %add3A_350, %add3A_566 : i32
        %get3A_568 = arith.constant 2 : i32
        %get3A_569 = arith.index_cast %get3A_568 : i32 to index
        %get3A_570 = arith.index_cast %add3A_567 : i32 to index
        %get3A_571 = arith.constant 0 : index
        %get3A_572 = tpu.vector_load %arg6[%get3A_569, %get3A_570, %get3A_571] {strides = array<i32>} : memref<4x200x64xf32, #tpu.memory_space<vmem>>, vector<1x1x16xf32>,
        %get3A_573 = vector.shape_cast %get3A_572 : vector<1x1x16xf32> to vector<16xf32>
        %add3A_574 = arith.addf %add3A_538, %get3A_573 : vector<16xf32>
        %add3A_575 = arith.constant 6 : i32
        %add3A_576 = arith.addi %add3A_350, %add3A_575 : i32
        %get3A_577 = arith.constant 2 : i32
        %get3A_578 = arith.index_cast %get3A_577 : i32 to index
        %get3A_579 = arith.index_cast %add3A_576 : i32 to index
        %get3A_580 = arith.constant 16 : index
        %get3A_581 = tpu.vector_load %arg6[%get3A_578, %get3A_579, %get3A_580] {strides = array<i32>} : memref<4x200x64xf32, #tpu.memory_space<vmem>>, vector<1x1x16xf32>,
        %get3A_582 = vector.shape_cast %get3A_581 : vector<1x1x16xf32> to vector<16xf32>
        %add3A_583 = arith.addf %add3A_547, %get3A_582 : vector<16xf32>
        %add3A_584 = arith.constant 6 : i32
        %add3A_585 = arith.addi %add3A_350, %add3A_584 : i32
        %get3A_586 = arith.constant 2 : i32
        %get3A_587 = arith.index_cast %get3A_586 : i32 to index
        %get3A_588 = arith.index_cast %add3A_585 : i32 to index
        %get3A_589 = arith.constant 32 : index
        %get3A_590 = tpu.vector_load %arg6[%get3A_587, %get3A_588, %get3A_589] {strides = array<i32>} : memref<4x200x64xf32, #tpu.memory_space<vmem>>, vector<1x1x16xf32>,
        %get3A_591 = vector.shape_cast %get3A_590 : vector<1x1x16xf32> to vector<16xf32>
        %add3A_592 = arith.addf %add3A_556, %get3A_591 : vector<16xf32>
        %add3A_593 = arith.constant 6 : i32
        %add3A_594 = arith.addi %add3A_350, %add3A_593 : i32
        %get3A_595 = arith.constant 2 : i32
        %get3A_596 = arith.index_cast %get3A_595 : i32 to index
        %get3A_597 = arith.index_cast %add3A_594 : i32 to index
        %get3A_598 = arith.constant 48 : index
        %get3A_599 = tpu.vector_load %arg6[%get3A_596, %get3A_597, %get3A_598] {strides = array<i32>} : memref<4x200x64xf32, #tpu.memory_space<vmem>>, vector<1x1x16xf32>,
        %get3A_600 = vector.shape_cast %get3A_599 : vector<1x1x16xf32> to vector<16xf32>
        %add3A_601 = arith.addf %add3A_565, %get3A_600 : vector<16xf32>
        %add3A_602 = arith.constant 7 : i32
        %add3A_603 = arith.addi %add3A_350, %add3A_602 : i32
        %get3A_604 = arith.constant 2 : i32
        %get3A_605 = arith.index_cast %get3A_604 : i32 to index
        %get3A_606 = arith.index_cast %add3A_603 : i32 to index
        %get3A_607 = arith.constant 0 : index
        %get3A_608 = tpu.vector_load %arg6[%get3A_605, %get3A_606, %get3A_607] {strides = array<i32>} : memref<4x200x64xf32, #tpu.memory_space<vmem>>, vector<1x1x16xf32>,
        %get3A_609 = vector.shape_cast %get3A_608 : vector<1x1x16xf32> to vector<16xf32>
        %add3A_610 = arith.addf %add3A_574, %get3A_609 : vector<16xf32>
        %add3A_611 = arith.constant 7 : i32
        %add3A_612 = arith.addi %add3A_350, %add3A_611 : i32
        %get3A_613 = arith.constant 2 : i32
        %get3A_614 = arith.index_cast %get3A_613 : i32 to index
        %get3A_615 = arith.index_cast %add3A_612 : i32 to index
        %get3A_616 = arith.constant 16 : index
        %get3A_617 = tpu.vector_load %arg6[%get3A_614, %get3A_615, %get3A_616] {strides = array<i32>} : memref<4x200x64xf32, #tpu.memory_space<vmem>>, vector<1x1x16xf32>,
        %get3A_618 = vector.shape_cast %get3A_617 : vector<1x1x16xf32> to vector<16xf32>
        %add3A_619 = arith.addf %add3A_583, %get3A_618 : vector<16xf32>
        %add3A_620 = arith.constant 7 : i32
        %add3A_621 = arith.addi %add3A_350, %add3A_620 : i32
        %get3A_622 = arith.constant 2 : i32
        %get3A_623 = arith.index_cast %get3A_622 : i32 to index
        %get3A_624 = arith.index_cast %add3A_621 : i32 to index
        %get3A_625 = arith.constant 32 : index
        %get3A_626 = tpu.vector_load %arg6[%get3A_623, %get3A_624, %get3A_625] {strides = array<i32>} : memref<4x200x64xf32, #tpu.memory_space<vmem>>, vector<1x1x16xf32>,
        %get3A_627 = vector.shape_cast %get3A_626 : vector<1x1x16xf32> to vector<16xf32>
        %add3A_628 = arith.addf %add3A_592, %get3A_627 : vector<16xf32>
        %add3A_629 = arith.constant 7 : i32
        %add3A_630 = arith.addi %add3A_350, %add3A_629 : i32
        %get3A_631 = arith.constant 2 : i32
        %get3A_632 = arith.index_cast %get3A_631 : i32 to index
        %get3A_633 = arith.index_cast %add3A_630 : i32 to index
        %get3A_634 = arith.constant 48 : index
        %get3A_635 = tpu.vector_load %arg6[%get3A_632, %get3A_633, %get3A_634] {strides = array<i32>} : memref<4x200x64xf32, #tpu.memory_space<vmem>>, vector<1x1x16xf32>,
        %get3A_636 = vector.shape_cast %get3A_635 : vector<1x1x16xf32> to vector<16xf32>
        %add3A_637 = arith.addf %add3A_601, %get3A_636 : vector<16xf32>
        scf.yield %add3A_610, %add3A_619, %add3A_628, %add3A_637 : vector<16xf32>, vector<16xf32>, vector<16xf32>, vector<16xf32>
      }
      %scan3A_251 = arith.constant 25 : i32
      %mul3A_252 = arith.constant 1 : i32
      %mul3A_253 = arith.muli %add3A_211, %mul3A_252 : i32
      %add3A_254 = arith.constant 0 : i32
      %add3A_255 = arith.addi %mul3A_253, %add3A_254 : i32
      %swap3A_256 = arith.index_cast %add3A_255 : i32 to index
      %swap3A_257 = arith.constant 0 : index
      %swap3A_258 = tpu.vector_load %arg7[%swap3A_256, %swap3A_257] {strides = array<i32>} : memref<128x64xf32, #tpu.memory_space<vmem>>, vector<1x16xf32>,
      %swap3A_259 = vector.shape_cast %swap3A_258 : vector<1x16xf32> to vector<16xf32>
      %swap3A_260 = vector.shape_cast %scan3A_250#0 : vector<16xf32> to vector<1x16xf32>
      tpu.vector_store %arg7[%swap3A_256, %swap3A_257], %swap3A_260 {strides = array<i32>} : memref<128x64xf32, #tpu.memory_space<vmem>>, vector<1x16xf32>,
      %swap3A_261 = arith.index_cast %add3A_255 : i32 to index
      %swap3A_262 = arith.constant 16 : index
      %swap3A_263 = tpu.vector_load %arg7[%swap3A_261, %swap3A_262] {strides = array<i32>} : memref<128x64xf32, #tpu.memory_space<vmem>>, vector<1x16xf32>,
      %swap3A_264 = vector.shape_cast %swap3A_263 : vector<1x16xf32> to vector<16xf32>
      %swap3A_265 = vector.shape_cast %scan3A_250#1 : vector<16xf32> to vector<1x16xf32>
      tpu.vector_store %arg7[%swap3A_261, %swap3A_262], %swap3A_265 {strides = array<i32>} : memref<128x64xf32, #tpu.memory_space<vmem>>, vector<1x16xf32>,
      %swap3A_266 = arith.index_cast %add3A_255 : i32 to index
      %swap3A_267 = arith.constant 32 : index
      %swap3A_268 = tpu.vector_load %arg7[%swap3A_266, %swap3A_267] {strides = array<i32>} : memref<128x64xf32, #tpu.memory_space<vmem>>, vector<1x16xf32>,
      %swap3A_269 = vector.shape_cast %swap3A_268 : vector<1x16xf32> to vector<16xf32>
      %swap3A_270 = vector.shape_cast %scan3A_250#2 : vector<16xf32> to vector<1x16xf32>
      tpu.vector_store %arg7[%swap3A_266, %swap3A_267], %swap3A_270 {strides = array<i32>} : memref<128x64xf32, #tpu.memory_space<vmem>>, vector<1x16xf32>,
      %swap3A_271 = arith.index_cast %add3A_255 : i32 to index
      %swap3A_272 = arith.constant 48 : index
      %swap3A_273 = tpu.vector_load %arg7[%swap3A_271, %swap3A_272] {strides = array<i32>} : memref<128x64xf32, #tpu.memory_space<vmem>>, vector<1x16xf32>,
      %swap3A_274 = vector.shape_cast %swap3A_273 : vector<1x16xf32> to vector<16xf32>
      %swap3A_275 = vector.shape_cast %scan3A_250#3 : vector<16xf32> to vector<1x16xf32>
      tpu.vector_store %arg7[%swap3A_271, %swap3A_272], %swap3A_275 {strides = array<i32>} : memref<128x64xf32, #tpu.memory_space<vmem>>, vector<1x16xf32>,
      %add3A_276 = arith.constant 3 : i32
      %add3A_277 = arith.addi %mul3A_83, %add3A_276 : i32
      %add3A_278 = arith.constant 4 : i32
      %add3A_279 = arith.addi %add3A_277, %add3A_278 : i32
      %sub3A_280 = arith.constant 1 : i32
      %sub3A_281 = arith.subi %add3A_279, %sub3A_280 : i32
      %lt3A_282 = arith.constant 128 : i32
      %lt3A_283 = arith.cmpi slt, %sub3A_281, %lt3A_282 : i32
      %convert_element_type3A_284 = arith.extui %lt3A_283 : i1 to i32
      %cond3A_285 = arith.constant 0 : i32
      %cond3A_286 = arith.cmpi ne, %convert_element_type3A_284, %cond3A_285 : i32
      scf.if %cond3A_286 {
        %mul3A_342 = arith.constant 200 : i32
        %mul3A_343 = arith.muli %sub3A_281, %mul3A_342 : i32
        %multiple_of3A_344 = tpu.assume_multiple %mul3A_343, 8 : i32
        %add3A_345 = arith.constant 0 : i32
        %add3A_346 = arith.addi %multiple_of3A_344, %add3A_345 : i32
        %add3A_347 = arith.constant 128 : i32
        %add3A_348 = arith.addi %multiple_of3A_344, %add3A_347 : i32
        %dma_start3A_349 = arith.constant 2 : i32
        %dma_start3A_350 = arith.constant 0 : i32
        %dma_start3A_351 = arith.constant 0 : i32
        %dma_start3A_352 = tpu.memref_slice %arg6[%dma_start3A_349, %dma_start3A_350, %dma_start3A_351] : memref<4x200x64xf32, #tpu.memory_space<vmem>> -> memref<1x128x64xf32, #tpu.memory_space<vmem>>
        %dma_start3A_353 = tpu.memref_squeeze %dma_start3A_352 : memref<1x128x64xf32, #tpu.memory_space<vmem>> -> memref<128x64xf32, #tpu.memory_space<vmem>>
        %dma_start3A_354 = tpu.memref_slice %arg5[%add3A_346] : memref<25600xi32, #tpu.memory_space<vmem>> -> memref<128xi32, #tpu.memory_space<vmem>>
        %dma_start3A_355 = arith.constant 0 : i32
        %dma_start3A_356 = arith.constant 0 : i32
        %dma_start3A_357 = tpu.memref_slice %arg3[%dma_start3A_355, %dma_start3A_356] : memref<1000000x64xf32, #tpu.memory_space<hbm>> -> memref<1000000x64xf32, #tpu.memory_space<hbm>>
        tpu.enqueue_indirect_dma source(%dma_start3A_357 : memref<1000000x64xf32, #tpu.memory_space<hbm>>) target(%dma_start3A_353 : memref<128x64xf32, #tpu.memory_space<vmem>>) offsets(%dma_start3A_354 : memref<128xi32, #tpu.memory_space<vmem>>) semaphore(%arg10 : memref<!tpu.dma_semaphore, #tpu.memory_space<semaphore_mem>>)
        %dma_start3A_358 = arith.constant 2 : i32
        %dma_start3A_359 = arith.constant 128 : i32
        %dma_start3A_360 = arith.constant 0 : i32
        %dma_start3A_361 = tpu.memref_slice %arg6[%dma_start3A_358, %dma_start3A_359, %dma_start3A_360] : memref<4x200x64xf32, #tpu.memory_space<vmem>> -> memref<1x72x64xf32, #tpu.memory_space<vmem>>
        %dma_start3A_362 = tpu.memref_squeeze %dma_start3A_361 : memref<1x72x64xf32, #tpu.memory_space<vmem>> -> memref<72x64xf32, #tpu.memory_space<vmem>>
        %dma_start3A_363 = tpu.memref_slice %arg5[%add3A_348] : memref<25600xi32, #tpu.memory_space<vmem>> -> memref<72xi32, #tpu.memory_space<vmem>>
        %dma_start3A_364 = arith.constant 0 : i32
        %dma_start3A_365 = arith.constant 0 : i32
        %dma_start3A_366 = tpu.memref_slice %arg3[%dma_start3A_364, %dma_start3A_365] : memref<1000000x64xf32, #tpu.memory_space<hbm>> -> memref<1000000x64xf32, #tpu.memory_space<hbm>>
        tpu.enqueue_indirect_dma source(%dma_start3A_366 : memref<1000000x64xf32, #tpu.memory_space<hbm>>) target(%dma_start3A_362 : memref<72x64xf32, #tpu.memory_space<vmem>>) offsets(%dma_start3A_363 : memref<72xi32, #tpu.memory_space<vmem>>) semaphore(%arg10 : memref<!tpu.dma_semaphore, #tpu.memory_space<semaphore_mem>>)
      } else {
      }
      %mul3A_287 = arith.constant 200 : i32
      %mul3A_288 = arith.muli %add3A_277, %mul3A_287 : i32
      %multiple_of3A_289 = tpu.assume_multiple %mul3A_288, 8 : i32
      %add3A_290 = arith.constant 0 : i32
      %add3A_291 = arith.addi %multiple_of3A_289, %add3A_290 : i32
      %add3A_292 = arith.constant 128 : i32
      %add3A_293 = arith.addi %multiple_of3A_289, %add3A_292 : i32
      %dma_wait3A_294 = arith.constant 3 : i32
      %dma_wait3A_295 = arith.constant 0 : i32
      %dma_wait3A_296 = arith.constant 0 : i32
      %dma_wait3A_297 = tpu.memref_slice %arg6[%dma_wait3A_294, %dma_wait3A_295, %dma_wait3A_296] : memref<4x200x64xf32, #tpu.memory_space<vmem>> -> memref<1x128x64xf32, #tpu.memory_space<vmem>>
      %dma_wait3A_298 = tpu.memref_squeeze %dma_wait3A_297 : memref<1x128x64xf32, #tpu.memory_space<vmem>> -> memref<128x64xf32, #tpu.memory_space<vmem>>
      %dma_wait3A_299 = tpu.memref_slice %arg5[%add3A_291] : memref<25600xi32, #tpu.memory_space<vmem>> -> memref<128xi32, #tpu.memory_space<vmem>>
      %dma_wait3A_300 = arith.constant 0 : i32
      %dma_wait3A_301 = arith.constant 0 : i32
      %dma_wait3A_302 = tpu.memref_slice %arg3[%dma_wait3A_300, %dma_wait3A_301] : memref<1000000x64xf32, #tpu.memory_space<hbm>> -> memref<1000000x64xf32, #tpu.memory_space<hbm>>
      tpu.wait_indirect_dma semaphore(%arg11 : memref<!tpu.dma_semaphore, #tpu.memory_space<semaphore_mem>>) src(%dma_wait3A_302 : memref<1000000x64xf32, #tpu.memory_space<hbm>>) dst(%dma_wait3A_298 : memref<128x64xf32, #tpu.memory_space<vmem>>)
      %dma_wait3A_303 = arith.constant 3 : i32
      %dma_wait3A_304 = arith.constant 128 : i32
      %dma_wait3A_305 = arith.constant 0 : i32
      %dma_wait3A_306 = tpu.memref_slice %arg6[%dma_wait3A_303, %dma_wait3A_304, %dma_wait3A_305] : memref<4x200x64xf32, #tpu.memory_space<vmem>> -> memref<1x72x64xf32, #tpu.memory_space<vmem>>
      %dma_wait3A_307 = tpu.memref_squeeze %dma_wait3A_306 : memref<1x72x64xf32, #tpu.memory_space<vmem>> -> memref<72x64xf32, #tpu.memory_space<vmem>>
      %dma_wait3A_308 = tpu.memref_slice %arg5[%add3A_293] : memref<25600xi32, #tpu.memory_space<vmem>> -> memref<72xi32, #tpu.memory_space<vmem>>
      %dma_wait3A_309 = arith.constant 0 : i32
      %dma_wait3A_310 = arith.constant 0 : i32
      %dma_wait3A_311 = tpu.memref_slice %arg3[%dma_wait3A_309, %dma_wait3A_310] : memref<1000000x64xf32, #tpu.memory_space<hbm>> -> memref<1000000x64xf32, #tpu.memory_space<hbm>>
      tpu.wait_indirect_dma semaphore(%arg11 : memref<!tpu.dma_semaphore, #tpu.memory_space<semaphore_mem>>) src(%dma_wait3A_311 : memref<1000000x64xf32, #tpu.memory_space<hbm>>) dst(%dma_wait3A_307 : memref<72x64xf32, #tpu.memory_space<vmem>>)
      %scan3A_312 = arith.constant 0 : i32
      %scan3A_313 = arith.constant 25 : i32
      %scan3A_314 = arith.addi %scan3A_312, %scan3A_313 : i32
      %scan3A_315 = arith.constant 1 : i32
      %scan3A_316:4 = scf.for %scan3A_342 = %scan3A_312 to %scan3A_314 step %scan3A_315 iter_args(%scan3A_343 = %broadcast_in_dim3A_5, %scan3A_344 = %broadcast_in_dim3A_5, %scan3A_345 = %broadcast_in_dim3A_5, %scan3A_346 = %broadcast_in_dim3A_5) -> (vector<16xf32>, vector<16xf32>, vector<16xf32>, vector<16xf32>)  : i32 {
        %mul3A_347 = arith.constant 8 : i32
        %mul3A_348 = arith.muli %scan3A_342, %mul3A_347 : i32
        %add3A_349 = arith.constant 0 : i32
        %add3A_350 = arith.addi %add3A_349, %mul3A_348 : i32
        %add3A_351 = arith.constant 0 : i32
        %add3A_352 = arith.addi %add3A_350, %add3A_351 : i32
        %get3A = arith.constant 3 : i32
        %get3A_353 = arith.index_cast %get3A : i32 to index
        %get3A_354 = arith.index_cast %add3A_352 : i32 to index
        %get3A_355 = arith.constant 0 : index
        %get3A_356 = tpu.vector_load %arg6[%get3A_353, %get3A_354, %get3A_355] {strides = array<i32>} : memref<4x200x64xf32, #tpu.memory_space<vmem>>, vector<1x1x16xf32>,
        %get3A_357 = vector.shape_cast %get3A_356 : vector<1x1x16xf32> to vector<16xf32>
        %add3A_358 = arith.addf %scan3A_343, %get3A_357 : vector<16xf32>
        %add3A_359 = arith.constant 0 : i32
        %add3A_360 = arith.addi %add3A_350, %add3A_359 : i32
        %get3A_361 = arith.constant 3 : i32
        %get3A_362 = arith.index_cast %get3A_361 : i32 to index
        %get3A_363 = arith.index_cast %add3A_360 : i32 to index
        %get3A_364 = arith.constant 16 : index
        %get3A_365 = tpu.vector_load %arg6[%get3A_362, %get3A_363, %get3A_364] {strides = array<i32>} : memref<4x200x64xf32, #tpu.memory_space<vmem>>, vector<1x1x16xf32>,
        %get3A_366 = vector.shape_cast %get3A_365 : vector<1x1x16xf32> to vector<16xf32>
        %add3A_367 = arith.addf %scan3A_344, %get3A_366 : vector<16xf32>
        %add3A_368 = arith.constant 0 : i32
        %add3A_369 = arith.addi %add3A_350, %add3A_368 : i32
        %get3A_370 = arith.constant 3 : i32
        %get3A_371 = arith.index_cast %get3A_370 : i32 to index
        %get3A_372 = arith.index_cast %add3A_369 : i32 to index
        %get3A_373 = arith.constant 32 : index
        %get3A_374 = tpu.vector_load %arg6[%get3A_371, %get3A_372, %get3A_373] {strides = array<i32>} : memref<4x200x64xf32, #tpu.memory_space<vmem>>, vector<1x1x16xf32>,
        %get3A_375 = vector.shape_cast %get3A_374 : vector<1x1x16xf32> to vector<16xf32>
        %add3A_376 = arith.addf %scan3A_345, %get3A_375 : vector<16xf32>
        %add3A_377 = arith.constant 0 : i32
        %add3A_378 = arith.addi %add3A_350, %add3A_377 : i32
        %get3A_379 = arith.constant 3 : i32
        %get3A_380 = arith.index_cast %get3A_379 : i32 to index
        %get3A_381 = arith.index_cast %add3A_378 : i32 to index
        %get3A_382 = arith.constant 48 : index
        %get3A_383 = tpu.vector_load %arg6[%get3A_380, %get3A_381, %get3A_382] {strides = array<i32>} : memref<4x200x64xf32, #tpu.memory_space<vmem>>, vector<1x1x16xf32>,
        %get3A_384 = vector.shape_cast %get3A_383 : vector<1x1x16xf32> to vector<16xf32>
        %add3A_385 = arith.addf %scan3A_346, %get3A_384 : vector<16xf32>
        %add3A_386 = arith.constant 1 : i32
        %add3A_387 = arith.addi %add3A_350, %add3A_386 : i32
        %get3A_388 = arith.constant 3 : i32
        %get3A_389 = arith.index_cast %get3A_388 : i32 to index
        %get3A_390 = arith.index_cast %add3A_387 : i32 to index
        %get3A_391 = arith.constant 0 : index
        %get3A_392 = tpu.vector_load %arg6[%get3A_389, %get3A_390, %get3A_391] {strides = array<i32>} : memref<4x200x64xf32, #tpu.memory_space<vmem>>, vector<1x1x16xf32>,
        %get3A_393 = vector.shape_cast %get3A_392 : vector<1x1x16xf32> to vector<16xf32>
        %add3A_394 = arith.addf %add3A_358, %get3A_393 : vector<16xf32>
        %add3A_395 = arith.constant 1 : i32
        %add3A_396 = arith.addi %add3A_350, %add3A_395 : i32
        %get3A_397 = arith.constant 3 : i32
        %get3A_398 = arith.index_cast %get3A_397 : i32 to index
        %get3A_399 = arith.index_cast %add3A_396 : i32 to index
        %get3A_400 = arith.constant 16 : index
        %get3A_401 = tpu.vector_load %arg6[%get3A_398, %get3A_399, %get3A_400] {strides = array<i32>} : memref<4x200x64xf32, #tpu.memory_space<vmem>>, vector<1x1x16xf32>,
        %get3A_402 = vector.shape_cast %get3A_401 : vector<1x1x16xf32> to vector<16xf32>
        %add3A_403 = arith.addf %add3A_367, %get3A_402 : vector<16xf32>
        %add3A_404 = arith.constant 1 : i32
        %add3A_405 = arith.addi %add3A_350, %add3A_404 : i32
        %get3A_406 = arith.constant 3 : i32
        %get3A_407 = arith.index_cast %get3A_406 : i32 to index
        %get3A_408 = arith.index_cast %add3A_405 : i32 to index
        %get3A_409 = arith.constant 32 : index
        %get3A_410 = tpu.vector_load %arg6[%get3A_407, %get3A_408, %get3A_409] {strides = array<i32>} : memref<4x200x64xf32, #tpu.memory_space<vmem>>, vector<1x1x16xf32>,
        %get3A_411 = vector.shape_cast %get3A_410 : vector<1x1x16xf32> to vector<16xf32>
        %add3A_412 = arith.addf %add3A_376, %get3A_411 : vector<16xf32>
        %add3A_413 = arith.constant 1 : i32
        %add3A_414 = arith.addi %add3A_350, %add3A_413 : i32
        %get3A_415 = arith.constant 3 : i32
        %get3A_416 = arith.index_cast %get3A_415 : i32 to index
        %get3A_417 = arith.index_cast %add3A_414 : i32 to index
        %get3A_418 = arith.constant 48 : index
        %get3A_419 = tpu.vector_load %arg6[%get3A_416, %get3A_417, %get3A_418] {strides = array<i32>} : memref<4x200x64xf32, #tpu.memory_space<vmem>>, vector<1x1x16xf32>,
        %get3A_420 = vector.shape_cast %get3A_419 : vector<1x1x16xf32> to vector<16xf32>
        %add3A_421 = arith.addf %add3A_385, %get3A_420 : vector<16xf32>
        %add3A_422 = arith.constant 2 : i32
        %add3A_423 = arith.addi %add3A_350, %add3A_422 : i32
        %get3A_424 = arith.constant 3 : i32
        %get3A_425 = arith.index_cast %get3A_424 : i32 to index
        %get3A_426 = arith.index_cast %add3A_423 : i32 to index
        %get3A_427 = arith.constant 0 : index
        %get3A_428 = tpu.vector_load %arg6[%get3A_425, %get3A_426, %get3A_427] {strides = array<i32>} : memref<4x200x64xf32, #tpu.memory_space<vmem>>, vector<1x1x16xf32>,
        %get3A_429 = vector.shape_cast %get3A_428 : vector<1x1x16xf32> to vector<16xf32>
        %add3A_430 = arith.addf %add3A_394, %get3A_429 : vector<16xf32>
        %add3A_431 = arith.constant 2 : i32
        %add3A_432 = arith.addi %add3A_350, %add3A_431 : i32
        %get3A_433 = arith.constant 3 : i32
        %get3A_434 = arith.index_cast %get3A_433 : i32 to index
        %get3A_435 = arith.index_cast %add3A_432 : i32 to index
        %get3A_436 = arith.constant 16 : index
        %get3A_437 = tpu.vector_load %arg6[%get3A_434, %get3A_435, %get3A_436] {strides = array<i32>} : memref<4x200x64xf32, #tpu.memory_space<vmem>>, vector<1x1x16xf32>,
        %get3A_438 = vector.shape_cast %get3A_437 : vector<1x1x16xf32> to vector<16xf32>
        %add3A_439 = arith.addf %add3A_403, %get3A_438 : vector<16xf32>
        %add3A_440 = arith.constant 2 : i32
        %add3A_441 = arith.addi %add3A_350, %add3A_440 : i32
        %get3A_442 = arith.constant 3 : i32
        %get3A_443 = arith.index_cast %get3A_442 : i32 to index
        %get3A_444 = arith.index_cast %add3A_441 : i32 to index
        %get3A_445 = arith.constant 32 : index
        %get3A_446 = tpu.vector_load %arg6[%get3A_443, %get3A_444, %get3A_445] {strides = array<i32>} : memref<4x200x64xf32, #tpu.memory_space<vmem>>, vector<1x1x16xf32>,
        %get3A_447 = vector.shape_cast %get3A_446 : vector<1x1x16xf32> to vector<16xf32>
        %add3A_448 = arith.addf %add3A_412, %get3A_447 : vector<16xf32>
        %add3A_449 = arith.constant 2 : i32
        %add3A_450 = arith.addi %add3A_350, %add3A_449 : i32
        %get3A_451 = arith.constant 3 : i32
        %get3A_452 = arith.index_cast %get3A_451 : i32 to index
        %get3A_453 = arith.index_cast %add3A_450 : i32 to index
        %get3A_454 = arith.constant 48 : index
        %get3A_455 = tpu.vector_load %arg6[%get3A_452, %get3A_453, %get3A_454] {strides = array<i32>} : memref<4x200x64xf32, #tpu.memory_space<vmem>>, vector<1x1x16xf32>,
        %get3A_456 = vector.shape_cast %get3A_455 : vector<1x1x16xf32> to vector<16xf32>
        %add3A_457 = arith.addf %add3A_421, %get3A_456 : vector<16xf32>
        %add3A_458 = arith.constant 3 : i32
        %add3A_459 = arith.addi %add3A_350, %add3A_458 : i32
        %get3A_460 = arith.constant 3 : i32
        %get3A_461 = arith.index_cast %get3A_460 : i32 to index
        %get3A_462 = arith.index_cast %add3A_459 : i32 to index
        %get3A_463 = arith.constant 0 : index
        %get3A_464 = tpu.vector_load %arg6[%get3A_461, %get3A_462, %get3A_463] {strides = array<i32>} : memref<4x200x64xf32, #tpu.memory_space<vmem>>, vector<1x1x16xf32>,
        %get3A_465 = vector.shape_cast %get3A_464 : vector<1x1x16xf32> to vector<16xf32>
        %add3A_466 = arith.addf %add3A_430, %get3A_465 : vector<16xf32>
        %add3A_467 = arith.constant 3 : i32
        %add3A_468 = arith.addi %add3A_350, %add3A_467 : i32
        %get3A_469 = arith.constant 3 : i32
        %get3A_470 = arith.index_cast %get3A_469 : i32 to index
        %get3A_471 = arith.index_cast %add3A_468 : i32 to index
        %get3A_472 = arith.constant 16 : index
        %get3A_473 = tpu.vector_load %arg6[%get3A_470, %get3A_471, %get3A_472] {strides = array<i32>} : memref<4x200x64xf32, #tpu.memory_space<vmem>>, vector<1x1x16xf32>,
        %get3A_474 = vector.shape_cast %get3A_473 : vector<1x1x16xf32> to vector<16xf32>
        %add3A_475 = arith.addf %add3A_439, %get3A_474 : vector<16xf32>
        %add3A_476 = arith.constant 3 : i32
        %add3A_477 = arith.addi %add3A_350, %add3A_476 : i32
        %get3A_478 = arith.constant 3 : i32
        %get3A_479 = arith.index_cast %get3A_478 : i32 to index
        %get3A_480 = arith.index_cast %add3A_477 : i32 to index
        %get3A_481 = arith.constant 32 : index
        %get3A_482 = tpu.vector_load %arg6[%get3A_479, %get3A_480, %get3A_481] {strides = array<i32>} : memref<4x200x64xf32, #tpu.memory_space<vmem>>, vector<1x1x16xf32>,
        %get3A_483 = vector.shape_cast %get3A_482 : vector<1x1x16xf32> to vector<16xf32>
        %add3A_484 = arith.addf %add3A_448, %get3A_483 : vector<16xf32>
        %add3A_485 = arith.constant 3 : i32
        %add3A_486 = arith.addi %add3A_350, %add3A_485 : i32
        %get3A_487 = arith.constant 3 : i32
        %get3A_488 = arith.index_cast %get3A_487 : i32 to index
        %get3A_489 = arith.index_cast %add3A_486 : i32 to index
        %get3A_490 = arith.constant 48 : index
        %get3A_491 = tpu.vector_load %arg6[%get3A_488, %get3A_489, %get3A_490] {strides = array<i32>} : memref<4x200x64xf32, #tpu.memory_space<vmem>>, vector<1x1x16xf32>,
        %get3A_492 = vector.shape_cast %get3A_491 : vector<1x1x16xf32> to vector<16xf32>
        %add3A_493 = arith.addf %add3A_457, %get3A_492 : vector<16xf32>
        %add3A_494 = arith.constant 4 : i32
        %add3A_495 = arith.addi %add3A_350, %add3A_494 : i32
        %get3A_496 = arith.constant 3 : i32
        %get3A_497 = arith.index_cast %get3A_496 : i32 to index
        %get3A_498 = arith.index_cast %add3A_495 : i32 to index
        %get3A_499 = arith.constant 0 : index
        %get3A_500 = tpu.vector_load %arg6[%get3A_497, %get3A_498, %get3A_499] {strides = array<i32>} : memref<4x200x64xf32, #tpu.memory_space<vmem>>, vector<1x1x16xf32>,
        %get3A_501 = vector.shape_cast %get3A_500 : vector<1x1x16xf32> to vector<16xf32>
        %add3A_502 = arith.addf %add3A_466, %get3A_501 : vector<16xf32>
        %add3A_503 = arith.constant 4 : i32
        %add3A_504 = arith.addi %add3A_350, %add3A_503 : i32
        %get3A_505 = arith.constant 3 : i32
        %get3A_506 = arith.index_cast %get3A_505 : i32 to index
        %get3A_507 = arith.index_cast %add3A_504 : i32 to index
        %get3A_508 = arith.constant 16 : index
        %get3A_509 = tpu.vector_load %arg6[%get3A_506, %get3A_507, %get3A_508] {strides = array<i32>} : memref<4x200x64xf32, #tpu.memory_space<vmem>>, vector<1x1x16xf32>,
        %get3A_510 = vector.shape_cast %get3A_509 : vector<1x1x16xf32> to vector<16xf32>
        %add3A_511 = arith.addf %add3A_475, %get3A_510 : vector<16xf32>
        %add3A_512 = arith.constant 4 : i32
        %add3A_513 = arith.addi %add3A_350, %add3A_512 : i32
        %get3A_514 = arith.constant 3 : i32
        %get3A_515 = arith.index_cast %get3A_514 : i32 to index
        %get3A_516 = arith.index_cast %add3A_513 : i32 to index
        %get3A_517 = arith.constant 32 : index
        %get3A_518 = tpu.vector_load %arg6[%get3A_515, %get3A_516, %get3A_517] {strides = array<i32>} : memref<4x200x64xf32, #tpu.memory_space<vmem>>, vector<1x1x16xf32>,
        %get3A_519 = vector.shape_cast %get3A_518 : vector<1x1x16xf32> to vector<16xf32>
        %add3A_520 = arith.addf %add3A_484, %get3A_519 : vector<16xf32>
        %add3A_521 = arith.constant 4 : i32
        %add3A_522 = arith.addi %add3A_350, %add3A_521 : i32
        %get3A_523 = arith.constant 3 : i32
        %get3A_524 = arith.index_cast %get3A_523 : i32 to index
        %get3A_525 = arith.index_cast %add3A_522 : i32 to index
        %get3A_526 = arith.constant 48 : index
        %get3A_527 = tpu.vector_load %arg6[%get3A_524, %get3A_525, %get3A_526] {strides = array<i32>} : memref<4x200x64xf32, #tpu.memory_space<vmem>>, vector<1x1x16xf32>,
        %get3A_528 = vector.shape_cast %get3A_527 : vector<1x1x16xf32> to vector<16xf32>
        %add3A_529 = arith.addf %add3A_493, %get3A_528 : vector<16xf32>
        %add3A_530 = arith.constant 5 : i32
        %add3A_531 = arith.addi %add3A_350, %add3A_530 : i32
        %get3A_532 = arith.constant 3 : i32
        %get3A_533 = arith.index_cast %get3A_532 : i32 to index
        %get3A_534 = arith.index_cast %add3A_531 : i32 to index
        %get3A_535 = arith.constant 0 : index
        %get3A_536 = tpu.vector_load %arg6[%get3A_533, %get3A_534, %get3A_535] {strides = array<i32>} : memref<4x200x64xf32, #tpu.memory_space<vmem>>, vector<1x1x16xf32>,
        %get3A_537 = vector.shape_cast %get3A_536 : vector<1x1x16xf32> to vector<16xf32>
        %add3A_538 = arith.addf %add3A_502, %get3A_537 : vector<16xf32>
        %add3A_539 = arith.constant 5 : i32
        %add3A_540 = arith.addi %add3A_350, %add3A_539 : i32
        %get3A_541 = arith.constant 3 : i32
        %get3A_542 = arith.index_cast %get3A_541 : i32 to index
        %get3A_543 = arith.index_cast %add3A_540 : i32 to index
        %get3A_544 = arith.constant 16 : index
        %get3A_545 = tpu.vector_load %arg6[%get3A_542, %get3A_543, %get3A_544] {strides = array<i32>} : memref<4x200x64xf32, #tpu.memory_space<vmem>>, vector<1x1x16xf32>,
        %get3A_546 = vector.shape_cast %get3A_545 : vector<1x1x16xf32> to vector<16xf32>
        %add3A_547 = arith.addf %add3A_511, %get3A_546 : vector<16xf32>
        %add3A_548 = arith.constant 5 : i32
        %add3A_549 = arith.addi %add3A_350, %add3A_548 : i32
        %get3A_550 = arith.constant 3 : i32
        %get3A_551 = arith.index_cast %get3A_550 : i32 to index
        %get3A_552 = arith.index_cast %add3A_549 : i32 to index
        %get3A_553 = arith.constant 32 : index
        %get3A_554 = tpu.vector_load %arg6[%get3A_551, %get3A_552, %get3A_553] {strides = array<i32>} : memref<4x200x64xf32, #tpu.memory_space<vmem>>, vector<1x1x16xf32>,
        %get3A_555 = vector.shape_cast %get3A_554 : vector<1x1x16xf32> to vector<16xf32>
        %add3A_556 = arith.addf %add3A_520, %get3A_555 : vector<16xf32>
        %add3A_557 = arith.constant 5 : i32
        %add3A_558 = arith.addi %add3A_350, %add3A_557 : i32
        %get3A_559 = arith.constant 3 : i32
        %get3A_560 = arith.index_cast %get3A_559 : i32 to index
        %get3A_561 = arith.index_cast %add3A_558 : i32 to index
        %get3A_562 = arith.constant 48 : index
        %get3A_563 = tpu.vector_load %arg6[%get3A_560, %get3A_561, %get3A_562] {strides = array<i32>} : memref<4x200x64xf32, #tpu.memory_space<vmem>>, vector<1x1x16xf32>,
        %get3A_564 = vector.shape_cast %get3A_563 : vector<1x1x16xf32> to vector<16xf32>
        %add3A_565 = arith.addf %add3A_529, %get3A_564 : vector<16xf32>
        %add3A_566 = arith.constant 6 : i32
        %add3A_567 = arith.addi %add3A_350, %add3A_566 : i32
        %get3A_568 = arith.constant 3 : i32
        %get3A_569 = arith.index_cast %get3A_568 : i32 to index
        %get3A_570 = arith.index_cast %add3A_567 : i32 to index
        %get3A_571 = arith.constant 0 : index
        %get3A_572 = tpu.vector_load %arg6[%get3A_569, %get3A_570, %get3A_571] {strides = array<i32>} : memref<4x200x64xf32, #tpu.memory_space<vmem>>, vector<1x1x16xf32>,
        %get3A_573 = vector.shape_cast %get3A_572 : vector<1x1x16xf32> to vector<16xf32>
        %add3A_574 = arith.addf %add3A_538, %get3A_573 : vector<16xf32>
        %add3A_575 = arith.constant 6 : i32
        %add3A_576 = arith.addi %add3A_350, %add3A_575 : i32
        %get3A_577 = arith.constant 3 : i32
        %get3A_578 = arith.index_cast %get3A_577 : i32 to index
        %get3A_579 = arith.index_cast %add3A_576 : i32 to index
        %get3A_580 = arith.constant 16 : index
        %get3A_581 = tpu.vector_load %arg6[%get3A_578, %get3A_579, %get3A_580] {strides = array<i32>} : memref<4x200x64xf32, #tpu.memory_space<vmem>>, vector<1x1x16xf32>,
        %get3A_582 = vector.shape_cast %get3A_581 : vector<1x1x16xf32> to vector<16xf32>
        %add3A_583 = arith.addf %add3A_547, %get3A_582 : vector<16xf32>
        %add3A_584 = arith.constant 6 : i32
        %add3A_585 = arith.addi %add3A_350, %add3A_584 : i32
        %get3A_586 = arith.constant 3 : i32
        %get3A_587 = arith.index_cast %get3A_586 : i32 to index
        %get3A_588 = arith.index_cast %add3A_585 : i32 to index
        %get3A_589 = arith.constant 32 : index
        %get3A_590 = tpu.vector_load %arg6[%get3A_587, %get3A_588, %get3A_589] {strides = array<i32>} : memref<4x200x64xf32, #tpu.memory_space<vmem>>, vector<1x1x16xf32>,
        %get3A_591 = vector.shape_cast %get3A_590 : vector<1x1x16xf32> to vector<16xf32>
        %add3A_592 = arith.addf %add3A_556, %get3A_591 : vector<16xf32>
        %add3A_593 = arith.constant 6 : i32
        %add3A_594 = arith.addi %add3A_350, %add3A_593 : i32
        %get3A_595 = arith.constant 3 : i32
        %get3A_596 = arith.index_cast %get3A_595 : i32 to index
        %get3A_597 = arith.index_cast %add3A_594 : i32 to index
        %get3A_598 = arith.constant 48 : index
        %get3A_599 = tpu.vector_load %arg6[%get3A_596, %get3A_597, %get3A_598] {strides = array<i32>} : memref<4x200x64xf32, #tpu.memory_space<vmem>>, vector<1x1x16xf32>,
        %get3A_600 = vector.shape_cast %get3A_599 : vector<1x1x16xf32> to vector<16xf32>
        %add3A_601 = arith.addf %add3A_565, %get3A_600 : vector<16xf32>
        %add3A_602 = arith.constant 7 : i32
        %add3A_603 = arith.addi %add3A_350, %add3A_602 : i32
        %get3A_604 = arith.constant 3 : i32
        %get3A_605 = arith.index_cast %get3A_604 : i32 to index
        %get3A_606 = arith.index_cast %add3A_603 : i32 to index
        %get3A_607 = arith.constant 0 : index
        %get3A_608 = tpu.vector_load %arg6[%get3A_605, %get3A_606, %get3A_607] {strides = array<i32>} : memref<4x200x64xf32, #tpu.memory_space<vmem>>, vector<1x1x16xf32>,
        %get3A_609 = vector.shape_cast %get3A_608 : vector<1x1x16xf32> to vector<16xf32>
        %add3A_610 = arith.addf %add3A_574, %get3A_609 : vector<16xf32>
        %add3A_611 = arith.constant 7 : i32
        %add3A_612 = arith.addi %add3A_350, %add3A_611 : i32
        %get3A_613 = arith.constant 3 : i32
        %get3A_614 = arith.index_cast %get3A_613 : i32 to index
        %get3A_615 = arith.index_cast %add3A_612 : i32 to index
        %get3A_616 = arith.constant 16 : index
        %get3A_617 = tpu.vector_load %arg6[%get3A_614, %get3A_615, %get3A_616] {strides = array<i32>} : memref<4x200x64xf32, #tpu.memory_space<vmem>>, vector<1x1x16xf32>,
        %get3A_618 = vector.shape_cast %get3A_617 : vector<1x1x16xf32> to vector<16xf32>
        %add3A_619 = arith.addf %add3A_583, %get3A_618 : vector<16xf32>
        %add3A_620 = arith.constant 7 : i32
        %add3A_621 = arith.addi %add3A_350, %add3A_620 : i32
        %get3A_622 = arith.constant 3 : i32
        %get3A_623 = arith.index_cast %get3A_622 : i32 to index
        %get3A_624 = arith.index_cast %add3A_621 : i32 to index
        %get3A_625 = arith.constant 32 : index
        %get3A_626 = tpu.vector_load %arg6[%get3A_623, %get3A_624, %get3A_625] {strides = array<i32>} : memref<4x200x64xf32, #tpu.memory_space<vmem>>, vector<1x1x16xf32>,
        %get3A_627 = vector.shape_cast %get3A_626 : vector<1x1x16xf32> to vector<16xf32>
        %add3A_628 = arith.addf %add3A_592, %get3A_627 : vector<16xf32>
        %add3A_629 = arith.constant 7 : i32
        %add3A_630 = arith.addi %add3A_350, %add3A_629 : i32
        %get3A_631 = arith.constant 3 : i32
        %get3A_632 = arith.index_cast %get3A_631 : i32 to index
        %get3A_633 = arith.index_cast %add3A_630 : i32 to index
        %get3A_634 = arith.constant 48 : index
        %get3A_635 = tpu.vector_load %arg6[%get3A_632, %get3A_633, %get3A_634] {strides = array<i32>} : memref<4x200x64xf32, #tpu.memory_space<vmem>>, vector<1x1x16xf32>,
        %get3A_636 = vector.shape_cast %get3A_635 : vector<1x1x16xf32> to vector<16xf32>
        %add3A_637 = arith.addf %add3A_601, %get3A_636 : vector<16xf32>
        scf.yield %add3A_610, %add3A_619, %add3A_628, %add3A_637 : vector<16xf32>, vector<16xf32>, vector<16xf32>, vector<16xf32>
      }
      %scan3A_317 = arith.constant 25 : i32
      %mul3A_318 = arith.constant 1 : i32
      %mul3A_319 = arith.muli %add3A_277, %mul3A_318 : i32
      %add3A_320 = arith.constant 0 : i32
      %add3A_321 = arith.addi %mul3A_319, %add3A_320 : i32
      %swap3A_322 = arith.index_cast %add3A_321 : i32 to index
      %swap3A_323 = arith.constant 0 : index
      %swap3A_324 = tpu.vector_load %arg7[%swap3A_322, %swap3A_323] {strides = array<i32>} : memref<128x64xf32, #tpu.memory_space<vmem>>, vector<1x16xf32>,
      %swap3A_325 = vector.shape_cast %swap3A_324 : vector<1x16xf32> to vector<16xf32>
      %swap3A_326 = vector.shape_cast %scan3A_316#0 : vector<16xf32> to vector<1x16xf32>
      tpu.vector_store %arg7[%swap3A_322, %swap3A_323], %swap3A_326 {strides = array<i32>} : memref<128x64xf32, #tpu.memory_space<vmem>>, vector<1x16xf32>,
      %swap3A_327 = arith.index_cast %add3A_321 : i32 to index
      %swap3A_328 = arith.constant 16 : index
      %swap3A_329 = tpu.vector_load %arg7[%swap3A_327, %swap3A_328] {strides = array<i32>} : memref<128x64xf32, #tpu.memory_space<vmem>>, vector<1x16xf32>,
      %swap3A_330 = vector.shape_cast %swap3A_329 : vector<1x16xf32> to vector<16xf32>
      %swap3A_331 = vector.shape_cast %scan3A_316#1 : vector<16xf32> to vector<1x16xf32>
      tpu.vector_store %arg7[%swap3A_327, %swap3A_328], %swap3A_331 {strides = array<i32>} : memref<128x64xf32, #tpu.memory_space<vmem>>, vector<1x16xf32>,
      %swap3A_332 = arith.index_cast %add3A_321 : i32 to index
      %swap3A_333 = arith.constant 32 : index
      %swap3A_334 = tpu.vector_load %arg7[%swap3A_332, %swap3A_333] {strides = array<i32>} : memref<128x64xf32, #tpu.memory_space<vmem>>, vector<1x16xf32>,
      %swap3A_335 = vector.shape_cast %swap3A_334 : vector<1x16xf32> to vector<16xf32>
      %swap3A_336 = vector.shape_cast %scan3A_316#2 : vector<16xf32> to vector<1x16xf32>
      tpu.vector_store %arg7[%swap3A_332, %swap3A_333], %swap3A_336 {strides = array<i32>} : memref<128x64xf32, #tpu.memory_space<vmem>>, vector<1x16xf32>,
      %swap3A_337 = arith.index_cast %add3A_321 : i32 to index
      %swap3A_338 = arith.constant 48 : index
      %swap3A_339 = tpu.vector_load %arg7[%swap3A_337, %swap3A_338] {strides = array<i32>} : memref<128x64xf32, #tpu.memory_space<vmem>>, vector<1x16xf32>,
      %swap3A_340 = vector.shape_cast %swap3A_339 : vector<1x16xf32> to vector<16xf32>
      %swap3A_341 = vector.shape_cast %scan3A_316#3 : vector<16xf32> to vector<1x16xf32>
      tpu.vector_store %arg7[%swap3A_337, %swap3A_338], %swap3A_341 {strides = array<i32>} : memref<128x64xf32, #tpu.memory_space<vmem>>, vector<1x16xf32>,
    }
    %scan3A_80 = arith.constant 32 : i32
    "tpu.region"() ({
      %run_scoped3A = tpu.sem_alloc : memref<!tpu.dma_semaphore, #tpu.memory_space<semaphore_mem>>
      %dma_start3A_81 = arith.constant 0 : i32
      %dma_start3A_82 = tpu.memref_slice %arg4[%mul3A_2, %dma_start3A_81] : memref<4096x64xf32, #tpu.memory_space<hbm>> -> memref<128x64xf32, #tpu.memory_space<hbm>>
      %dma_start3A_83 = arith.constant 0 : i32
      %dma_start3A_84 = tpu.memref_slice %arg4[%mul3A_2, %dma_start3A_83] : memref<4096x64xf32, #tpu.memory_space<hbm>> -> memref<128x64xf32, #tpu.memory_space<hbm>>
      tpu.enqueue_dma source(%arg7 : memref<128x64xf32, #tpu.memory_space<vmem>>) target(%dma_start3A_84 : memref<128x64xf32, #tpu.memory_space<hbm>>) target_semaphore(%run_scoped3A : memref<!tpu.dma_semaphore, #tpu.memory_space<semaphore_mem>>)
      %dma_wait3A = arith.constant 0 : i32
      %dma_wait3A_85 = tpu.memref_slice %arg4[%mul3A_2, %dma_wait3A] : memref<4096x64xf32, #tpu.memory_space<hbm>> -> memref<128x64xf32, #tpu.memory_space<hbm>>
      %dma_wait3A_86 = arith.constant 0 : i32
      %dma_wait3A_87 = tpu.memref_slice %arg4[%mul3A_2, %dma_wait3A_86] : memref<4096x64xf32, #tpu.memory_space<hbm>> -> memref<128x64xf32, #tpu.memory_space<hbm>>
      tpu.wait_dma2 semaphore(%run_scoped3A : memref<!tpu.dma_semaphore, #tpu.memory_space<semaphore_mem>>) src(%arg7 : memref<128x64xf32, #tpu.memory_space<vmem>>) dst(%dma_wait3A_87 : memref<128x64xf32, #tpu.memory_space<hbm>>)
      tpu.yield
    }) : () -> ()
    return
  }
}

module attributes {stable_mosaic.version = 14 : i64} {
  func.func @body(%arg0: i32, %arg1: memref<512x64xf32, #tpu.memory_space<vmem>>, %arg2: memref<64x128xf32, #tpu.memory_space<vmem>>, %arg3: memref<1x128xf32, #tpu.memory_space<vmem>>, %arg4: memref<512x128xf32, #tpu.memory_space<vmem>>) attributes {dimension_semantics = [#tpu.dimension_semantics<arbitrary>], iteration_bounds = array<i64: 8>, scalar_prefetch = 0 : i64, scratch_operands = 0 : i64, tpu.core_type = #tpu.core_type<tc>, window_params = [{transform_indices = @transform_0, window_bounds = array<i64: 512, 64>}, {pipeline_mode = #tpu.pipeline_mode<synchronous>, transform_indices = @transform_1, window_bounds = array<i64: 64, 128>}, {pipeline_mode = #tpu.pipeline_mode<synchronous>, transform_indices = @transform_2, window_bounds = array<i64: 1, 128>}, {transform_indices = @transform_3, window_bounds = array<i64: 512, 128>}]} {
    %get3A = arith.constant 0 : index
    %get3A_0 = arith.constant 0 : index
    %get3A_1 = vector.load %arg1[%get3A, %get3A_0] : memref<512x64xf32, #tpu.memory_space<vmem>>, vector<512x64xf32>
    %mul3A = arith.constant 5.000000e-03 : f32
    %mul3A_2 = vector.broadcast %mul3A : f32 to vector<512x64xf32>
    %mul3A_3 = arith.mulf %get3A_1, %mul3A_2 : vector<512x64xf32>
    %get3A_4 = arith.constant 0 : index
    %get3A_5 = arith.constant 0 : index
    %get3A_6 = vector.load %arg2[%get3A_4, %get3A_5] : memref<64x128xf32, #tpu.memory_space<vmem>>, vector<64x128xf32>
    %dot_general3A = arith.constant dense<0.000000e+00> : vector<512x128xf32>
    %dot_general3A_7 = tpu.matmul %mul3A_3, %get3A_6, %dot_general3A {dimension_numbers = #tpu.dot_dimension_numbers<[1], [0], [0], [1], [0, 0, 1, 1], [], []>, transpose_lhs_hint = false} : vector<512x64xf32>, vector<64x128xf32>, vector<512x128xf32> -> vector<512x128xf32>
    %get3A_8 = arith.constant 0 : index
    %get3A_9 = arith.constant 0 : index
    %get3A_10 = vector.load %arg3[%get3A_8, %get3A_9] : memref<1x128xf32, #tpu.memory_space<vmem>>, vector<1x128xf32>
    %add3A = vector.broadcast %get3A_10 : vector<1x128xf32> to vector<512x128xf32>
    %add3A_11 = arith.addf %dot_general3A_7, %add3A : vector<512x128xf32>
    %swap3A = arith.constant 0 : index
    %swap3A_12 = arith.constant 0 : index
    %swap3A_13 = vector.load %arg4[%swap3A, %swap3A_12] : memref<512x128xf32, #tpu.memory_space<vmem>>, vector<512x128xf32>
    tpu.vector_store %arg4[%swap3A, %swap3A_12], %add3A_11 {strides = array<i32>} : memref<512x128xf32, #tpu.memory_space<vmem>>, vector<512x128xf32>,
    return
  }
  func.func @transform_0(%arg0: i32) -> (i32, i32) {
    %c0_i32 = arith.constant 0 : i32
    %c0_i32_0 = arith.constant 0 : i32
    return %arg0, %c0_i32 : i32, i32
  }
  func.func @transform_1(%arg0: i32) -> (i32, i32) {
    %c0_i32 = arith.constant 0 : i32
    %c0_i32_0 = arith.constant 0 : i32
    %c0_i32_1 = arith.constant 0 : i32
    return %c0_i32, %c0_i32_0 : i32, i32
  }
  func.func @transform_2(%arg0: i32) -> (i32, i32) {
    %c0_i32 = arith.constant 0 : i32
    %c0_i32_0 = arith.constant 0 : i32
    %c0_i32_1 = arith.constant 0 : i32
    return %c0_i32, %c0_i32_0 : i32, i32
  }
  func.func @transform_3(%arg0: i32) -> (i32, i32) {
    %c0_i32 = arith.constant 0 : i32
    %c0_i32_0 = arith.constant 0 : i32
    return %arg0, %c0_i32 : i32, i32
  }
}

</mosaic_0001>

<sc_bundles>
// kernel: kernel.5.cloned.1.call-start
scs
__scs_entry_jumppad:
0x0: {  	(pc) =	sbr.rel $0x88, $3  }
0x1: {  	(tag) =	ssettag $0x0;
	lr =	simm.s32 $0x1  }
0x2: {  	[smem:$0x3F9D] =	sst lr;
	_ =	strace $0xD0000000  }
0x3: {  	_ = 	snop  }
0x4: {  	_ = 	snop  }
0x5: {  	_ = 	snop  }
0x6: {  	_ = 	snop  }
0x7: {  	_ = 	snop  }
__scs_overlays_trampoline_lowered:
0x8: {  	[smem:$0x3FAC] =	sst s0  }
0x9: {  	[smem:$0x3FAD] =	sst s1  }
0xa: {  	[smem:$0x3FAE] =	sst s2  }
0xb: {  	[smem:$0x3FAF] =	sst s3  }
0xc: {  	[smem:$0x3FB0] =	sst s4  }
0xd: {  	[smem:$0x3FB1] =	sst s5  }
0xe: {  	[smem:$0x3FB2] =	sst s6  }
0xf: {  	[smem:$0x3FB3] =	sst s7  }
0x10: {  	[smem:$0x3FB4] =	sst s8  }
0x11: {  	[smem:$0x3FB5] =	sst s9;
	s0 =	simm.s32 @!p0 $0x0  }
0x12: {  	s1 =	sld [smem:$0x3F9B];
	s0 =	simm.s32 @p0 $0x1  }
0x13: {  	[smem:$0x3FB6] =	sst s0;
	s0 =	simm.s32 @!p1 $0x0  }
0x14: {  	s2 =	sld [smem:$0x3F9A];
	s0 =	simm.s32 @p1 $0x1  }
0x15: {  	[smem:$0x3FB7] =	sst s0;
	s0 =	simm.s32 @!p2 $0x0  }
0x16: {  	s3 =	sld [smem:$0x3FDB];
	s0 =	simm.s32 @p2 $0x1  }
0x17: {  	s4 =	simm.s32 $0x1BF5;
	[smem:$0x3FB9] =	sst s0  }
0x18: {  	s0 =	sld [smem:$0x3F9C];
	_ =	swait.ge [sflag:s4], $0x0  }
0x19: {  	s7 =	sld [smem:$0x3F9D]  }
0x1a: {  	s8 =	sadd.s32 $0xFFFFE003, lr  }
0x1b: {  	s9 =	sadd.s32 $0xFFFFFEF7, lr;
	s5 =	simm.s32 $0xFFFFFFFF;
	p2 =	slt.u32 s8, $0xFFFFF086  }
0x1c: {  	p1 =	slt.u32 s9, $0xF7A;
	s5 =	simm.s32 @!p2 $0x0  }
0x1d: {  	s5 =	simm.s32 @p1 $0x1;
	p0 =	seq.s32 s7, s2  }
0x1e: {  	s7 =	smul.u32 @!p0 $0xF7A, s2;
	p2 =	seq.s32 @!p0 s5, $0x0  }
0x1f: {  	s9 =	smul.u32 $0xF7A, s1;
	s8 =	simm.s32 @!p0 $0x1BF5;
	p2 =	por !p2, p0  }
0x20: {  	[sflag:s8] =	ssyncset.s32 @!p0 $0xFFFFF086;
	s6 =	sadd.s32 @!p0 s3, s7;
	s7 =	simm.s32 @!p0 $0x108  }
0x21: {  	s3 =	sadd.s32 s3, s9;
	s6 =	sadd.s32 @!p0 $0x88, s6;
	s7 =	simm.s32 @p2 $0x1082  }
0x22: {  	[simem:s7], [sflag:s8] =	dma.local @!p0 [hbm:s6], $0xF7A  }
0x23: {  	s9 =	sor.u32 $0xD0000000, s2;
	s6 =	simm.s32 $0x108;
	_ =	swait.ge @!p0 [sflag:s8], $0x0  }
0x24: {  	s3 =	sadd.s32 $0x88, s3;
	s6 =	simm.s32 @!p1 $0x1082;
	[sflag:s4] =	ssyncset.s32 $0xFFFFF086  }
0x25: {  	[simem:s6], [sflag:s4] =	dma.local [hbm:s3], $0xF7A  }
0x26: {  	[smem:$0x3F9D] =	sst s1;
	(tag) =	ssettag s2;
	_ =	strace s9  }
0x27: {  	s1 =	sld [smem:$0x3FAD]  }
0x28: {  	s2 =	sld [smem:$0x3FAE]  }
0x29: {  	s4 =	sld [smem:$0x3FB0]  }
0x2a: {  	p0 =	seq.s32 s5, $0x0;
	s5 =	sld [smem:$0x3FB1]  }
0x2b: {  	s6 =	sld [smem:$0x3FB2]  }
0x2c: {  	s7 =	sld [smem:$0x3FB3]  }
0x2d: {  	s3 =	simm.s32 $0x108;
	s8 =	sld [smem:$0x3FB4]  }
0x2e: {  	s3 =	simm.s32 @!p0 $0x1082;
	s9 =	sld [smem:$0x3FB5]  }
0x2f: {  	lr =	sadd.s32 s0, s3;
	s0 =	sld [smem:$0x3FAC]  }
0x30: {  	s3 =	sld [smem:$0x3FAF]  }
0x31: {  	[smem:$0x3FB8] =	sst s10  }
0x32: {  	s10 =	sld [smem:$0x3FB6];
	_ =	sdelay $0x3  }
0x33: {  	p0 =	seq.s32 s10, $0x1;
	s10 =	sld [smem:$0x3FB8];
	_ =	sdelay $0x3  }
0x34: {  	[smem:$0x3FB8] =	sst s10  }
0x35: {  	s10 =	sld [smem:$0x3FB7];
	_ =	sdelay $0x3  }
0x36: {  	p1 =	seq.s32 s10, $0x1;
	s10 =	sld [smem:$0x3FB8];
	_ =	sdelay $0x3  }
0x37: {  	[smem:$0x3FB8] =	sst s10  }
0x38: {  	s10 =	sld [smem:$0x3FB9]  }
0x39: {  	_ = 	snop;
	(pc) =	sbr.ind lr, $3  }
0x3a: {  	_ = 	snop  }
0x3b: {  	_ = 	snop  }
0x3c: {  	p2 =	seq.s32 s10, $0x1;
	s10 =	sld [smem:$0x3FB8]  }
0x3d: {  	_ =	shalt  }
0x3e: {  	_ =	shalt  }
0x3f: {  	_ =	shalt  }
0x40: {  	_ =	shalt  }
0x41: {  	_ =	shalt  }
0x42: {  	_ =	shalt  }
0x43: {  	_ =	shalt  }
0x44: {  	_ =	shalt  }
0x45: {  	_ =	shalt  }
0x46: {  	_ =	shalt  }
0x47: {  	_ =	shalt  }
0x48: {  	_ =	shalt  }
0x49: {  	_ =	shalt  }
0x4a: {  	_ =	shalt  }
0x4b: {  	_ =	shalt  }
0x4c: {  	_ =	shalt  }
0x4d: {  	_ =	shalt  }
0x4e: {  	_ =	shalt  }
0x4f: {  	_ =	shalt  }
0x50: {  	_ =	shalt  }
0x51: {  	_ =	shalt  }
0x52: {  	_ =	shalt  }
0x53: {  	_ =	shalt  }
0x54: {  	_ =	shalt  }
0x55: {  	_ =	shalt  }
0x56: {  	_ =	shalt  }
0x57: {  	_ =	shalt  }
0x58: {  	_ =	shalt  }
0x59: {  	_ =	shalt  }
0x5a: {  	_ =	shalt  }
0x5b: {  	_ =	shalt  }
0x5c: {  	_ =	shalt  }
0x5d: {  	_ =	shalt  }
0x5e: {  	_ =	shalt  }
0x5f: {  	_ =	shalt  }
0x60: {  	_ =	shalt  }
0x61: {  	_ =	shalt  }
0x62: {  	_ =	shalt  }
0x63: {  	_ =	shalt  }
0x64: {  	_ =	shalt  }
0x65: {  	_ =	shalt  }
0x66: {  	_ =	shalt  }
0x67: {  	_ =	shalt  }
0x68: {  	_ =	shalt  }
0x69: {  	_ =	shalt  }
0x6a: {  	_ =	shalt  }
0x6b: {  	_ =	shalt  }
0x6c: {  	_ =	shalt  }
0x6d: {  	_ =	shalt  }
0x6e: {  	_ =	shalt  }
0x6f: {  	_ =	shalt  }
0x70: {  	_ =	shalt  }
0x71: {  	_ =	shalt  }
0x72: {  	_ =	shalt  }
0x73: {  	_ =	shalt  }
0x74: {  	_ =	shalt  }
0x75: {  	_ =	shalt  }
0x76: {  	_ =	shalt  }
0x77: {  	_ =	shalt  }
0x78: {  	_ =	shalt  }
0x79: {  	_ =	shalt  }
0x7a: {  	_ =	shalt  }
0x7b: {  	_ =	shalt  }
0x7c: {  	_ =	shalt  }
0x7d: {  	_ =	shalt  }
0x7e: {  	_ =	shalt  }
0x7f: {  	_ =	shalt  }
0x80: {  	_ =	shalt  }
0x81: {  	_ =	shalt  }
0x82: {  	_ =	shalt  }
0x83: {  	_ =	shalt  }
0x84: {  	_ =	shalt  }
0x85: {  	_ =	shalt  }
0x86: {  	_ =	shalt  }
0x87: {  	_ =	shalt  }
.Lfunc_end0:
.L_simem_size_0:
called_computation_lowered:
.L_overlay_start_0:
0x88: {  	s2 =	sld [smem:$0x3FD9]  }
0x89: {  	s3 =	sld [smem:$0x3FFE];
	_ =	sdelay $0x1  }
0x8a: {  	s1 =	srdreg.scid  }
0x8b: {  	s0 =	sand.u32 $0x1, s1  }
0x8c: {  	s16 =	sshll.u32 s0, $0xA;
	s2 =	sadd.s32 s3, s2  }
0x8d: {  	s2 =	sadd.s32 s2, s16  }
0x8e: {  	[smem:$0x3FC4] =	sst s2  }
0x8f: {  	_ = 	snop  }
0x90: {  	(tm) =	ssettm $0x1  }
0x91: {  	s17 =	sld [smem:$0x3FFB];
	_ =	sdelay $0x3  }
0x92: {  	_ =	strace s17  }
0x93: {  	s2 =	sld [smem:$0x3FFC];
	_ =	sdelay $0x3  }
0x94: {  	_ =	strace s2  }
0x95: {  	s2 =	sld [smem:$0x3FFD];
	_ =	sdelay $0x3  }
0x96: {  	_ =	strace s2  }
0x97: {  	_ =	strace $0x8FFFFFFF  }
0x98: {  	s18 =	sld [smem:$0x3FDB];
	_ =	sdelay $0x1  }
0x99: {  	s19 =	simm.s32 $_scs_section_size  }
0x9a: {  	s4 =	simm.s32 $_size__tile_overlayer_lowered;
	s5 =	simm.s32 $_tile_overlayer_lowered  }
0x9b: {  	s22 =	simm.s32 $0x1BFF;
	s21 =	sshll.u32 s5, $0x1;
	s2 =	sadd.s32 s19, s18  }
0x9c: {  	s6 =	simm.s32 $0x0;
	s20 =	sshll.u32 s4, $0x1;
	s4 =	sadd.s32 s21, s2  }
0x9d: {  	[timem:s6], [sflag:s22] =	dma.local [hbm:s4], s20  }
0x9e: {  	_ =	swait.ge [sflag:s22], s20  }
0x9f: {  	s3 =	ssub.s32 $0x0, s20;
	[sflag:s22] =	ssyncset.done $0x0  }
0xa0: {  	[sflag:s22] =	ssyncadd.s32 s3;
	_ =	sdelay $0x1  }
0xa1: {  	s23 =	simm.s32 $0x1B8B  }
0xa2: {  	_ =	swait.ge [sflag:s23], $0x1  }
0xa3: {  	[sflag:s23] =	ssyncset.done $0x0  }
0xa4: {  	s25 =	simm.s32 $0x1B8E;
	s24 =	sld [smem:$0x3FFE];
	[sflag:s23] =	ssyncadd.s32 $0xFFFFFFFF  }
0xa5: {  	s26 =	simm.s32 $execute0_lowered;
	[smem:$0x3FD2] =	sst s25  }
0xa6: {  	s4 =	sshll.u32 s26, $0x1;
	_ =	strace $0x80000046;
	[dreg:$0x1] =	wrdreg $0xFFFFFFFF  }
0xa7: {  	s28 =	simm.s32 $_size_execute0_lowered;
	s2 =	sadd.s32 s2, s4;
	[dreg:$0x0] =	wrdreg $0x0  }
0xa8: {  	s4 =	sshll.u32 s28, $0x1;
	[dreg:$0x2] =	wrdreg s2  }
0xa9: {  	[dreg:$0x3] =	wrdreg s4  }
0xaa: {  	[dreg:$0x4] =	wrdreg $0xC0  }
0xab: {  	_ =	task [dreg:s6], $0x5FFFF  }
0xac: {  	[dreg:$0x1] =	wrdreg $0xFFFFFFFF  }
0xad: {  	[dreg:$0x0] =	wrdreg $0x60  }
0xae: {  	[dreg:$0x2] =	wrdreg s24  }
0xaf: {  	[dreg:$0x3] =	wrdreg $0x9  }
0xb0: {  	_ =	task.clear_ibuf [dreg:s6], $0x4FFFF;
	_ =	strace $0x90000046  }
0xb1: {  	s29 =	simm.s32 $0x9;
	_ =	strace $0x80000048  }
0xb2: {  	_ =	swait.ge [sflag:s29], $0x1  }
0xb3: {  	[sflag:s29] =	ssyncadd.s32 $0xFFFFFFFF  }
0xb4: {  	_ =	strace $0x90000048  }
0xb5: {  	_ =	sfence  }
0xb6: {  	s30 =	sld [smem:$0x0];
	_ =	sdelay $0x2  }
0xb7: {  	s31 =	sshll.u32 s1, $0xD;
	s1 =	sshrl.u32 s1, $0x2  }
0xb8: {  	s3 =	sand.u32 $0x4000, s31;
	s1 =	sadd.s32 s1, s30  }
0xb9: {  	s0 =	sor.u32 s3, s0;
	s1 =	sshll.u32 s1, $0x11  }
0xba: {  	s0 =	sor.u32 s1, s0  }
0xbb: {  	s0 =	sadd.s32 $0x8F2B, s0  }
0xbc: {  	[sflag:s0] =	ssyncadd.remote.s32 $0x1  }
0xbd: {  	_ =	sfence.sel $0xFFFF  }
0xbe: {  	[dreg:$0x0] =	wrdreg $0xFFFFFFFF;
	(pc) =	sbr.abs _section_cstart, $3  }
0xbf: {  	[dreg:$0x1] =	wrdreg $0xFFFFFFFF  }
0xc0: {  	_ =	task.clear_ibuf [dreg:s6], $0x2FFFF;
	_ =	strace $0x9FFFFFFF  }
0xc1: {  	(tm) =	ssettm $0x7FFFFFFF  }
tec
execute0_lowered:
.L_overlay_start_1:
0x0: {  	(tag) =	ssettag $0x1  }
0x1: {  	s1 =	srdreg.scid;
	s0 =	stileid.u32  }
0x2: {  	s3 =	rddreg [dreg:$0x0];
	v0 =	vimm.s32 $0xFEDCBA98;
	s2 =	simm.s32 $0x0;
	s8 =	simm.s32 $0x0  }
0x3: {  	v1 =	vimm.s32 $0x76543210;
	s4 =	sand.u32 $0x1, s1;
	s5 =	sshll.u32 s0, $0x1;
	s1 =	rddreg [dreg:$0x1];
	v0 =	vunpack.c.l.s4.s8 v0  }
0x4: {  	[smem:$0x7FF] =	sst s2;
	v1 =	vunpack.c.l.s4.s8 v1;
	s5 =	sor.u32 s4, s5;
	s4 =	ssub.s32 $0x2, s4  }
0x5: {  	s6 =	smul.u32 $0xC80, s5;
	s5 =	sshll.u32 s5, $0xC;
	s7 =	sshrl.u32 s4, $0x1;
	v0 =	vunpack.c.0.s8.s32 v0  }
0x6: {  	_ =	strace $0x80000047;
	v1 =	vunpack.c.0.s8.s32 v1;
	s5 =	sadd.s32 s5, s3;
	s7 =	ssub.s32 s4, s7  }
0x7: {  	s6 =	sadd.s32 s6, s3;
	s3 =	sadd.s32 $0xC00, s5;
	s5 =	smax.u32 s7, $0x1;
	v0 =	vand.u32 $0xF, v0  }
0x8: {  	vm0 =	vmmov $0xff;
	s7 =	simm.s32 $0x8000;
	s4 =	sadd.s32 $0x20C00, s6;
	s6 =	simm.s32 $0x1;
	v0 =	vcombine.low v0, v1  }
.LBB2_1:
0x9: {  	[tilespmem:s2], [sflag:$0x1] =	stream.linear.gather [hbm4b:s3+s2], $0x8000, $0x38;
	[tilespmem:$0xE400] =	vst v63  }
0xa: {  	_ =	swait.ge [sflag:s6], $0x8000  }
0xb: {  	s9 =	sand.u32 $0x7800, s2;
	s10 =	sand.u32 $0x380, s2;
	[sflag:s6] =	ssyncset.done $0x0  }
0xc: {  	s10 =	sor.u32 s10, s9;
	[sflag:s6] =	ssyncadd.s32 $0xFFFF8000  }
0xd: {  	v1 =	vld [tilespmem:s10+$0x0];
	_ =	sdelay $0x3  }
0xe: {  	s9 =	simm.s32 $0x8060  }
0xf: {  	[tilespmem:s9+$0xFFFFFFA0] =	vst v1  }
0x10: {  	v1 =	vld [tilespmem:s10+$0x10];
	_ =	sdelay $0x4  }
0x11: {  	[tilespmem:s9+$0xFFFFFFB0] =	vst v1  }
0x12: {  	v1 =	vld [tilespmem:s10+$0x20];
	_ =	sdelay $0x4  }
0x13: {  	[tilespmem:s9+$0xFFFFFFC0] =	vst v1  }
0x14: {  	v1 =	vld [tilespmem:s10+$0x30];
	_ =	sdelay $0x4  }
0x15: {  	[tilespmem:s9+$0xFFFFFFD0] =	vst v1  }
0x16: {  	v1 =	vld [tilespmem:s10+$0x40];
	_ =	sdelay $0x4  }
0x17: {  	[tilespmem:s9+$0xFFFFFFE0] =	vst v1  }
0x18: {  	v1 =	vld [tilespmem:s10+$0x50];
	_ =	sdelay $0x4  }
0x19: {  	[tilespmem:s9+$0xFFFFFFF0] =	vst v1  }
0x1a: {  	v1 =	vld [tilespmem:s10+$0x60];
	_ =	sdelay $0x4  }
0x1b: {  	[tilespmem:s9+$0x0] =	vst v1  }
0x1c: {  	v1 =	vld [tilespmem:s10+$0x70];
	_ =	sdelay $0x4  }
0x1d: {  	[tilespmem:s9+$0x10] =	vst v1  }
0x1e: {  	v1 =	vld [tilespmem:s10+$0x400];
	_ =	sdelay $0x3  }
0x1f: {  	s11 =	sand.u32 $0x7FF8, s2  }
0x20: {  	[tilespmem:s11+$0x8080] =	vst v1  }
0x21: {  	v1 =	vld [tilespmem:s10+$0x410];
	_ =	sdelay $0x4  }
0x22: {  	[tilespmem:s9+$0x30] =	vst v1  }
0x23: {  	v1 =	vld [tilespmem:s10+$0x420];
	_ =	sdelay $0x4  }
0x24: {  	[tilespmem:s9+$0x40] =	vst v1  }
0x25: {  	v1 =	vld [tilespmem:s10+$0x430];
	_ =	sdelay $0x4  }
0x26: {  	s10 =	sor.u32 $0x440, s10;
	[tilespmem:s9+$0x50] =	vst v1  }
0x27: {  	v2 =	vld.msk [tilespmem:s10+$0x0], $0xff;
	_ =	sdelay $0x4  }
0x28: {  	v1 =	vperm.xlane v1, v0;
	v2 =	vperm.xlane v2, v0  }
0x29: {  	s31 =	simm.s32 $0x100;
	s12 =	simm.s32 $0x200;
	s11 =	simm.s32 $0x80  }
0x2a: {  	s13 =	sand.u32 $0x7800, s31;
	s14 =	sand.u32 $0x380, s11;
	s10 =	simm.s32 $0x0;
	v1 =	vsel vm0, v1, v2  }
.LBB2_2:
0x2b: {  	p0 =	sne.s32 s12, $0x7F00;
	s13 =	sor.u32 s14, s13;
	[tilespmem:s9+$0x58] =	vst v1  }
0x2c: {  	v1 =	vld [tilespmem:s13+$0x0];
	_ =	sdelay $0x3  }
0x2d: {  	s9 =	sadd.s32 $0xC8, s9  }
0x2e: {  	[tilespmem:s9+$0xFFFFFFA0] =	vst v1  }
0x2f: {  	v1 =	vld [tilespmem:s13+$0x10];
	_ =	sdelay $0x4  }
0x30: {  	[tilespmem:s9+$0xFFFFFFB0] =	vst v1  }
0x31: {  	v1 =	vld [tilespmem:s13+$0x20];
	_ =	sdelay $0x4  }
0x32: {  	[tilespmem:s9+$0xFFFFFFC0] =	vst v1  }
0x33: {  	v1 =	vld [tilespmem:s13+$0x30];
	_ =	sdelay $0x4  }
0x34: {  	[tilespmem:s9+$0xFFFFFFD0] =	vst v1  }
0x35: {  	v1 =	vld [tilespmem:s13+$0x40];
	_ =	sdelay $0x4  }
0x36: {  	[tilespmem:s9+$0xFFFFFFE0] =	vst v1  }
0x37: {  	v1 =	vld [tilespmem:s13+$0x50];
	_ =	sdelay $0x4  }
0x38: {  	[tilespmem:s9+$0xFFFFFFF0] =	vst v1  }
0x39: {  	v1 =	vld [tilespmem:s13+$0x60];
	_ =	sdelay $0x4  }
0x3a: {  	[tilespmem:s9+$0x0] =	vst v1  }
0x3b: {  	v1 =	vld [tilespmem:s13+$0x70];
	_ =	sdelay $0x4  }
0x3c: {  	[tilespmem:s9+$0x10] =	vst v1  }
0x3d: {  	v1 =	vld [tilespmem:s13+$0x400];
	_ =	sdelay $0x2  }
0x3e: {  	s10 =	sadd.s32 $0xC8, s10  }
0x3f: {  	s14 =	sand.u32 $0x7FF8, s10  }
0x40: {  	[tilespmem:s14+$0x8080] =	vst v1  }
0x41: {  	v1 =	vld [tilespmem:s13+$0x410];
	_ =	sdelay $0x4  }
0x42: {  	[tilespmem:s9+$0x30] =	vst v1  }
0x43: {  	v1 =	vld [tilespmem:s13+$0x420];
	_ =	sdelay $0x4  }
0x44: {  	[tilespmem:s9+$0x40] =	vst v1  }
0x45: {  	v1 =	vld [tilespmem:s13+$0x430];
	_ =	sdelay $0x4  }
0x46: {  	s13 =	sor.u32 $0x440, s13;
	[tilespmem:s9+$0x50] =	vst v1  }
0x47: {  	v2 =	vld.msk [tilespmem:s13+$0x0], $0xff;
	_ =	sdelay $0x2  }
.Ltmp0:
0x48: {  	(pc) =	sbr.rel @p0 .LBB2_2-.Ltmp0, $4  }
0x49: {  	_ = 	snop  }
0x4a: {  	v1 =	vperm.xlane v1, v0;
	v2 =	vperm.xlane v2, v0  }
0x4b: {  	s11 =	sadd.s32 $0x80, s11  }
0x4c: {  	s14 =	sand.u32 $0x380, s11;
	s13 =	sand.u32 $0x7800, s12;
	s12 =	sadd.s32 $0x100, s12;
	v1 =	vsel vm0, v1, v2  }
0x4d: {  	s11 =	sor.u32 s14, s13;
	[tilespmem:s9+$0x58] =	vst v1  }
0x4e: {  	v1 =	vld [tilespmem:s11+$0x0];
	_ =	sdelay $0x3  }
0x4f: {  	s30 =	sadd.s32 $0xC8, s9  }
0x50: {  	[tilespmem:s30+$0xFFFFFFA0] =	vst v1  }
0x51: {  	v1 =	vld [tilespmem:s11+$0x10];
	_ =	sdelay $0x4  }
0x52: {  	[tilespmem:s30+$0xFFFFFFB0] =	vst v1  }
0x53: {  	v1 =	vld [tilespmem:s11+$0x20];
	_ =	sdelay $0x4  }
0x54: {  	[tilespmem:s30+$0xFFFFFFC0] =	vst v1  }
0x55: {  	v1 =	vld [tilespmem:s11+$0x30];
	_ =	sdelay $0x4  }
0x56: {  	[tilespmem:s30+$0xFFFFFFD0] =	vst v1  }
0x57: {  	v1 =	vld [tilespmem:s11+$0x40];
	_ =	sdelay $0x4  }
0x58: {  	[tilespmem:s30+$0xFFFFFFE0] =	vst v1  }
0x59: {  	v1 =	vld [tilespmem:s11+$0x50];
	_ =	sdelay $0x4  }
0x5a: {  	[tilespmem:s30+$0xFFFFFFF0] =	vst v1  }
0x5b: {  	v1 =	vld [tilespmem:s11+$0x60];
	_ =	sdelay $0x4  }
0x5c: {  	[tilespmem:s30+$0x0] =	vst v1  }
0x5d: {  	v1 =	vld [tilespmem:s11+$0x70];
	_ =	sdelay $0x4  }
0x5e: {  	[tilespmem:s30+$0x10] =	vst v1  }
0x5f: {  	v1 =	vld [tilespmem:s11+$0x400];
	_ =	sdelay $0x2  }
0x60: {  	s10 =	sadd.s32 $0xC8, s10  }
0x61: {  	s10 =	sand.u32 $0x7FF8, s10  }
0x62: {  	[tilespmem:s10+$0x8080] =	vst v1  }
0x63: {  	v1 =	vld [tilespmem:s11+$0x410];
	_ =	sdelay $0x4  }
0x64: {  	[tilespmem:s30+$0x30] =	vst v1  }
0x65: {  	v1 =	vld [tilespmem:s11+$0x420];
	_ =	sdelay $0x4  }
0x66: {  	[tilespmem:s30+$0x40] =	vst v1  }
0x67: {  	v1 =	vld [tilespmem:s11+$0x430];
	_ =	sdelay $0x4  }
0x68: {  	s31 =	sor.u32 $0x440, s11;
	[tilespmem:s30+$0x50] =	vst v1  }
0x69: {  	v2 =	vld.msk [tilespmem:s31+$0x0], $0xff;
	_ =	sdelay $0x4  }
0x6a: {  	v1 =	vperm.xlane v1, v0;
	v2 =	vperm.xlane v2, v0  }
0x6b: {  	s8 =	sadd.s32 $0x1, s8  }
0x6c: {  	p0 =	sne.s32 s8, s5;
	v1 =	vsel vm0, v1, v2  }
.Ltmp1:
0x6d: {  	[tilespmem:s30+$0x58] =	vst v1;
	(pc) =	sbr.rel @p0 .LBB2_1-.Ltmp1, $4  }
0x6e: {  	[hbm4b:s4+s2] =	stream.linear.scatter [tilespmem:s7], [sflag:$0x1], $0x6400, $0x38;
	[tilespmem:$0xE400] =	vst v63  }
0x6f: {  	_ =	swait.ge [sflag:s6], $0x6400  }
0x70: {  	[sflag:s6] =	ssyncset.done $0x0  }
0x71: {  	[sflag:s6] =	ssyncadd.s32 $0xFFFF9C00  }
0x72: {  	_ =	sfence.sel $0x180000  }
0x73: {  	[bflag:$0x0] =	sbarrier.arrive $0xFFFF  }
0x74: {  	p0 =	sne.s32 s0, $0x0;
	_ =	strace $0x90000047  }
0x75: {  	s0 =	sadd.s32 @!p0 $0x100000, s1;
	[bflag:$0x2] =	sbarrier.arrive $0xFFFF  }
0x76: {  	[sflag:s0] =	ssyncadd.tile.s32 @!p0 $0x1;
	_ =	shalt  }
.Lfunc_end2:
_tile_overlayer_lowered:
.L_overlay_start_2:
0x77: {  	(tag) =	ssettag $0x2  }
0x78: {  	s0 =	rddreg [dreg:$0x0];
	s2 =	stileid.u32  }
0x79: {  	s1 =	rddreg [dreg:$0x1];
	p0 =	sne.s32 s2, $0x0  }
0x7a: {  	s3 =	rddreg [dreg:$0x2];
	[bflag:$0x3] =	sbarrier.arrive $0xFFFF;
	s2 =	simm.s32 @!p0 $0x1C01  }
0x7b: {  	[timem:s3], [sflag:s2] =	dma.local @!p0 [hbm:s0], s1  }
0x7c: {  	s0 =	simm.s32 @!p0 $0x1  }
0x7d: {  	_ =	swait.ge @!p0 [sflag:s0], s1  }
0x7e: {  	s1 =	ssub.s32 @!p0 $0x0, s1;
	[sflag:s0] =	ssyncset.done @!p0 $0x0  }
0x7f: {  	[sflag:s0] =	ssyncadd.s32 @!p0 s1  }
0x80: {  	[bflag:$0x3] =	sbarrier.arrive $0xFFFF  }
0x81: {  	_ =	shalt  }

// kernel: kernel.8.cloned.1.call-start
scs
__scs_entry_jumppad:
0x0: {  	(pc) =	sbr.rel $0x88, $3  }
0x1: {  	(tag) =	ssettag $0x0;
	lr =	simm.s32 $0x1  }
0x2: {  	[smem:$0x3F9D] =	sst lr;
	_ =	strace $0xD0000000  }
0x3: {  	_ = 	snop  }
0x4: {  	_ = 	snop  }
0x5: {  	_ = 	snop  }
0x6: {  	_ = 	snop  }
0x7: {  	_ = 	snop  }
__scs_overlays_trampoline_lowered:
0x8: {  	[smem:$0x3FAC] =	sst s0  }
0x9: {  	[smem:$0x3FAD] =	sst s1  }
0xa: {  	[smem:$0x3FAE] =	sst s2  }
0xb: {  	[smem:$0x3FAF] =	sst s3  }
0xc: {  	[smem:$0x3FB0] =	sst s4  }
0xd: {  	[smem:$0x3FB1] =	sst s5  }
0xe: {  	[smem:$0x3FB2] =	sst s6  }
0xf: {  	[smem:$0x3FB3] =	sst s7  }
0x10: {  	[smem:$0x3FB4] =	sst s8  }
0x11: {  	[smem:$0x3FB5] =	sst s9;
	s0 =	simm.s32 @!p0 $0x0  }
0x12: {  	s1 =	sld [smem:$0x3F9B];
	s0 =	simm.s32 @p0 $0x1  }
0x13: {  	[smem:$0x3FB6] =	sst s0;
	s0 =	simm.s32 @!p1 $0x0  }
0x14: {  	s2 =	sld [smem:$0x3F9A];
	s0 =	simm.s32 @p1 $0x1  }
0x15: {  	[smem:$0x3FB7] =	sst s0;
	s0 =	simm.s32 @!p2 $0x0  }
0x16: {  	s3 =	sld [smem:$0x3FDB];
	s0 =	simm.s32 @p2 $0x1  }
0x17: {  	s4 =	simm.s32 $0x1BF5;
	[smem:$0x3FB9] =	sst s0  }
0x18: {  	s0 =	sld [smem:$0x3F9C];
	_ =	swait.ge [sflag:s4], $0x0  }
0x19: {  	s7 =	sld [smem:$0x3F9D]  }
0x1a: {  	s8 =	sadd.s32 $0xFFFFE003, lr  }
0x1b: {  	s9 =	sadd.s32 $0xFFFFFEF7, lr;
	s5 =	simm.s32 $0xFFFFFFFF;
	p2 =	slt.u32 s8, $0xFFFFF086  }
0x1c: {  	p1 =	slt.u32 s9, $0xF7A;
	s5 =	simm.s32 @!p2 $0x0  }
0x1d: {  	s5 =	simm.s32 @p1 $0x1;
	p0 =	seq.s32 s7, s2  }
0x1e: {  	s7 =	smul.u32 @!p0 $0xF7A, s2;
	p2 =	seq.s32 @!p0 s5, $0x0  }
0x1f: {  	s9 =	smul.u32 $0xF7A, s1;
	s8 =	simm.s32 @!p0 $0x1BF5;
	p2 =	por !p2, p0  }
0x20: {  	[sflag:s8] =	ssyncset.s32 @!p0 $0xFFFFF086;
	s6 =	sadd.s32 @!p0 s3, s7;
	s7 =	simm.s32 @!p0 $0x108  }
0x21: {  	s3 =	sadd.s32 s3, s9;
	s6 =	sadd.s32 @!p0 $0x88, s6;
	s7 =	simm.s32 @p2 $0x1082  }
0x22: {  	[simem:s7], [sflag:s8] =	dma.local @!p0 [hbm:s6], $0xF7A  }
0x23: {  	s9 =	sor.u32 $0xD0000000, s2;
	s6 =	simm.s32 $0x108;
	_ =	swait.ge @!p0 [sflag:s8], $0x0  }
0x24: {  	s3 =	sadd.s32 $0x88, s3;
	s6 =	simm.s32 @!p1 $0x1082;
	[sflag:s4] =	ssyncset.s32 $0xFFFFF086  }
0x25: {  	[simem:s6], [sflag:s4] =	dma.local [hbm:s3], $0xF7A  }
0x26: {  	[smem:$0x3F9D] =	sst s1;
	(tag) =	ssettag s2;
	_ =	strace s9  }
0x27: {  	s1 =	sld [smem:$0x3FAD]  }
0x28: {  	s2 =	sld [smem:$0x3FAE]  }
0x29: {  	s4 =	sld [smem:$0x3FB0]  }
0x2a: {  	p0 =	seq.s32 s5, $0x0;
	s5 =	sld [smem:$0x3FB1]  }
0x2b: {  	s6 =	sld [smem:$0x3FB2]  }
0x2c: {  	s7 =	sld [smem:$0x3FB3]  }
0x2d: {  	s3 =	simm.s32 $0x108;
	s8 =	sld [smem:$0x3FB4]  }
0x2e: {  	s3 =	simm.s32 @!p0 $0x1082;
	s9 =	sld [smem:$0x3FB5]  }
0x2f: {  	lr =	sadd.s32 s0, s3;
	s0 =	sld [smem:$0x3FAC]  }
0x30: {  	s3 =	sld [smem:$0x3FAF]  }
0x31: {  	[smem:$0x3FB8] =	sst s10  }
0x32: {  	s10 =	sld [smem:$0x3FB6];
	_ =	sdelay $0x3  }
0x33: {  	p0 =	seq.s32 s10, $0x1;
	s10 =	sld [smem:$0x3FB8];
	_ =	sdelay $0x3  }
0x34: {  	[smem:$0x3FB8] =	sst s10  }
0x35: {  	s10 =	sld [smem:$0x3FB7];
	_ =	sdelay $0x3  }
0x36: {  	p1 =	seq.s32 s10, $0x1;
	s10 =	sld [smem:$0x3FB8];
	_ =	sdelay $0x3  }
0x37: {  	[smem:$0x3FB8] =	sst s10  }
0x38: {  	s10 =	sld [smem:$0x3FB9]  }
0x39: {  	_ = 	snop;
	(pc) =	sbr.ind lr, $3  }
0x3a: {  	_ = 	snop  }
0x3b: {  	_ = 	snop  }
0x3c: {  	p2 =	seq.s32 s10, $0x1;
	s10 =	sld [smem:$0x3FB8]  }
0x3d: {  	_ =	shalt  }
0x3e: {  	_ =	shalt  }
0x3f: {  	_ =	shalt  }
0x40: {  	_ =	shalt  }
0x41: {  	_ =	shalt  }
0x42: {  	_ =	shalt  }
0x43: {  	_ =	shalt  }
0x44: {  	_ =	shalt  }
0x45: {  	_ =	shalt  }
0x46: {  	_ =	shalt  }
0x47: {  	_ =	shalt  }
0x48: {  	_ =	shalt  }
0x49: {  	_ =	shalt  }
0x4a: {  	_ =	shalt  }
0x4b: {  	_ =	shalt  }
0x4c: {  	_ =	shalt  }
0x4d: {  	_ =	shalt  }
0x4e: {  	_ =	shalt  }
0x4f: {  	_ =	shalt  }
0x50: {  	_ =	shalt  }
0x51: {  	_ =	shalt  }
0x52: {  	_ =	shalt  }
0x53: {  	_ =	shalt  }
0x54: {  	_ =	shalt  }
0x55: {  	_ =	shalt  }
0x56: {  	_ =	shalt  }
0x57: {  	_ =	shalt  }
0x58: {  	_ =	shalt  }
0x59: {  	_ =	shalt  }
0x5a: {  	_ =	shalt  }
0x5b: {  	_ =	shalt  }
0x5c: {  	_ =	shalt  }
0x5d: {  	_ =	shalt  }
0x5e: {  	_ =	shalt  }
0x5f: {  	_ =	shalt  }
0x60: {  	_ =	shalt  }
0x61: {  	_ =	shalt  }
0x62: {  	_ =	shalt  }
0x63: {  	_ =	shalt  }
0x64: {  	_ =	shalt  }
0x65: {  	_ =	shalt  }
0x66: {  	_ =	shalt  }
0x67: {  	_ =	shalt  }
0x68: {  	_ =	shalt  }
0x69: {  	_ =	shalt  }
0x6a: {  	_ =	shalt  }
0x6b: {  	_ =	shalt  }
0x6c: {  	_ =	shalt  }
0x6d: {  	_ =	shalt  }
0x6e: {  	_ =	shalt  }
0x6f: {  	_ =	shalt  }
0x70: {  	_ =	shalt  }
0x71: {  	_ =	shalt  }
0x72: {  	_ =	shalt  }
0x73: {  	_ =	shalt  }
0x74: {  	_ =	shalt  }
0x75: {  	_ =	shalt  }
0x76: {  	_ =	shalt  }
0x77: {  	_ =	shalt  }
0x78: {  	_ =	shalt  }
0x79: {  	_ =	shalt  }
0x7a: {  	_ =	shalt  }
0x7b: {  	_ =	shalt  }
0x7c: {  	_ =	shalt  }
0x7d: {  	_ =	shalt  }
0x7e: {  	_ =	shalt  }
0x7f: {  	_ =	shalt  }
0x80: {  	_ =	shalt  }
0x81: {  	_ =	shalt  }
0x82: {  	_ =	shalt  }
0x83: {  	_ =	shalt  }
0x84: {  	_ =	shalt  }
0x85: {  	_ =	shalt  }
0x86: {  	_ =	shalt  }
0x87: {  	_ =	shalt  }
.Lfunc_end0:
.L_simem_size_0:
called_computation.1_lowered:
.L_overlay_start_0:
0x88: {  	s2 =	sld [smem:$0x3FD9]  }
0x89: {  	s3 =	sld [smem:$0x3FFE];
	_ =	sdelay $0x1  }
0x8a: {  	s1 =	srdreg.scid  }
0x8b: {  	s0 =	sand.u32 $0x1, s1  }
0x8c: {  	s17 =	sshll.u32 s0, $0xA;
	s2 =	sadd.s32 s3, s2  }
0x8d: {  	s2 =	sadd.s32 s2, s17  }
0x8e: {  	[smem:$0x3FC4] =	sst s2  }
0x8f: {  	_ = 	snop  }
0x90: {  	s2 =	sld [smem:$0x3FD0];
	(tm) =	ssettm $0x1  }
0x91: {  	s18 =	sld [smem:$0x3FFB];
	_ =	sdelay $0x3  }
0x92: {  	_ =	strace s18  }
0x93: {  	s3 =	sld [smem:$0x3FFC];
	_ =	sdelay $0x3  }
0x94: {  	_ =	strace s3  }
0x95: {  	s3 =	sld [smem:$0x3FFD];
	_ =	sdelay $0x3  }
0x96: {  	_ =	strace s3  }
0x97: {  	_ =	strace $0x8FFFFFFF  }
0x98: {  	s19 =	sld [smem:$0x3FDB];
	_ =	sdelay $0x1  }
0x99: {  	s4 =	simm.s32 $_scs_section_size  }
0x9a: {  	s5 =	simm.s32 $_size__tile_overlayer_lowered;
	s6 =	simm.s32 $_tile_overlayer_lowered  }
0x9b: {  	s22 =	simm.s32 $0x1BFF;
	s21 =	sshll.u32 s6, $0x1;
	s3 =	sadd.s32 s4, s19  }
0x9c: {  	s7 =	simm.s32 $0x0;
	s20 =	sshll.u32 s5, $0x1;
	s5 =	sadd.s32 s21, s3  }
0x9d: {  	[timem:s7], [sflag:s22] =	dma.local [hbm:s5], s20  }
0x9e: {  	_ =	swait.ge [sflag:s22], s20  }
0x9f: {  	s4 =	ssub.s32 $0x0, s20;
	[sflag:s22] =	ssyncset.done $0x0  }
0xa0: {  	[sflag:s22] =	ssyncadd.s32 s4;
	_ =	sdelay $0x1  }
0xa1: {  	s23 =	simm.s32 $0x1B8B  }
0xa2: {  	_ =	swait.ge [sflag:s23], $0x1  }
0xa3: {  	[sflag:s23] =	ssyncset.done $0x0  }
0xa4: {  	s25 =	simm.s32 $0x1B8E;
	s24 =	sld [smem:$0x3FFE];
	[sflag:s23] =	ssyncadd.s32 $0xFFFFFFFF  }
0xa5: {  	s26 =	simm.s32 $execute0_lowered;
	[smem:$0x3FD2] =	sst s25  }
0xa6: {  	s5 =	sshll.u32 s26, $0x1;
	_ =	strace $0x80000049;
	[dreg:$0x1] =	wrdreg $0xFFFFFFFF  }
0xa7: {  	s28 =	simm.s32 $_size_execute0_lowered;
	s3 =	sadd.s32 s3, s5;
	[dreg:$0x0] =	wrdreg $0x0  }
0xa8: {  	s5 =	sshll.u32 s28, $0x1;
	[dreg:$0x2] =	wrdreg s3  }
0xa9: {  	[dreg:$0x3] =	wrdreg s5  }
0xaa: {  	[dreg:$0x4] =	wrdreg $0xC0  }
0xab: {  	_ =	task [dreg:s7], $0x5FFFF  }
0xac: {  	[dreg:$0x1] =	wrdreg $0xFFFFFFFF  }
0xad: {  	[dreg:$0x0] =	wrdreg $0x60  }
0xae: {  	[dreg:$0x2] =	wrdreg s24  }
0xaf: {  	[dreg:$0x3] =	wrdreg s2  }
0xb0: {  	[dreg:$0x4] =	wrdreg $0x9  }
0xb1: {  	_ =	task.clear_ibuf [dreg:s7], $0x5FFFF;
	_ =	strace $0x90000049  }
0xb2: {  	s29 =	simm.s32 $0x9;
	_ =	strace $0x8000004B  }
0xb3: {  	_ =	swait.ge [sflag:s29], $0x1  }
0xb4: {  	[sflag:s29] =	ssyncadd.s32 $0xFFFFFFFF  }
0xb5: {  	_ =	strace $0x9000004B  }
0xb6: {  	_ =	sfence  }
0xb7: {  	s30 =	sld [smem:$0x0];
	_ =	sdelay $0x2  }
0xb8: {  	s31 =	sshll.u32 s1, $0xD;
	s1 =	sshrl.u32 s1, $0x2  }
0xb9: {  	s3 =	sand.u32 $0x4000, s31;
	s1 =	sadd.s32 s1, s30  }
0xba: {  	s0 =	sor.u32 s3, s0;
	s1 =	sshll.u32 s1, $0x11  }
0xbb: {  	s0 =	sor.u32 s1, s0  }
0xbc: {  	s0 =	sadd.s32 $0x8F2B, s0  }
0xbd: {  	[sflag:s0] =	ssyncadd.remote.s32 $0x1  }
0xbe: {  	_ =	sfence.sel $0xFFFF  }
0xbf: {  	[dreg:$0x0] =	wrdreg $0xFFFFFFFF;
	(pc) =	sbr.abs _section_cstart, $3  }
0xc0: {  	[dreg:$0x1] =	wrdreg $0xFFFFFFFF  }
0xc1: {  	_ =	task.clear_ibuf [dreg:s7], $0x2FFFF;
	_ =	strace $0x9FFFFFFF  }
0xc2: {  	(tm) =	ssettm $0x7FFFFFFF  }
0xc3: {  	_ =	shalt  }
tec
execute0_lowered:
.L_overlay_start_1:
0x0: {  	(tag) =	ssettag $0x1  }
0x1: {  	s0 =	srdreg.scid  }
0x2: {  	s2 =	stileid.u32;
	s1 =	rddreg [dreg:$0x0]  }
0x3: {  	s5 =	rddreg [dreg:$0x1];
	s8 =	simm.s32 $0x80;
	s10 =	simm.s32 $0x48  }
0x4: {  	s12 =	simm.s32 $0xC8;
	s13 =	simm.s32 $0x9600;
	s14 =	simm.s32 $0x148  }
0x5: {  	s15 =	simm.s32 $0xB600;
	s16 =	simm.s32 $0x190;
	s17 =	simm.s32 $0xC800  }
0x6: {  	s18 =	simm.s32 $0x210;
	s19 =	simm.s32 $0xE800;
	s20 =	simm.s32 $0xFA00  }
0x7: {  	s21 =	simm.s32 $0x11A00;
	s22 =	simm.s32 $0x1;
	s23 =	simm.s32 $0x2  }
0x8: {  	s24 =	simm.s32 $0x3;
	s25 =	simm.s32 $0x4;
	s26 =	simm.s32 $0x12C00  }
0x9: {  	s28 =	simm.s32 $0x0;
	s0 =	sand.u32 $0x1, s0;
	s2 =	sshll.u32 s2, $0x1  }
0xa: {  	s4 =	sor.u32 s0, s2;
	s2 =	simm.s32 $0x0;
	s0 =	ssub.s32 $0x2, s0  }
0xb: {  	s3 =	smul.u32 $0xC80, s4;
	[smem:$0x7FF] =	sst s2;
	s7 =	sshrl.u32 s0, $0x1  }
0xc: {  	s31 =	sshll.u32 s4, $0xA;
	_ =	strace $0x8000004A;
	s0 =	ssub.s32 s0, s7  }
0xd: {  	s5 =	sadd.s32 s5, s31;
	s7 =	simm.s32 $0x5;
	s6 =	sadd.s32 s3, s1  }
0xe: {  	s3 =	sadd.s32 $0xF7C000, s1;
	s4 =	sadd.s32 $0x20C00, s6;
	s6 =	smax.u32 s0, $0x1  }
.LBB2_1:
0xf: {  	[tilespmem:s2], [sflag:$0x5] =	stream.linear.gather [hbm4b:s4+s2], $0x6400, $0x38;
	[tilespmem:$0x14C00] =	vst v63  }
0x10: {  	_ =	swait.ge [sflag:s7], $0x6400  }
0x11: {  	[sflag:s7] =	ssyncset.done $0x0  }
0x12: {  	s0 =	simm.s32 $0x6400;
	[sflag:s7] =	ssyncadd.s32 $0xFFFF9C00  }
0x13: {  	[tilespmem:s0], [sflag:$0x1] =	stream.indirect.gather [hbm4b:s3+s8], $0x40, s2, s8, $0xb8;
	[tilespmem:$0x14C00] =	vst v63  }
0x14: {  	s31 =	simm.s32 $0x8400  }
0x15: {  	[tilespmem:s31], [sflag:$0x1] =	stream.indirect.gather [hbm4b:s3+s10], $0x40, s8, s10, $0xb8;
	[tilespmem:$0x14C00] =	vst v63  }
0x16: {  	_ = 	snop  }
0x17: {  	[tilespmem:s13], [sflag:$0x2] =	stream.indirect.gather [hbm4b:s3+s8], $0x40, s12, s8, $0xb8;
	[tilespmem:$0x14C00] =	vst v63  }
0x18: {  	_ = 	snop  }
0x19: {  	[tilespmem:s15], [sflag:$0x2] =	stream.indirect.gather [hbm4b:s3+s10], $0x40, s14, s10, $0xb8;
	[tilespmem:$0x14C00] =	vst v63  }
0x1a: {  	_ = 	snop  }
0x1b: {  	[tilespmem:s17], [sflag:$0x3] =	stream.indirect.gather [hbm4b:s3+s8], $0x40, s16, s8, $0xb8;
	[tilespmem:$0x14C00] =	vst v63  }
0x1c: {  	s29 =	simm.s32 $0x0  }
0x1d: {  	[tilespmem:s19], [sflag:$0x3] =	stream.indirect.gather [hbm4b:s3+s10], $0x40, s18, s10, $0xb8;
	[tilespmem:$0x14C00] =	vst v63  }
.LBB2_2:
0x1e: {  	s30 =	sshllo.u32 s29, $0x2  }
0x1f: {  	s0 =	smul.u32 $0x320, s30;
	_ =	sdelay $0x1  }
0x20: {  	s0 =	sshra.s32 s0, $0x2  }
0x21: {  	[tilespmem:s20], [sflag:$0x4] =	stream.indirect.gather [hbm4b:s3+s8], $0x40, s0, s8, $0xb8;
	[tilespmem:$0x14C00] =	vst v63  }
0x22: {  	s0 =	sadd.s32 $0x80, s0  }
0x23: {  	[tilespmem:s21], [sflag:$0x4] =	stream.indirect.gather [hbm4b:s3+s10], $0x40, s0, s10, $0xb8;
	[tilespmem:$0x14C00] =	vst v63  }
0x24: {  	_ =	swait.ge [sflag:s22], $0x2000  }
0x25: {  	[sflag:s22] =	ssyncset.done $0x0  }
0x26: {  	[sflag:s22] =	ssyncadd.s32 $0xFFFFE000  }
0x27: {  	_ =	swait.ge [sflag:s22], $0x1200  }
0x28: {  	[sflag:s22] =	ssyncset.done $0x0  }
0x29: {  	s1 =	simm.s32 $0x0;
	[sflag:s22] =	ssyncadd.s32 $0xFFFFEE00  }
0x2a: {  	v0 =	vld [tilespmem:s1+$0x65C0]  }
0x2b: {  	v1 =	vld [tilespmem:s1+$0x65D0]  }
0x2c: {  	v2 =	vld [tilespmem:s1+$0x6580]  }
0x2d: {  	v3 =	vld [tilespmem:s1+$0x6590]  }
0x2e: {  	v4 =	vld [tilespmem:s1+$0x6540]  }
0x2f: {  	v5 =	vld [tilespmem:s1+$0x6550]  }
0x30: {  	v6 =	vld [tilespmem:s1+$0x6500]  }
0x31: {  	v7 =	vld [tilespmem:s1+$0x6510]  }
0x32: {  	v9 =	vld [tilespmem:s1+$0x64C0]  }
0x33: {  	v8 =	vld [tilespmem:s1+$0x64D0]  }
0x34: {  	v11 =	vld [tilespmem:s1+$0x6480]  }
0x35: {  	v10 =	vld [tilespmem:s1+$0x6490]  }
0x36: {  	v17 =	vld [tilespmem:s1+$0x6440]  }
0x37: {  	v16 =	vld [tilespmem:s1+$0x6450]  }
0x38: {  	v19 =	vld [tilespmem:s1+$0x6400]  }
0x39: {  	v12 =	vimm.f32 $0.0e+00;
	v20 =	vld [tilespmem:s1+$0x6410]  }
0x3a: {  	v15 =	vimm.f32 $0.0e+00;
	v14 =	vimm.f32 $0.0e+00;
	v13 =	vimm.f32 $0.0e+00;
	s0 =	simm.s32 $0x800;
	v18 =	vld [tilespmem:s1+$0x6420]  }
.LBB2_3:
0x3b: {  	p0 =	sne.s32 s0, $0xC000;
	v21 =	vld [tilespmem:s1+$0x6430]  }
0x3c: {  	v22 =	vld [tilespmem:s1+$0x6460]  }
0x3d: {  	v23 =	vld [tilespmem:s1+$0x6470]  }
0x3e: {  	v24 =	vld [tilespmem:s1+$0x64A0]  }
0x3f: {  	v12 =	vadd.f32 v19, v12;
	v15 =	vadd.f32 v20, v15;
	v19 =	vld [tilespmem:s1+$0x64B0]  }
0x40: {  	v14 =	vadd.f32 v18, v14;
	v13 =	vadd.f32 v21, v13;
	v18 =	vld [tilespmem:s1+$0x64E0]  }
0x41: {  	v12 =	vadd.f32 v17, v12;
	v15 =	vadd.f32 v16, v15;
	v16 =	vld [tilespmem:s1+$0x64F0]  }
0x42: {  	v14 =	vadd.f32 v22, v14;
	v13 =	vadd.f32 v23, v13;
	v17 =	vld [tilespmem:s1+$0x6520]  }
0x43: {  	v11 =	vadd.f32 v11, v12;
	v10 =	vadd.f32 v10, v15;
	v12 =	vld [tilespmem:s1+$0x6530]  }
0x44: {  	v14 =	vadd.f32 v24, v14;
	v13 =	vadd.f32 v19, v13;
	v15 =	vld [tilespmem:s1+$0x6560]  }
0x45: {  	v9 =	vadd.f32 v9, v11;
	v8 =	vadd.f32 v8, v10;
	v10 =	vld [tilespmem:s1+$0x6570]  }
0x46: {  	v11 =	vadd.f32 v18, v14;
	v13 =	vadd.f32 v16, v13;
	v14 =	vld [tilespmem:s1+$0x65A0]  }
0x47: {  	v6 =	vadd.f32 v6, v9;
	v7 =	vadd.f32 v7, v8;
	v8 =	vld [tilespmem:s1+$0x65B0]  }
0x48: {  	v9 =	vadd.f32 v17, v11;
	v11 =	vadd.f32 v12, v13;
	v13 =	vld [tilespmem:s1+$0x65E0]  }
0x49: {  	v4 =	vadd.f32 v4, v6;
	v5 =	vadd.f32 v5, v7;
	v6 =	vld [tilespmem:s1+$0x65F0];
	s1 =	sshra.s32 s0, $0x2  }
0x4a: {  	v9 =	vadd.f32 v15, v9;
	v7 =	vld [tilespmem:s1+$0x65C0];
	v10 =	vadd.f32 v10, v11  }
0x4b: {  	v4 =	vadd.f32 v2, v4;
	v5 =	vadd.f32 v3, v5;
	v11 =	vld [tilespmem:s1+$0x65D0]  }
0x4c: {  	v9 =	vadd.f32 v14, v9;
	v2 =	vld [tilespmem:s1+$0x6580];
	v8 =	vadd.f32 v8, v10  }
0x4d: {  	v12 =	vadd.f32 v0, v4;
	v15 =	vadd.f32 v1, v5;
	v3 =	vld [tilespmem:s1+$0x6590]  }
0x4e: {  	v14 =	vadd.f32 v13, v9;
	v4 =	vld [tilespmem:s1+$0x6540];
	v13 =	vadd.f32 v6, v8  }
0x4f: {  	v5 =	vld [tilespmem:s1+$0x6550];
	v0 =	vmov v7  }
0x50: {  	v6 =	vld [tilespmem:s1+$0x6500];
	v1 =	vmov v11  }
0x51: {  	v7 =	vld [tilespmem:s1+$0x6510]  }
0x52: {  	v9 =	vld [tilespmem:s1+$0x64C0]  }
0x53: {  	v8 =	vld [tilespmem:s1+$0x64D0]  }
0x54: {  	v11 =	vld [tilespmem:s1+$0x6480]  }
0x55: {  	v10 =	vld [tilespmem:s1+$0x6490]  }
.Ltmp0:
0x56: {  	v17 =	vld [tilespmem:s1+$0x6440];
	(pc) =	sbr.rel @p0 .LBB2_3-.Ltmp0, $4  }
0x57: {  	v16 =	vld [tilespmem:s1+$0x6450]  }
0x58: {  	v19 =	vld [tilespmem:s1+$0x6400]  }
0x59: {  	v20 =	vld [tilespmem:s1+$0x6410]  }
0x5a: {  	s0 =	sadd.s32 $0x800, s0;
	v18 =	vld [tilespmem:s1+$0x6420]  }
0x5b: {  	v21 =	vld [tilespmem:s1+$0x6430]  }
0x5c: {  	v22 =	vld [tilespmem:s1+$0x6460]  }
0x5d: {  	v23 =	vld [tilespmem:s1+$0x6470];
	v12 =	vadd.f32 v19, v12  }
0x5e: {  	v19 =	vld [tilespmem:s1+$0x64A0];
	v15 =	vadd.f32 v20, v15  }
0x5f: {  	v20 =	vld [tilespmem:s1+$0x64B0];
	v14 =	vadd.f32 v18, v14;
	v12 =	vadd.f32 v17, v12  }
0x60: {  	v17 =	vld [tilespmem:s1+$0x64E0];
	v13 =	vadd.f32 v21, v13;
	v15 =	vadd.f32 v16, v15  }
0x61: {  	v16 =	vld [tilespmem:s1+$0x64F0];
	v14 =	vadd.f32 v22, v14;
	v11 =	vadd.f32 v11, v12  }
0x62: {  	v12 =	vadd.f32 v23, v13;
	v13 =	vld [tilespmem:s1+$0x6520];
	v10 =	vadd.f32 v10, v15  }
0x63: {  	v15 =	vld [tilespmem:s1+$0x6530];
	v14 =	vadd.f32 v19, v14;
	v9 =	vadd.f32 v9, v11  }
0x64: {  	v11 =	vadd.f32 v20, v12;
	v12 =	vld [tilespmem:s1+$0x6560];
	v8 =	vadd.f32 v8, v10  }
0x65: {  	v10 =	vld [tilespmem:s1+$0x6570];
	v14 =	vadd.f32 v17, v14;
	v6 =	vadd.f32 v6, v9  }
0x66: {  	v9 =	vadd.f32 v16, v11;
	v11 =	vld [tilespmem:s1+$0x65A0];
	v7 =	vadd.f32 v7, v8  }
0x67: {  	v8 =	vld [tilespmem:s1+$0x65B0];
	v13 =	vadd.f32 v13, v14;
	v4 =	vadd.f32 v4, v6  }
0x68: {  	v6 =	vadd.f32 v15, v9;
	v9 =	vld [tilespmem:s1+$0x65E0];
	v5 =	vadd.f32 v5, v7  }
0x69: {  	v7 =	vld [tilespmem:s1+$0x65F0];
	v12 =	vadd.f32 v12, v13;
	v2 =	vadd.f32 v2, v4  }
0x6a: {  	v4 =	vadd.f32 v10, v6;
	v3 =	vadd.f32 v3, v5  }
0x6b: {  	s0 =	sshll.u32 s29, $0x8;
	v5 =	vadd.f32 v11, v12;
	v0 =	vadd.f32 v0, v2  }
0x6c: {  	p0 =	seq.s32 s29, $0x1F;
	s31 =	sand.u32 $0x3FFFFF00, s0;
	v2 =	vadd.f32 v8, v4;
	v1 =	vadd.f32 v1, v3  }
0x6d: {  	s0 =	smul.u32 @!p0 $0xC80, s29;
	v3 =	vadd.f32 v9, v5;
	[tilespmem:s31+$0x12C00] =	vst v0  }
0x6e: {  	v0 =	vadd.f32 v7, v2;
	[tilespmem:s31+$0x12C10] =	vst v1  }
0x6f: {  	s1 =	sshra.s32 @!p0 s0, $0x2;
	[tilespmem:s31+$0x12C20] =	vst v3  }
0x70: {  	s9 =	simm.s32 @!p0 $0x80;
	s11 =	simm.s32 @!p0 $0x6400;
	s0 =	sadd.s32 @!p0 $0x320, s1;
	[tilespmem:s31+$0x12C30] =	vst v0  }
0x71: {  	[tilespmem:s11], [sflag:$0x1] =	stream.indirect.gather @!p0 [hbm4b:s3+s9], $0x40, s0, s9, $0xb8;
	[tilespmem:$0x14C00] =	vst v63  }
0x72: {  	s0 =	sadd.s32 @!p0 $0x3A0, s1;
	s9 =	simm.s32 @!p0 $0x48;
	s11 =	simm.s32 @!p0 $0x8400  }
0x73: {  	[tilespmem:s11], [sflag:$0x1] =	stream.indirect.gather @!p0 [hbm4b:s3+s9], $0x40, s0, s9, $0xb8;
	[tilespmem:$0x14C00] =	vst v63  }
0x74: {  	_ =	swait.ge [sflag:s23], $0x2000  }
0x75: {  	[sflag:s23] =	ssyncset.done $0x0  }
0x76: {  	[sflag:s23] =	ssyncadd.s32 $0xFFFFE000  }
0x77: {  	_ =	swait.ge [sflag:s23], $0x1200  }
0x78: {  	[sflag:s23] =	ssyncset.done $0x0  }
0x79: {  	s0 =	simm.s32 $0x0;
	[sflag:s23] =	ssyncadd.s32 $0xFFFFEE00  }
0x7a: {  	v0 =	vld [tilespmem:s0+$0x97C0]  }
0x7b: {  	v1 =	vld [tilespmem:s0+$0x97D0]  }
0x7c: {  	v2 =	vld [tilespmem:s0+$0x9780]  }
0x7d: {  	v3 =	vld [tilespmem:s0+$0x9790]  }
0x7e: {  	v4 =	vld [tilespmem:s0+$0x9740]  }
0x7f: {  	v5 =	vld [tilespmem:s0+$0x9750]  }
0x80: {  	v6 =	vld [tilespmem:s0+$0x9700]  }
0x81: {  	v7 =	vld [tilespmem:s0+$0x9710]  }
0x82: {  	v9 =	vld [tilespmem:s0+$0x96C0]  }
0x83: {  	v8 =	vld [tilespmem:s0+$0x96D0]  }
0x84: {  	v11 =	vld [tilespmem:s0+$0x9680]  }
0x85: {  	v10 =	vld [tilespmem:s0+$0x9690]  }
0x86: {  	v17 =	vld [tilespmem:s0+$0x9640]  }
0x87: {  	v16 =	vld [tilespmem:s0+$0x9650]  }
0x88: {  	v19 =	vld [tilespmem:s0+$0x9600]  }
0x89: {  	v14 =	vimm.f32 $0.0e+00;
	v20 =	vld [tilespmem:s0+$0x9610]  }
0x8a: {  	v15 =	vimm.f32 $0.0e+00;
	v13 =	vimm.f32 $0.0e+00;
	v12 =	vimm.f32 $0.0e+00;
	s9 =	simm.s32 $0x800;
	v18 =	vld [tilespmem:s0+$0x9620]  }
.LBB2_5:
0x8b: {  	p1 =	sne.s32 s9, $0xC000;
	v21 =	vld [tilespmem:s0+$0x9630]  }
0x8c: {  	v22 =	vld [tilespmem:s0+$0x9660]  }
0x8d: {  	v23 =	vld [tilespmem:s0+$0x9670]  }
0x8e: {  	v24 =	vld [tilespmem:s0+$0x96A0]  }
0x8f: {  	v12 =	vadd.f32 v19, v12;
	v15 =	vadd.f32 v20, v15;
	v19 =	vld [tilespmem:s0+$0x96B0]  }
0x90: {  	v14 =	vadd.f32 v18, v14;
	v13 =	vadd.f32 v21, v13;
	v18 =	vld [tilespmem:s0+$0x96E0]  }
0x91: {  	v12 =	vadd.f32 v17, v12;
	v15 =	vadd.f32 v16, v15;
	v16 =	vld [tilespmem:s0+$0x96F0]  }
0x92: {  	v14 =	vadd.f32 v22, v14;
	v13 =	vadd.f32 v23, v13;
	v17 =	vld [tilespmem:s0+$0x9720]  }
0x93: {  	v11 =	vadd.f32 v11, v12;
	v10 =	vadd.f32 v10, v15;
	v12 =	vld [tilespmem:s0+$0x9730]  }
0x94: {  	v14 =	vadd.f32 v24, v14;
	v13 =	vadd.f32 v19, v13;
	v15 =	vld [tilespmem:s0+$0x9760]  }
0x95: {  	v9 =	vadd.f32 v9, v11;
	v8 =	vadd.f32 v8, v10;
	v10 =	vld [tilespmem:s0+$0x9770]  }
0x96: {  	v11 =	vadd.f32 v18, v14;
	v13 =	vadd.f32 v16, v13;
	v14 =	vld [tilespmem:s0+$0x97A0]  }
0x97: {  	v6 =	vadd.f32 v6, v9;
	v7 =	vadd.f32 v7, v8;
	v8 =	vld [tilespmem:s0+$0x97B0]  }
0x98: {  	v9 =	vadd.f32 v17, v11;
	v11 =	vadd.f32 v12, v13;
	v13 =	vld [tilespmem:s0+$0x97E0]  }
0x99: {  	v4 =	vadd.f32 v4, v6;
	v5 =	vadd.f32 v5, v7;
	v6 =	vld [tilespmem:s0+$0x97F0];
	s0 =	sshra.s32 s9, $0x2  }
0x9a: {  	v9 =	vadd.f32 v15, v9;
	v7 =	vld [tilespmem:s0+$0x97C0];
	v10 =	vadd.f32 v10, v11  }
0x9b: {  	v4 =	vadd.f32 v2, v4;
	v5 =	vadd.f32 v3, v5;
	v11 =	vld [tilespmem:s0+$0x97D0]  }
0x9c: {  	v9 =	vadd.f32 v14, v9;
	v2 =	vld [tilespmem:s0+$0x9780];
	v8 =	vadd.f32 v8, v10  }
0x9d: {  	v12 =	vadd.f32 v0, v4;
	v15 =	vadd.f32 v1, v5;
	v3 =	vld [tilespmem:s0+$0x9790]  }
0x9e: {  	v14 =	vadd.f32 v13, v9;
	v4 =	vld [tilespmem:s0+$0x9740];
	v13 =	vadd.f32 v6, v8  }
0x9f: {  	v5 =	vld [tilespmem:s0+$0x9750];
	v0 =	vmov v7  }
0xa0: {  	v6 =	vld [tilespmem:s0+$0x9700];
	v1 =	vmov v11  }
0xa1: {  	v7 =	vld [tilespmem:s0+$0x9710]  }
0xa2: {  	v9 =	vld [tilespmem:s0+$0x96C0]  }
0xa3: {  	v8 =	vld [tilespmem:s0+$0x96D0]  }
0xa4: {  	v11 =	vld [tilespmem:s0+$0x9680]  }
0xa5: {  	v10 =	vld [tilespmem:s0+$0x9690]  }
.Ltmp1:
0xa6: {  	v17 =	vld [tilespmem:s0+$0x9640];
	(pc) =	sbr.rel @p1 .LBB2_5-.Ltmp1, $4  }
0xa7: {  	v16 =	vld [tilespmem:s0+$0x9650]  }
0xa8: {  	v19 =	vld [tilespmem:s0+$0x9600]  }
0xa9: {  	v20 =	vld [tilespmem:s0+$0x9610]  }
0xaa: {  	s9 =	sadd.s32 $0x800, s9;
	v18 =	vld [tilespmem:s0+$0x9620]  }
0xab: {  	v21 =	vld [tilespmem:s0+$0x9630]  }
0xac: {  	v22 =	vld [tilespmem:s0+$0x9660]  }
0xad: {  	v23 =	vld [tilespmem:s0+$0x9670];
	v12 =	vadd.f32 v19, v12  }
0xae: {  	v19 =	vld [tilespmem:s0+$0x96A0];
	v15 =	vadd.f32 v20, v15  }
0xaf: {  	v20 =	vld [tilespmem:s0+$0x96B0];
	v14 =	vadd.f32 v18, v14;
	v12 =	vadd.f32 v17, v12  }
0xb0: {  	v17 =	vld [tilespmem:s0+$0x96E0];
	v13 =	vadd.f32 v21, v13;
	v15 =	vadd.f32 v16, v15  }
0xb1: {  	v16 =	vld [tilespmem:s0+$0x96F0];
	v14 =	vadd.f32 v22, v14;
	v11 =	vadd.f32 v11, v12  }
0xb2: {  	v12 =	vadd.f32 v23, v13;
	v13 =	vld [tilespmem:s0+$0x9720];
	v10 =	vadd.f32 v10, v15  }
0xb3: {  	v15 =	vld [tilespmem:s0+$0x9730];
	v14 =	vadd.f32 v19, v14;
	v9 =	vadd.f32 v9, v11  }
0xb4: {  	v11 =	vadd.f32 v20, v12;
	v12 =	vld [tilespmem:s0+$0x9760];
	v8 =	vadd.f32 v8, v10  }
0xb5: {  	v10 =	vld [tilespmem:s0+$0x9770];
	v14 =	vadd.f32 v17, v14;
	v6 =	vadd.f32 v6, v9  }
0xb6: {  	v9 =	vadd.f32 v16, v11;
	v11 =	vld [tilespmem:s0+$0x97A0];
	v7 =	vadd.f32 v7, v8  }
0xb7: {  	v8 =	vld [tilespmem:s0+$0x97B0];
	v13 =	vadd.f32 v13, v14;
	v4 =	vadd.f32 v4, v6  }
0xb8: {  	v6 =	vadd.f32 v15, v9;
	v9 =	vld [tilespmem:s0+$0x97E0];
	v5 =	vadd.f32 v5, v7  }
0xb9: {  	v7 =	vld [tilespmem:s0+$0x97F0];
	v12 =	vadd.f32 v12, v13;
	v2 =	vadd.f32 v2, v4  }
0xba: {  	v4 =	vadd.f32 v10, v6;
	v3 =	vadd.f32 v3, v5  }
0xbb: {  	v5 =	vadd.f32 v11, v12;
	v0 =	vadd.f32 v0, v2  }
0xbc: {  	v2 =	vadd.f32 v8, v4;
	v1 =	vadd.f32 v1, v3  }
0xbd: {  	v3 =	vadd.f32 v9, v5;
	[tilespmem:s31+$0x12C40] =	vst v0  }
0xbe: {  	v0 =	vadd.f32 v7, v2;
	[tilespmem:s31+$0x12C50] =	vst v1  }
0xbf: {  	[tilespmem:s31+$0x12C60] =	vst v3  }
0xc0: {  	s9 =	simm.s32 @!p0 $0x80;
	s11 =	simm.s32 @!p0 $0x9600;
	s0 =	sadd.s32 @!p0 $0x3E8, s1;
	[tilespmem:s31+$0x12C70] =	vst v0  }
0xc1: {  	[tilespmem:s11], [sflag:$0x2] =	stream.indirect.gather @!p0 [hbm4b:s3+s9], $0x40, s0, s9, $0xb8;
	[tilespmem:$0x14C00] =	vst v63  }
0xc2: {  	s0 =	sadd.s32 @!p0 $0x468, s1;
	s9 =	simm.s32 @!p0 $0x48;
	s11 =	simm.s32 @!p0 $0xB600  }
0xc3: {  	[tilespmem:s11], [sflag:$0x2] =	stream.indirect.gather @!p0 [hbm4b:s3+s9], $0x40, s0, s9, $0xb8;
	[tilespmem:$0x14C00] =	vst v63  }
0xc4: {  	_ =	swait.ge [sflag:s24], $0x2000  }
0xc5: {  	[sflag:s24] =	ssyncset.done $0x0  }
0xc6: {  	[sflag:s24] =	ssyncadd.s32 $0xFFFFE000  }
0xc7: {  	_ =	swait.ge [sflag:s24], $0x1200  }
0xc8: {  	[sflag:s24] =	ssyncset.done $0x0  }
0xc9: {  	s0 =	simm.s32 $0x0;
	[sflag:s24] =	ssyncadd.s32 $0xFFFFEE00  }
0xca: {  	v0 =	vld [tilespmem:s0+$0xC9C0]  }
0xcb: {  	v1 =	vld [tilespmem:s0+$0xC9D0]  }
0xcc: {  	v2 =	vld [tilespmem:s0+$0xC980]  }
0xcd: {  	v3 =	vld [tilespmem:s0+$0xC990]  }
0xce: {  	v4 =	vld [tilespmem:s0+$0xC940]  }
0xcf: {  	v5 =	vld [tilespmem:s0+$0xC950]  }
0xd0: {  	v6 =	vld [tilespmem:s0+$0xC900]  }
0xd1: {  	v7 =	vld [tilespmem:s0+$0xC910]  }
0xd2: {  	v9 =	vld [tilespmem:s0+$0xC8C0]  }
0xd3: {  	v8 =	vld [tilespmem:s0+$0xC8D0]  }
0xd4: {  	v11 =	vld [tilespmem:s0+$0xC880]  }
0xd5: {  	v10 =	vld [tilespmem:s0+$0xC890]  }
0xd6: {  	v17 =	vld [tilespmem:s0+$0xC840]  }
0xd7: {  	v16 =	vld [tilespmem:s0+$0xC850]  }
0xd8: {  	v19 =	vld [tilespmem:s0+$0xC800]  }
0xd9: {  	v14 =	vimm.f32 $0.0e+00;
	v20 =	vld [tilespmem:s0+$0xC810]  }
0xda: {  	v15 =	vimm.f32 $0.0e+00;
	v13 =	vimm.f32 $0.0e+00;
	v12 =	vimm.f32 $0.0e+00;
	s9 =	simm.s32 $0x800;
	v18 =	vld [tilespmem:s0+$0xC820]  }
.LBB2_7:
0xdb: {  	p1 =	sne.s32 s9, $0xC000;
	v21 =	vld [tilespmem:s0+$0xC830]  }
0xdc: {  	v22 =	vld [tilespmem:s0+$0xC860]  }
0xdd: {  	v23 =	vld [tilespmem:s0+$0xC870]  }
0xde: {  	v24 =	vld [tilespmem:s0+$0xC8A0]  }
0xdf: {  	v12 =	vadd.f32 v19, v12;
	v15 =	vadd.f32 v20, v15;
	v19 =	vld [tilespmem:s0+$0xC8B0]  }
0xe0: {  	v14 =	vadd.f32 v18, v14;
	v13 =	vadd.f32 v21, v13;
	v18 =	vld [tilespmem:s0+$0xC8E0]  }
0xe1: {  	v12 =	vadd.f32 v17, v12;
	v15 =	vadd.f32 v16, v15;
	v16 =	vld [tilespmem:s0+$0xC8F0]  }
0xe2: {  	v14 =	vadd.f32 v22, v14;
	v13 =	vadd.f32 v23, v13;
	v17 =	vld [tilespmem:s0+$0xC920]  }
0xe3: {  	v11 =	vadd.f32 v11, v12;
	v10 =	vadd.f32 v10, v15;
	v12 =	vld [tilespmem:s0+$0xC930]  }
0xe4: {  	v14 =	vadd.f32 v24, v14;
	v13 =	vadd.f32 v19, v13;
	v15 =	vld [tilespmem:s0+$0xC960]  }
0xe5: {  	v9 =	vadd.f32 v9, v11;
	v8 =	vadd.f32 v8, v10;
	v10 =	vld [tilespmem:s0+$0xC970]  }
0xe6: {  	v11 =	vadd.f32 v18, v14;
	v13 =	vadd.f32 v16, v13;
	v14 =	vld [tilespmem:s0+$0xC9A0]  }
0xe7: {  	v6 =	vadd.f32 v6, v9;
	v7 =	vadd.f32 v7, v8;
	v8 =	vld [tilespmem:s0+$0xC9B0]  }
0xe8: {  	v9 =	vadd.f32 v17, v11;
	v11 =	vadd.f32 v12, v13;
	v13 =	vld [tilespmem:s0+$0xC9E0]  }
0xe9: {  	v4 =	vadd.f32 v4, v6;
	v5 =	vadd.f32 v5, v7;
	v6 =	vld [tilespmem:s0+$0xC9F0];
	s0 =	sshra.s32 s9, $0x2  }
0xea: {  	v9 =	vadd.f32 v15, v9;
	v7 =	vld [tilespmem:s0+$0xC9C0];
	v10 =	vadd.f32 v10, v11  }
0xeb: {  	v4 =	vadd.f32 v2, v4;
	v5 =	vadd.f32 v3, v5;
	v11 =	vld [tilespmem:s0+$0xC9D0]  }
0xec: {  	v9 =	vadd.f32 v14, v9;
	v2 =	vld [tilespmem:s0+$0xC980];
	v8 =	vadd.f32 v8, v10  }
0xed: {  	v12 =	vadd.f32 v0, v4;
	v15 =	vadd.f32 v1, v5;
	v3 =	vld [tilespmem:s0+$0xC990]  }
0xee: {  	v14 =	vadd.f32 v13, v9;
	v4 =	vld [tilespmem:s0+$0xC940];
	v13 =	vadd.f32 v6, v8  }
0xef: {  	v5 =	vld [tilespmem:s0+$0xC950];
	v0 =	vmov v7  }
0xf0: {  	v6 =	vld [tilespmem:s0+$0xC900];
	v1 =	vmov v11  }
0xf1: {  	v7 =	vld [tilespmem:s0+$0xC910]  }
0xf2: {  	v9 =	vld [tilespmem:s0+$0xC8C0]  }
0xf3: {  	v8 =	vld [tilespmem:s0+$0xC8D0]  }
0xf4: {  	v11 =	vld [tilespmem:s0+$0xC880]  }
0xf5: {  	v10 =	vld [tilespmem:s0+$0xC890]  }
.Ltmp2:
0xf6: {  	v17 =	vld [tilespmem:s0+$0xC840];
	(pc) =	sbr.rel @p1 .LBB2_7-.Ltmp2, $4  }
0xf7: {  	v16 =	vld [tilespmem:s0+$0xC850]  }
0xf8: {  	v19 =	vld [tilespmem:s0+$0xC800]  }
0xf9: {  	v20 =	vld [tilespmem:s0+$0xC810]  }
0xfa: {  	s9 =	sadd.s32 $0x800, s9;
	v18 =	vld [tilespmem:s0+$0xC820]  }
0xfb: {  	v21 =	vld [tilespmem:s0+$0xC830]  }
0xfc: {  	v22 =	vld [tilespmem:s0+$0xC860]  }
0xfd: {  	v23 =	vld [tilespmem:s0+$0xC870];
	v12 =	vadd.f32 v19, v12  }
0xfe: {  	v19 =	vld [tilespmem:s0+$0xC8A0];
	v15 =	vadd.f32 v20, v15  }
0xff: {  	v20 =	vld [tilespmem:s0+$0xC8B0];
	v14 =	vadd.f32 v18, v14;
	v12 =	vadd.f32 v17, v12  }
0x100: {  	v17 =	vld [tilespmem:s0+$0xC8E0];
	v13 =	vadd.f32 v21, v13;
	v15 =	vadd.f32 v16, v15  }
0x101: {  	v16 =	vld [tilespmem:s0+$0xC8F0];
	v14 =	vadd.f32 v22, v14;
	v11 =	vadd.f32 v11, v12  }
0x102: {  	v12 =	vadd.f32 v23, v13;
	v13 =	vld [tilespmem:s0+$0xC920];
	v10 =	vadd.f32 v10, v15  }
0x103: {  	v15 =	vld [tilespmem:s0+$0xC930];
	v14 =	vadd.f32 v19, v14;
	v9 =	vadd.f32 v9, v11  }
0x104: {  	v11 =	vadd.f32 v20, v12;
	v12 =	vld [tilespmem:s0+$0xC960];
	v8 =	vadd.f32 v8, v10  }
0x105: {  	v10 =	vld [tilespmem:s0+$0xC970];
	v14 =	vadd.f32 v17, v14;
	v6 =	vadd.f32 v6, v9  }
0x106: {  	v9 =	vadd.f32 v16, v11;
	v11 =	vld [tilespmem:s0+$0xC9A0];
	v7 =	vadd.f32 v7, v8  }
0x107: {  	v8 =	vld [tilespmem:s0+$0xC9B0];
	v13 =	vadd.f32 v13, v14;
	v4 =	vadd.f32 v4, v6  }
0x108: {  	v6 =	vadd.f32 v15, v9;
	v9 =	vld [tilespmem:s0+$0xC9E0];
	v5 =	vadd.f32 v5, v7  }
0x109: {  	v7 =	vld [tilespmem:s0+$0xC9F0];
	v12 =	vadd.f32 v12, v13;
	v2 =	vadd.f32 v2, v4  }
0x10a: {  	v4 =	vadd.f32 v10, v6;
	v3 =	vadd.f32 v3, v5  }
0x10b: {  	v5 =	vadd.f32 v11, v12;
	v0 =	vadd.f32 v0, v2  }
0x10c: {  	v2 =	vadd.f32 v8, v4;
	v1 =	vadd.f32 v1, v3  }
0x10d: {  	v3 =	vadd.f32 v9, v5;
	[tilespmem:s31+$0x12C80] =	vst v0  }
0x10e: {  	v0 =	vadd.f32 v7, v2;
	[tilespmem:s31+$0x12C90] =	vst v1  }
0x10f: {  	[tilespmem:s31+$0x12CA0] =	vst v3  }
0x110: {  	s9 =	simm.s32 @!p0 $0x80;
	s11 =	simm.s32 @!p0 $0xC800;
	s0 =	sadd.s32 @!p0 $0x4B0, s1;
	[tilespmem:s31+$0x12CB0] =	vst v0  }
0x111: {  	[tilespmem:s11], [sflag:$0x3] =	stream.indirect.gather @!p0 [hbm4b:s3+s9], $0x40, s0, s9, $0xb8;
	[tilespmem:$0x14C00] =	vst v63  }
0x112: {  	s0 =	sadd.s32 @!p0 $0x530, s1;
	s1 =	simm.s32 @!p0 $0x48;
	s9 =	simm.s32 @!p0 $0xE800  }
0x113: {  	[tilespmem:s9], [sflag:$0x3] =	stream.indirect.gather @!p0 [hbm4b:s3+s1], $0x40, s0, s1, $0xb8;
	[tilespmem:$0x14C00] =	vst v63  }
0x114: {  	_ =	swait.ge [sflag:s25], $0x2000  }
0x115: {  	[sflag:s25] =	ssyncset.done $0x0  }
0x116: {  	[sflag:s25] =	ssyncadd.s32 $0xFFFFE000  }
0x117: {  	_ =	swait.ge [sflag:s25], $0x1200  }
0x118: {  	[sflag:s25] =	ssyncset.done $0x0  }
0x119: {  	s0 =	simm.s32 $0x0;
	[sflag:s25] =	ssyncadd.s32 $0xFFFFEE00  }
0x11a: {  	v0 =	vld [tilespmem:s0+$0xFBC0]  }
0x11b: {  	v1 =	vld [tilespmem:s0+$0xFBD0]  }
0x11c: {  	v2 =	vld [tilespmem:s0+$0xFB80]  }
0x11d: {  	v3 =	vld [tilespmem:s0+$0xFB90]  }
0x11e: {  	v4 =	vld [tilespmem:s0+$0xFB40]  }
0x11f: {  	v5 =	vld [tilespmem:s0+$0xFB50]  }
0x120: {  	v6 =	vld [tilespmem:s0+$0xFB00]  }
0x121: {  	v7 =	vld [tilespmem:s0+$0xFB10]  }
0x122: {  	v9 =	vld [tilespmem:s0+$0xFAC0]  }
0x123: {  	v8 =	vld [tilespmem:s0+$0xFAD0]  }
0x124: {  	v11 =	vld [tilespmem:s0+$0xFA80]  }
0x125: {  	v10 =	vld [tilespmem:s0+$0xFA90]  }
0x126: {  	v17 =	vld [tilespmem:s0+$0xFA40]  }
0x127: {  	v16 =	vld [tilespmem:s0+$0xFA50]  }
0x128: {  	v19 =	vld [tilespmem:s0+$0xFA00]  }
0x129: {  	v14 =	vimm.f32 $0.0e+00;
	v20 =	vld [tilespmem:s0+$0xFA10]  }
0x12a: {  	v15 =	vimm.f32 $0.0e+00;
	v13 =	vimm.f32 $0.0e+00;
	v12 =	vimm.f32 $0.0e+00;
	s1 =	simm.s32 $0x800;
	v18 =	vld [tilespmem:s0+$0xFA20]  }
.LBB2_9:
0x12b: {  	p0 =	sne.s32 s1, $0xC000;
	v21 =	vld [tilespmem:s0+$0xFA30]  }
0x12c: {  	v22 =	vld [tilespmem:s0+$0xFA60]  }
0x12d: {  	v23 =	vld [tilespmem:s0+$0xFA70]  }
0x12e: {  	v24 =	vld [tilespmem:s0+$0xFAA0]  }
0x12f: {  	v12 =	vadd.f32 v19, v12;
	v15 =	vadd.f32 v20, v15;
	v19 =	vld [tilespmem:s0+$0xFAB0]  }
0x130: {  	v14 =	vadd.f32 v18, v14;
	v13 =	vadd.f32 v21, v13;
	v18 =	vld [tilespmem:s0+$0xFAE0]  }
0x131: {  	v12 =	vadd.f32 v17, v12;
	v15 =	vadd.f32 v16, v15;
	v16 =	vld [tilespmem:s0+$0xFAF0]  }
0x132: {  	v14 =	vadd.f32 v22, v14;
	v13 =	vadd.f32 v23, v13;
	v17 =	vld [tilespmem:s0+$0xFB20]  }
0x133: {  	v11 =	vadd.f32 v11, v12;
	v10 =	vadd.f32 v10, v15;
	v12 =	vld [tilespmem:s0+$0xFB30]  }
0x134: {  	v14 =	vadd.f32 v24, v14;
	v13 =	vadd.f32 v19, v13;
	v15 =	vld [tilespmem:s0+$0xFB60]  }
0x135: {  	v9 =	vadd.f32 v9, v11;
	v8 =	vadd.f32 v8, v10;
	v10 =	vld [tilespmem:s0+$0xFB70]  }
0x136: {  	v11 =	vadd.f32 v18, v14;
	v13 =	vadd.f32 v16, v13;
	v14 =	vld [tilespmem:s0+$0xFBA0]  }
0x137: {  	v6 =	vadd.f32 v6, v9;
	v7 =	vadd.f32 v7, v8;
	v8 =	vld [tilespmem:s0+$0xFBB0]  }
0x138: {  	v9 =	vadd.f32 v17, v11;
	v11 =	vadd.f32 v12, v13;
	v13 =	vld [tilespmem:s0+$0xFBE0]  }
0x139: {  	v4 =	vadd.f32 v4, v6;
	v5 =	vadd.f32 v5, v7;
	v6 =	vld [tilespmem:s0+$0xFBF0];
	s0 =	sshra.s32 s1, $0x2  }
0x13a: {  	v9 =	vadd.f32 v15, v9;
	v7 =	vld [tilespmem:s0+$0xFBC0];
	v10 =	vadd.f32 v10, v11  }
0x13b: {  	v4 =	vadd.f32 v2, v4;
	v5 =	vadd.f32 v3, v5;
	v11 =	vld [tilespmem:s0+$0xFBD0]  }
0x13c: {  	v9 =	vadd.f32 v14, v9;
	v2 =	vld [tilespmem:s0+$0xFB80];
	v8 =	vadd.f32 v8, v10  }
0x13d: {  	v12 =	vadd.f32 v0, v4;
	v15 =	vadd.f32 v1, v5;
	v3 =	vld [tilespmem:s0+$0xFB90]  }
0x13e: {  	v14 =	vadd.f32 v13, v9;
	v4 =	vld [tilespmem:s0+$0xFB40];
	v13 =	vadd.f32 v6, v8  }
0x13f: {  	v5 =	vld [tilespmem:s0+$0xFB50];
	v0 =	vmov v7  }
0x140: {  	v6 =	vld [tilespmem:s0+$0xFB00];
	v1 =	vmov v11  }
0x141: {  	v7 =	vld [tilespmem:s0+$0xFB10]  }
0x142: {  	v9 =	vld [tilespmem:s0+$0xFAC0]  }
0x143: {  	v8 =	vld [tilespmem:s0+$0xFAD0]  }
0x144: {  	v11 =	vld [tilespmem:s0+$0xFA80]  }
0x145: {  	v10 =	vld [tilespmem:s0+$0xFA90]  }
.Ltmp3:
0x146: {  	v17 =	vld [tilespmem:s0+$0xFA40];
	(pc) =	sbr.rel @p0 .LBB2_9-.Ltmp3, $4  }
0x147: {  	v16 =	vld [tilespmem:s0+$0xFA50]  }
0x148: {  	v19 =	vld [tilespmem:s0+$0xFA00]  }
0x149: {  	v20 =	vld [tilespmem:s0+$0xFA10]  }
0x14a: {  	s1 =	sadd.s32 $0x800, s1;
	v18 =	vld [tilespmem:s0+$0xFA20]  }
0x14b: {  	v21 =	vld [tilespmem:s0+$0xFA30]  }
0x14c: {  	v22 =	vld [tilespmem:s0+$0xFA60]  }
0x14d: {  	v23 =	vld [tilespmem:s0+$0xFA70];
	v12 =	vadd.f32 v19, v12  }
0x14e: {  	v43 =	vld [tilespmem:s0+$0xFAA0];
	v15 =	vadd.f32 v20, v15  }
0x14f: {  	v44 =	vld [tilespmem:s0+$0xFAB0];
	v14 =	vadd.f32 v18, v14;
	v12 =	vadd.f32 v17, v12  }
0x150: {  	v45 =	vld [tilespmem:s0+$0xFAE0];
	v13 =	vadd.f32 v21, v13;
	v15 =	vadd.f32 v16, v15  }
0x151: {  	v46 =	vld [tilespmem:s0+$0xFAF0];
	v14 =	vadd.f32 v22, v14;
	v11 =	vadd.f32 v11, v12  }
0x152: {  	v48 =	vld [tilespmem:s0+$0xFB20];
	v47 =	vadd.f32 v23, v13;
	v10 =	vadd.f32 v10, v15  }
0x153: {  	v49 =	vld [tilespmem:s0+$0xFB30];
	v14 =	vadd.f32 v43, v14;
	v9 =	vadd.f32 v9, v11  }
0x154: {  	v51 =	vld [tilespmem:s0+$0xFB60];
	v50 =	vadd.f32 v44, v47;
	v8 =	vadd.f32 v8, v10  }
0x155: {  	v52 =	vld [tilespmem:s0+$0xFB70];
	v14 =	vadd.f32 v45, v14;
	v6 =	vadd.f32 v6, v9  }
0x156: {  	v54 =	vld [tilespmem:s0+$0xFBA0];
	v53 =	vadd.f32 v46, v50;
	v7 =	vadd.f32 v7, v8  }
0x157: {  	v55 =	vld [tilespmem:s0+$0xFBB0];
	v13 =	vadd.f32 v48, v14;
	v4 =	vadd.f32 v4, v6  }
0x158: {  	v57 =	vld [tilespmem:s0+$0xFBE0];
	v56 =	vadd.f32 v49, v53;
	v5 =	vadd.f32 v5, v7  }
0x159: {  	v58 =	vld [tilespmem:s0+$0xFBF0];
	v12 =	vadd.f32 v51, v13;
	v2 =	vadd.f32 v2, v4  }
0x15a: {  	s29 =	sadd.s32 $0x1, s29;
	v59 =	vadd.f32 v52, v56;
	v3 =	vadd.f32 v3, v5  }
0x15b: {  	s31 =	sshll.u32 s30, $0x6;
	p0 =	sne.s32 s29, $0x20;
	v60 =	vadd.f32 v54, v12;
	v0 =	vadd.f32 v0, v2  }
.Ltmp4:
0x15c: {  	s0 =	sand.u32 $0x3FFFFFC0, s31;
	v61 =	vadd.f32 v55, v59;
	v1 =	vadd.f32 v1, v3;
	(pc) =	sbr.rel @p0 .LBB2_2-.Ltmp4, $4  }
0x15d: {  	v62 =	vadd.f32 v57, v60;
	[tilespmem:s0+$0x12C00] =	vst v0  }
0x15e: {  	v63 =	vadd.f32 v58, v61;
	[tilespmem:s0+$0x12C10] =	vst v1  }
0x15f: {  	[tilespmem:s0+$0x12C20] =	vst v62  }
0x160: {  	[tilespmem:s0+$0x12C30] =	vst v63  }
0x161: {  	s28 =	sadd.s32 $0x1, s28  }
0x162: {  	p0 =	sne.s32 s28, s6  }
.Ltmp5:
0x163: {  	_ = 	snop;
	(pc) =	sbr.rel @p0 .LBB2_1-.Ltmp5, $4  }
0x164: {  	[hbm4b:s5+s2] =	stream.linear.scatter [tilespmem:s26], [sflag:$0x5], $0x2000, $0x38;
	[tilespmem:$0x14C00] =	vst v63  }
0x165: {  	_ =	swait.ge [sflag:s7], $0x2000  }
0x166: {  	[sflag:s7] =	ssyncset.done $0x0  }
0x167: {  	[sflag:s7] =	ssyncadd.s32 $0xFFFFE000  }
0x168: {  	_ =	sfence.sel $0x180000  }
0x169: {  	[bflag:$0x0] =	sbarrier.arrive $0xFFFF  }
0x16a: {  	_ =	strace $0x9000004A  }
0x16b: {  	s0 =	stileid.u32;
	[bflag:$0x2] =	sbarrier.arrive $0xFFFF  }
0x16c: {  	p0 =	sne.s32 s0, $0x0;
	s0 =	rddreg [dreg:$0x2]  }
0x16d: {  	s0 =	sadd.s32 @!p0 $0x100000, s0  }
0x16e: {  	[sflag:s0] =	ssyncadd.tile.s32 @!p0 $0x1;
	_ =	shalt  }
.Lfunc_end2:
_tile_overlayer_lowered:
.L_overlay_start_2:
0x16f: {  	(tag) =	ssettag $0x2  }
0x170: {  	s0 =	rddreg [dreg:$0x0];
	s2 =	stileid.u32  }
0x171: {  	s1 =	rddreg [dreg:$0x1];
	p0 =	sne.s32 s2, $0x0  }
0x172: {  	s3 =	rddreg [dreg:$0x2];
	[bflag:$0x3] =	sbarrier.arrive $0xFFFF;
	s2 =	simm.s32 @!p0 $0x1C05  }
0x173: {  	[timem:s3], [sflag:s2] =	dma.local @!p0 [hbm:s0], s1  }
0x174: {  	s0 =	simm.s32 @!p0 $0x5  }
0x175: {  	_ =	swait.ge @!p0 [sflag:s0], s1  }
0x176: {  	s1 =	ssub.s32 @!p0 $0x0, s1;
	[sflag:s0] =	ssyncset.done @!p0 $0x0  }
0x177: {  	[sflag:s0] =	ssyncadd.s32 @!p0 s1  }
0x178: {  	[bflag:$0x3] =	sbarrier.arrive $0xFFFF  }
0x179: {  	_ =	shalt  }

</sc_bundles>
